<compile_context>
chip_gen: v7x
topology: tpu7x:2x2x1
jax: 0.10.2.dev20260603
libtpu: 0.0.44.dev20260713+nightly
codegen_flags: <defaults>
</compile_context>

<pallas_src>
import functools

import jax
import jax.numpy as jnp
from jax import lax
from jax.experimental import pallas as pl
from jax.experimental.pallas import tpu as pltpu
from jax.experimental.pallas import tpu_sc as plsc

N = 10000
E = 320000
D = 128

NC = 2
NS = 16
NW = NC * NS
EPW = E // NW
C = 40
CH = EPW // C
VPR = D // 16
RPT = 624
TAIL = N - NS * RPT

IA = 5
GA = 3
EA = 2
RI = 8
RG = 4
RE = 3
RM = 2


def _sc_body(x_hbm, src_hbm, dst_hbm, ea_hbm, out_hbm,
             sidx, didx, xr, ea, msg, acc, isem, gsem, esem, ssem):
    cid = lax.axis_index("c")
    sid = lax.axis_index("s")
    wid = cid * NS + sid
    base_e = wid * EPW

    base_r = sid * RPT

    def fire_idx(k):
        s = lax.rem(k, RI)
        pltpu.async_copy(src_hbm.at[pl.ds(base_e + k * C, C)], sidx.at[s],
                         isem.at[s])
        pltpu.async_copy(dst_hbm.at[pl.ds(base_e + k * C, C)], didx.at[s],
                         isem.at[s])

    def wait_idx(k):
        s = lax.rem(k, RI)
        pltpu.make_async_copy(src_hbm.at[pl.ds(base_e, C)], sidx.at[s],
                              isem.at[s]).wait()
        pltpu.make_async_copy(dst_hbm.at[pl.ds(base_e, C)], didx.at[s],
                              isem.at[s]).wait()

    def fire_gather(k):
        s = lax.rem(k, RG)
        pltpu.async_copy(x_hbm.at[sidx.at[lax.rem(k, RI)]], xr.at[s],
                         gsem.at[s])

    def wait_gather(k):
        s = lax.rem(k, RG)
        pltpu.make_async_copy(x_hbm.at[sidx.at[0]], xr.at[s],
                              gsem.at[s]).wait()

    def fire_ea(k):
        s = lax.rem(k, RE)
        pltpu.async_copy(ea_hbm.at[pl.ds(base_e + k * C, C)], ea.at[s],
                         esem.at[s])

    def wait_ea(k):
        s = lax.rem(k, RE)
        pltpu.make_async_copy(ea_hbm.at[pl.ds(base_e, C)], ea.at[s],
                              esem.at[s]).wait()

    def compute(k):
        sg = lax.rem(k, RG)
        se = lax.rem(k, RE)
        sm = lax.rem(k, RM)

        @plsc.parallel_loop(0, C, step=1, unroll=2)
        def _row(r):
            for j in range(VPR):
                sl = pl.ds(j * 16, 16)
                msg[sm, r, sl] = jnp.maximum(
                    xr[sg, r, sl] + ea[se, r, sl], 0.0)

    def fire_scat(k):
        sm = lax.rem(k, RM)
        pltpu.async_copy(msg.at[sm], acc.at[didx.at[lax.rem(k, RI)]],
                         ssem.at[sm], add=True)

    def wait_scat(k):
        sm = lax.rem(k, RM)
        pltpu.make_async_copy(msg.at[sm], acc.at[didx.at[0]],
                              ssem.at[sm]).wait()

    for c0 in range(IA):
        fire_idx(c0)
    for c0 in range(GA):
        wait_idx(c0)
        fire_gather(c0)
    for c0 in range(EA):
        fire_ea(c0)

    z0 = msg.at[0]

    def _zero_row(r, carry):
        for j in range(VPR):
            msg[0, r, pl.ds(j * 16, 16)] = jnp.zeros((16,), jnp.float32)
        return carry
    lax.fori_loop(0, C, _zero_row, 0)
    for t in range(RPT // C):
        pltpu.sync_copy(z0, acc.at[pl.ds(base_r + t * C, C)])
    rem = RPT % C
    if rem:
        pltpu.sync_copy(z0.at[pl.ds(0, rem)],
                        acc.at[pl.ds(base_r + (RPT // C) * C, rem)])

    @pl.when(sid == NS - 1)
    def _zero_tail():
        pltpu.sync_copy(z0.at[pl.ds(0, TAIL)],
                        acc.at[pl.ds(NS * RPT, TAIL)])

    plsc.subcore_barrier()

    def _step(c, carry):
        @pl.when(c + IA < CH)
        def _():
            fire_idx(c + IA)

        @pl.when(c + GA < CH)
        def _():
            wait_idx(c + GA)
            fire_gather(c + GA)

        @pl.when(c + EA < CH)
        def _():
            fire_ea(c + EA)
        wait_gather(c)
        wait_ea(c)

        @pl.when(c >= RM)
        def _():
            wait_scat(c - RM)
        compute(c)
        fire_scat(c)
        return carry

    lax.fori_loop(0, CH, _step, 0)
    wait_scat(CH - 2)
    wait_scat(CH - 1)

    plsc.subcore_barrier()
    pltpu.sync_copy(acc.at[pl.ds(base_r, RPT)],
                    out_hbm.at[cid, pl.ds(base_r, RPT)])

    @pl.when(sid == NS - 1)
    def _copy_tail():
        pltpu.sync_copy(acc.at[pl.ds(NS * RPT, TAIL)],
                        out_hbm.at[cid, pl.ds(NS * RPT, TAIL)])


_sc_aggr = functools.partial(
    pl.kernel,
    out_type=jax.ShapeDtypeStruct((NC, N, D), jnp.float32),
    mesh=plsc.VectorSubcoreMesh(core_axis_name="c", subcore_axis_name="s"),
    scratch_types=[
        pltpu.VMEM((RI, C), jnp.int32),
        pltpu.VMEM((RI, C), jnp.int32),
        pltpu.VMEM((RG, C, D), jnp.float32),
        pltpu.VMEM((RE, C, D), jnp.float32),
        pltpu.VMEM((RM, C, D), jnp.float32),
        pltpu.VMEM_SHARED((N, D), jnp.float32),
        pltpu.SemaphoreType.DMA((RI,)),
        pltpu.SemaphoreType.DMA((RG,)),
        pltpu.SemaphoreType.DMA((RE,)),
        pltpu.SemaphoreType.DMA((RM,)),
    ],
)(_sc_body)


def _tc_body(x_ref, a0_ref, a1_ref, w1_ref, b1_ref, w2_ref, b2_ref,
             g_ref, be_ref, o_ref):
    xb = x_ref[...]
    z = xb + a0_ref[...] + a1_ref[...]
    h1 = jnp.dot(z, w1_ref[...], preferred_element_type=jnp.float32)
    h1 = jnp.maximum(h1 + b1_ref[...], 0.0)
    h = jnp.dot(h1, w2_ref[...], preferred_element_type=jnp.float32)
    h = h + b2_ref[...]
    r = xb + jnp.maximum(h, 0.0)
    m = jnp.mean(r, axis=1, keepdims=True)
    cdev = r - m
    v = jnp.mean(cdev * cdev, axis=1, keepdims=True)
    o_ref[...] = cdev * lax.rsqrt(v + 1e-5) * g_ref[...] + be_ref[...]


BN = 1000


def _tc_mlp_ln(x, a0, a1, w1, b1, w2, b2, gamma, beta):
    row_spec = pl.BlockSpec((BN, D), lambda i: (i, 0))
    full_spec = pl.BlockSpec((D, D), lambda i: (0, 0))
    vec_spec = pl.BlockSpec((1, D), lambda i: (0, 0))
    return pl.pallas_call(
        _tc_body,
        grid=(N // BN,),
        in_specs=[row_spec, row_spec, row_spec, full_spec, vec_spec,
                  full_spec, vec_spec, vec_spec, vec_spec],
        out_specs=row_spec,
        out_shape=jax.ShapeDtypeStruct((N, D), jnp.float32),
    )(x, a0, a1, w1, b1.reshape(1, D), w2, b2.reshape(1, D),
      gamma.reshape(1, D), beta.reshape(1, D))


def kernel(x, edge_index, edge_attr, W1, b1, W2, b2, gamma, beta):
    src = edge_index[0].astype(jnp.int32)
    dst = edge_index[1].astype(jnp.int32)
    parts = _sc_aggr(x, src, dst, edge_attr)
    return _tc_mlp_ln(x, parts[0], parts[1], W1, b1, W2, b2, gamma, beta)

# --- scband reference (transcript-rebuilt; emitter-appended) ---
"""Pipeline reference for scband-gine-block-12180527252066 (READ-ONLY COPY).

The authoritative reference and input builder live on the scoring server;
editing this copy changes nothing except your own understanding.
"""

import jax, jax.numpy as jnp
import numpy as np

N = 10000
E = 320000
D = 128

def setup_inputs(seed: int = 0) -> dict:
    key = jax.random.key(seed)
    ks = jax.random.split(key, 8)
    x = jax.random.normal(ks[0], (N, D), dtype=jnp.float32)
    edge_index = jax.random.randint(ks[1], (2, E), 0, N, dtype=jnp.int64)
    edge_attr = jax.random.normal(ks[2], (E, D), dtype=jnp.float32)
    # GINEConv MLP params (stored as (in, out) so forward is z @ W + b)
    W1 = jax.random.normal(ks[3], (D, D), dtype=jnp.float32) * 0.05
    b1 = jnp.zeros((D,), dtype=jnp.float32)
    W2 = jax.random.normal(ks[4], (D, D), dtype=jnp.float32) * 0.05
    b2 = jnp.zeros((D,), dtype=jnp.float32)
    # LayerNorm params
    gamma = jnp.ones((D,), dtype=jnp.float32)
    beta = jnp.zeros((D,), dtype=jnp.float32)
    return {"x": x, "edge_index": edge_index, "edge_attr": edge_attr,
            "W1": W1, "b1": b1, "W2": W2, "b2": b2,
            "gamma": gamma, "beta": beta}

def reference(x, edge_index, edge_attr, W1, b1, W2, b2, gamma, beta):
    src = edge_index[0]
    dst = edge_index[1]
    # GINEConv message: ReLU(x_j + e_ji), aggregated (sum) at destination nodes
    msg = jax.nn.relu(jnp.take(x, src, axis=0) + edge_attr)
    aggr = jnp.zeros_like(x).at[dst].add(msg)
    # (1 + eps) * x + aggr, eps = 0 (default, train_eps=False)
    z = x + aggr
    # MLP: Linear -> ReLU -> Linear
    h = jax.nn.relu(z @ W1 + b1) @ W2 + b2
    # Residual + ReLU then LayerNorm
    r = x + jax.nn.relu(h)
    mean = jnp.mean(r, axis=-1, keepdims=True)
    var = jnp.mean((r - mean) ** 2, axis=-1, keepdims=True)
    out = (r - mean) / jnp.sqrt(var + 1e-5) * gamma + beta
    return out

if __name__ == "__main__":
    import jax
    _d = setup_inputs()
    print(jax.jit(kernel)(*tuple(_d.values())))

</pallas_src>

<mosaic_0001>
#map = affine_map<(d0, d1) -> (0, 0)>
#map1 = affine_map<(d0, d1) -> (0)>
#map2 = affine_map<(d0, d1) -> (0, 0, 0)>
module attributes {stable_mosaic.version = 14 : i64} {
  func.func @_sc_body(%arg0: i32, %arg1: i32, %arg2: memref<10000x128xf32, #tpu.memory_space<hbm>>, %arg3: memref<320000xi32, #tpu.memory_space<hbm>>, %arg4: memref<320000xi32, #tpu.memory_space<hbm>>, %arg5: memref<320000x128xf32, #tpu.memory_space<hbm>>, %arg6: memref<2x10000x128xf32, #tpu.memory_space<hbm>>, %arg7: memref<8x40xi32, #tpu.memory_space<vmem>>, %arg8: memref<8x40xi32, #tpu.memory_space<vmem>>, %arg9: memref<4x40x128xf32, #tpu.memory_space<vmem>>, %arg10: memref<3x40x128xf32, #tpu.memory_space<vmem>>, %arg11: memref<2x40x128xf32, #tpu.memory_space<vmem>>, %arg12: memref<10000x128xf32, #tpu.memory_space<vmem_shared>>, %arg13: memref<8x!tpu.dma_semaphore, #tpu.memory_space<semaphore_mem>>, %arg14: memref<4x!tpu.dma_semaphore, #tpu.memory_space<semaphore_mem>>, %arg15: memref<3x!tpu.dma_semaphore, #tpu.memory_space<semaphore_mem>>, %arg16: memref<2x!tpu.dma_semaphore, #tpu.memory_space<semaphore_mem>>) attributes {dimension_semantics = [#tpu.dimension_semantics<core_parallel>, #tpu.dimension_semantics<subcore_parallel>], iteration_bounds = array<i64: 2, 16>, scalar_prefetch = 0 : i64, scratch_operands = 10 : i64, tpu.core_type = #tpu.core_type<sc_vector_subcore>, window_params = [{transform_indices = #map}, {transform_indices = #map1}, {transform_indices = #map1}, {transform_indices = #map}, {transform_indices = #map2}]} {
    %mul3A = arith.constant 16 : i32
    %mul3A_0 = arith.muli %arg0, %mul3A : i32
    %add3A = arith.addi %mul3A_0, %arg1 : i32
    %mul3A_1 = arith.constant 10000 : i32
    %mul3A_2 = arith.muli %add3A, %mul3A_1 : i32
    %mul3A_3 = arith.constant 624 : i32
    %mul3A_4 = arith.muli %arg1, %mul3A_3 : i32
    %rem3A = arith.constant 0 : i32
    %rem3A_5 = arith.constant 8 : i32
    %rem3A_6 = arith.remsi %rem3A, %rem3A_5 : i32
    %add3A_7 = arith.constant 0 : i32
    %add3A_8 = arith.addi %mul3A_2, %add3A_7 : i32
    %dma_start3A = arith.constant 0 : i32
    %dma_start3A_9 = tpu.memref_slice %arg7[%rem3A_6, %dma_start3A] : memref<8x40xi32, #tpu.memory_space<vmem>> -> memref<1x40xi32, #tpu.memory_space<vmem>>
    %dma_start3A_10 = tpu.memref_squeeze %dma_start3A_9 : memref<1x40xi32, #tpu.memory_space<vmem>> -> memref<40xi32, #tpu.memory_space<vmem>>
    %dma_start3A_11 = tpu.memref_slice %arg3[%add3A_8] : memref<320000xi32, #tpu.memory_space<hbm>> -> memref<40xi32, #tpu.memory_space<hbm>>
    %dma_start3A_12 = tpu.memref_slice %arg13[%rem3A_6] : memref<8x!tpu.dma_semaphore, #tpu.memory_space<semaphore_mem>> -> memref<1x!tpu.dma_semaphore, #tpu.memory_space<semaphore_mem>>
    %dma_start3A_13 = tpu.memref_squeeze %dma_start3A_12 : memref<1x!tpu.dma_semaphore, #tpu.memory_space<semaphore_mem>> -> memref<!tpu.dma_semaphore, #tpu.memory_space<semaphore_mem>>
    %dma_start3A_14 = arith.constant 0 : i32
    %dma_start3A_15 = tpu.memref_slice %arg7[%rem3A_6, %dma_start3A_14] : memref<8x40xi32, #tpu.memory_space<vmem>> -> memref<1x40xi32, #tpu.memory_space<vmem>>
    %dma_start3A_16 = tpu.memref_squeeze %dma_start3A_15 : memref<1x40xi32, #tpu.memory_space<vmem>> -> memref<40xi32, #tpu.memory_space<vmem>>
    %dma_start3A_17 = tpu.memref_slice %arg3[%add3A_8] : memref<320000xi32, #tpu.memory_space<hbm>> -> memref<40xi32, #tpu.memory_space<hbm>>
    tpu.enqueue_dma source(%dma_start3A_17 : memref<40xi32, #tpu.memory_space<hbm>>) target(%dma_start3A_16 : memref<40xi32, #tpu.memory_space<vmem>>) target_semaphore(%dma_start3A_13 : memref<!tpu.dma_semaphore, #tpu.memory_space<semaphore_mem>>)
    %add3A_18 = arith.constant 0 : i32
    %add3A_19 = arith.addi %mul3A_2, %add3A_18 : i32
    %dma_start3A_20 = arith.constant 0 : i32
    %dma_start3A_21 = tpu.memref_slice %arg8[%rem3A_6, %dma_start3A_20] : memref<8x40xi32, #tpu.memory_space<vmem>> -> memref<1x40xi32, #tpu.memory_space<vmem>>
    %dma_start3A_22 = tpu.memref_squeeze %dma_start3A_21 : memref<1x40xi32, #tpu.memory_space<vmem>> -> memref<40xi32, #tpu.memory_space<vmem>>
    %dma_start3A_23 = tpu.memref_slice %arg4[%add3A_19] : memref<320000xi32, #tpu.memory_space<hbm>> -> memref<40xi32, #tpu.memory_space<hbm>>
    %dma_start3A_24 = tpu.memref_slice %arg13[%rem3A_6] : memref<8x!tpu.dma_semaphore, #tpu.memory_space<semaphore_mem>> -> memref<1x!tpu.dma_semaphore, #tpu.memory_space<semaphore_mem>>
    %dma_start3A_25 = tpu.memref_squeeze %dma_start3A_24 : memref<1x!tpu.dma_semaphore, #tpu.memory_space<semaphore_mem>> -> memref<!tpu.dma_semaphore, #tpu.memory_space<semaphore_mem>>
    %dma_start3A_26 = arith.constant 0 : i32
    %dma_start3A_27 = tpu.memref_slice %arg8[%rem3A_6, %dma_start3A_26] : memref<8x40xi32, #tpu.memory_space<vmem>> -> memref<1x40xi32, #tpu.memory_space<vmem>>
    %dma_start3A_28 = tpu.memref_squeeze %dma_start3A_27 : memref<1x40xi32, #tpu.memory_space<vmem>> -> memref<40xi32, #tpu.memory_space<vmem>>
    %dma_start3A_29 = tpu.memref_slice %arg4[%add3A_19] : memref<320000xi32, #tpu.memory_space<hbm>> -> memref<40xi32, #tpu.memory_space<hbm>>
    tpu.enqueue_dma source(%dma_start3A_29 : memref<40xi32, #tpu.memory_space<hbm>>) target(%dma_start3A_28 : memref<40xi32, #tpu.memory_space<vmem>>) target_semaphore(%dma_start3A_25 : memref<!tpu.dma_semaphore, #tpu.memory_space<semaphore_mem>>)
    %rem3A_30 = arith.constant 1 : i32
    %rem3A_31 = arith.constant 8 : i32
    %rem3A_32 = arith.remsi %rem3A_30, %rem3A_31 : i32
    %add3A_33 = arith.constant 40 : i32
    %add3A_34 = arith.addi %mul3A_2, %add3A_33 : i32
    %dma_start3A_35 = arith.constant 0 : i32
    %dma_start3A_36 = tpu.memref_slice %arg7[%rem3A_32, %dma_start3A_35] : memref<8x40xi32, #tpu.memory_space<vmem>> -> memref<1x40xi32, #tpu.memory_space<vmem>>
    %dma_start3A_37 = tpu.memref_squeeze %dma_start3A_36 : memref<1x40xi32, #tpu.memory_space<vmem>> -> memref<40xi32, #tpu.memory_space<vmem>>
    %dma_start3A_38 = tpu.memref_slice %arg3[%add3A_34] : memref<320000xi32, #tpu.memory_space<hbm>> -> memref<40xi32, #tpu.memory_space<hbm>>
    %dma_start3A_39 = tpu.memref_slice %arg13[%rem3A_32] : memref<8x!tpu.dma_semaphore, #tpu.memory_space<semaphore_mem>> -> memref<1x!tpu.dma_semaphore, #tpu.memory_space<semaphore_mem>>
    %dma_start3A_40 = tpu.memref_squeeze %dma_start3A_39 : memref<1x!tpu.dma_semaphore, #tpu.memory_space<semaphore_mem>> -> memref<!tpu.dma_semaphore, #tpu.memory_space<semaphore_mem>>
    %dma_start3A_41 = arith.constant 0 : i32
    %dma_start3A_42 = tpu.memref_slice %arg7[%rem3A_32, %dma_start3A_41] : memref<8x40xi32, #tpu.memory_space<vmem>> -> memref<1x40xi32, #tpu.memory_space<vmem>>
    %dma_start3A_43 = tpu.memref_squeeze %dma_start3A_42 : memref<1x40xi32, #tpu.memory_space<vmem>> -> memref<40xi32, #tpu.memory_space<vmem>>
    %dma_start3A_44 = tpu.memref_slice %arg3[%add3A_34] : memref<320000xi32, #tpu.memory_space<hbm>> -> memref<40xi32, #tpu.memory_space<hbm>>
    tpu.enqueue_dma source(%dma_start3A_44 : memref<40xi32, #tpu.memory_space<hbm>>) target(%dma_start3A_43 : memref<40xi32, #tpu.memory_space<vmem>>) target_semaphore(%dma_start3A_40 : memref<!tpu.dma_semaphore, #tpu.memory_space<semaphore_mem>>)
    %add3A_45 = arith.constant 40 : i32
    %add3A_46 = arith.addi %mul3A_2, %add3A_45 : i32
    %dma_start3A_47 = arith.constant 0 : i32
    %dma_start3A_48 = tpu.memref_slice %arg8[%rem3A_32, %dma_start3A_47] : memref<8x40xi32, #tpu.memory_space<vmem>> -> memref<1x40xi32, #tpu.memory_space<vmem>>
    %dma_start3A_49 = tpu.memref_squeeze %dma_start3A_48 : memref<1x40xi32, #tpu.memory_space<vmem>> -> memref<40xi32, #tpu.memory_space<vmem>>
    %dma_start3A_50 = tpu.memref_slice %arg4[%add3A_46] : memref<320000xi32, #tpu.memory_space<hbm>> -> memref<40xi32, #tpu.memory_space<hbm>>
    %dma_start3A_51 = tpu.memref_slice %arg13[%rem3A_32] : memref<8x!tpu.dma_semaphore, #tpu.memory_space<semaphore_mem>> -> memref<1x!tpu.dma_semaphore, #tpu.memory_space<semaphore_mem>>
    %dma_start3A_52 = tpu.memref_squeeze %dma_start3A_51 : memref<1x!tpu.dma_semaphore, #tpu.memory_space<semaphore_mem>> -> memref<!tpu.dma_semaphore, #tpu.memory_space<semaphore_mem>>
    %dma_start3A_53 = arith.constant 0 : i32
    %dma_start3A_54 = tpu.memref_slice %arg8[%rem3A_32, %dma_start3A_53] : memref<8x40xi32, #tpu.memory_space<vmem>> -> memref<1x40xi32, #tpu.memory_space<vmem>>
    %dma_start3A_55 = tpu.memref_squeeze %dma_start3A_54 : memref<1x40xi32, #tpu.memory_space<vmem>> -> memref<40xi32, #tpu.memory_space<vmem>>
    %dma_start3A_56 = tpu.memref_slice %arg4[%add3A_46] : memref<320000xi32, #tpu.memory_space<hbm>> -> memref<40xi32, #tpu.memory_space<hbm>>
    tpu.enqueue_dma source(%dma_start3A_56 : memref<40xi32, #tpu.memory_space<hbm>>) target(%dma_start3A_55 : memref<40xi32, #tpu.memory_space<vmem>>) target_semaphore(%dma_start3A_52 : memref<!tpu.dma_semaphore, #tpu.memory_space<semaphore_mem>>)
    %rem3A_57 = arith.constant 2 : i32
    %rem3A_58 = arith.constant 8 : i32
    %rem3A_59 = arith.remsi %rem3A_57, %rem3A_58 : i32
    %add3A_60 = arith.constant 80 : i32
    %add3A_61 = arith.addi %mul3A_2, %add3A_60 : i32
    %dma_start3A_62 = arith.constant 0 : i32
    %dma_start3A_63 = tpu.memref_slice %arg7[%rem3A_59, %dma_start3A_62] : memref<8x40xi32, #tpu.memory_space<vmem>> -> memref<1x40xi32, #tpu.memory_space<vmem>>
    %dma_start3A_64 = tpu.memref_squeeze %dma_start3A_63 : memref<1x40xi32, #tpu.memory_space<vmem>> -> memref<40xi32, #tpu.memory_space<vmem>>
    %dma_start3A_65 = tpu.memref_slice %arg3[%add3A_61] : memref<320000xi32, #tpu.memory_space<hbm>> -> memref<40xi32, #tpu.memory_space<hbm>>
    %dma_start3A_66 = tpu.memref_slice %arg13[%rem3A_59] : memref<8x!tpu.dma_semaphore, #tpu.memory_space<semaphore_mem>> -> memref<1x!tpu.dma_semaphore, #tpu.memory_space<semaphore_mem>>
    %dma_start3A_67 = tpu.memref_squeeze %dma_start3A_66 : memref<1x!tpu.dma_semaphore, #tpu.memory_space<semaphore_mem>> -> memref<!tpu.dma_semaphore, #tpu.memory_space<semaphore_mem>>
    %dma_start3A_68 = arith.constant 0 : i32
    %dma_start3A_69 = tpu.memref_slice %arg7[%rem3A_59, %dma_start3A_68] : memref<8x40xi32, #tpu.memory_space<vmem>> -> memref<1x40xi32, #tpu.memory_space<vmem>>
    %dma_start3A_70 = tpu.memref_squeeze %dma_start3A_69 : memref<1x40xi32, #tpu.memory_space<vmem>> -> memref<40xi32, #tpu.memory_space<vmem>>
    %dma_start3A_71 = tpu.memref_slice %arg3[%add3A_61] : memref<320000xi32, #tpu.memory_space<hbm>> -> memref<40xi32, #tpu.memory_space<hbm>>
    tpu.enqueue_dma source(%dma_start3A_71 : memref<40xi32, #tpu.memory_space<hbm>>) target(%dma_start3A_70 : memref<40xi32, #tpu.memory_space<vmem>>) target_semaphore(%dma_start3A_67 : memref<!tpu.dma_semaphore, #tpu.memory_space<semaphore_mem>>)
    %add3A_72 = arith.constant 80 : i32
    %add3A_73 = arith.addi %mul3A_2, %add3A_72 : i32
    %dma_start3A_74 = arith.constant 0 : i32
    %dma_start3A_75 = tpu.memref_slice %arg8[%rem3A_59, %dma_start3A_74] : memref<8x40xi32, #tpu.memory_space<vmem>> -> memref<1x40xi32, #tpu.memory_space<vmem>>
    %dma_start3A_76 = tpu.memref_squeeze %dma_start3A_75 : memref<1x40xi32, #tpu.memory_space<vmem>> -> memref<40xi32, #tpu.memory_space<vmem>>
    %dma_start3A_77 = tpu.memref_slice %arg4[%add3A_73] : memref<320000xi32, #tpu.memory_space<hbm>> -> memref<40xi32, #tpu.memory_space<hbm>>
    %dma_start3A_78 = tpu.memref_slice %arg13[%rem3A_59] : memref<8x!tpu.dma_semaphore, #tpu.memory_space<semaphore_mem>> -> memref<1x!tpu.dma_semaphore, #tpu.memory_space<semaphore_mem>>
    %dma_start3A_79 = tpu.memref_squeeze %dma_start3A_78 : memref<1x!tpu.dma_semaphore, #tpu.memory_space<semaphore_mem>> -> memref<!tpu.dma_semaphore, #tpu.memory_space<semaphore_mem>>
    %dma_start3A_80 = arith.constant 0 : i32
    %dma_start3A_81 = tpu.memref_slice %arg8[%rem3A_59, %dma_start3A_80] : memref<8x40xi32, #tpu.memory_space<vmem>> -> memref<1x40xi32, #tpu.memory_space<vmem>>
    %dma_start3A_82 = tpu.memref_squeeze %dma_start3A_81 : memref<1x40xi32, #tpu.memory_space<vmem>> -> memref<40xi32, #tpu.memory_space<vmem>>
    %dma_start3A_83 = tpu.memref_slice %arg4[%add3A_73] : memref<320000xi32, #tpu.memory_space<hbm>> -> memref<40xi32, #tpu.memory_space<hbm>>
    tpu.enqueue_dma source(%dma_start3A_83 : memref<40xi32, #tpu.memory_space<hbm>>) target(%dma_start3A_82 : memref<40xi32, #tpu.memory_space<vmem>>) target_semaphore(%dma_start3A_79 : memref<!tpu.dma_semaphore, #tpu.memory_space<semaphore_mem>>)
    %rem3A_84 = arith.constant 3 : i32
    %rem3A_85 = arith.constant 8 : i32
    %rem3A_86 = arith.remsi %rem3A_84, %rem3A_85 : i32
    %add3A_87 = arith.constant 120 : i32
    %add3A_88 = arith.addi %mul3A_2, %add3A_87 : i32
    %dma_start3A_89 = arith.constant 0 : i32
    %dma_start3A_90 = tpu.memref_slice %arg7[%rem3A_86, %dma_start3A_89] : memref<8x40xi32, #tpu.memory_space<vmem>> -> memref<1x40xi32, #tpu.memory_space<vmem>>
    %dma_start3A_91 = tpu.memref_squeeze %dma_start3A_90 : memref<1x40xi32, #tpu.memory_space<vmem>> -> memref<40xi32, #tpu.memory_space<vmem>>
    %dma_start3A_92 = tpu.memref_slice %arg3[%add3A_88] : memref<320000xi32, #tpu.memory_space<hbm>> -> memref<40xi32, #tpu.memory_space<hbm>>
    %dma_start3A_93 = tpu.memref_slice %arg13[%rem3A_86] : memref<8x!tpu.dma_semaphore, #tpu.memory_space<semaphore_mem>> -> memref<1x!tpu.dma_semaphore, #tpu.memory_space<semaphore_mem>>
    %dma_start3A_94 = tpu.memref_squeeze %dma_start3A_93 : memref<1x!tpu.dma_semaphore, #tpu.memory_space<semaphore_mem>> -> memref<!tpu.dma_semaphore, #tpu.memory_space<semaphore_mem>>
    %dma_start3A_95 = arith.constant 0 : i32
    %dma_start3A_96 = tpu.memref_slice %arg7[%rem3A_86, %dma_start3A_95] : memref<8x40xi32, #tpu.memory_space<vmem>> -> memref<1x40xi32, #tpu.memory_space<vmem>>
    %dma_start3A_97 = tpu.memref_squeeze %dma_start3A_96 : memref<1x40xi32, #tpu.memory_space<vmem>> -> memref<40xi32, #tpu.memory_space<vmem>>
    %dma_start3A_98 = tpu.memref_slice %arg3[%add3A_88] : memref<320000xi32, #tpu.memory_space<hbm>> -> memref<40xi32, #tpu.memory_space<hbm>>
    tpu.enqueue_dma source(%dma_start3A_98 : memref<40xi32, #tpu.memory_space<hbm>>) target(%dma_start3A_97 : memref<40xi32, #tpu.memory_space<vmem>>) target_semaphore(%dma_start3A_94 : memref<!tpu.dma_semaphore, #tpu.memory_space<semaphore_mem>>)
    %add3A_99 = arith.constant 120 : i32
    %add3A_100 = arith.addi %mul3A_2, %add3A_99 : i32
    %dma_start3A_101 = arith.constant 0 : i32
    %dma_start3A_102 = tpu.memref_slice %arg8[%rem3A_86, %dma_start3A_101] : memref<8x40xi32, #tpu.memory_space<vmem>> -> memref<1x40xi32, #tpu.memory_space<vmem>>
    %dma_start3A_103 = tpu.memref_squeeze %dma_start3A_102 : memref<1x40xi32, #tpu.memory_space<vmem>> -> memref<40xi32, #tpu.memory_space<vmem>>
    %dma_start3A_104 = tpu.memref_slice %arg4[%add3A_100] : memref<320000xi32, #tpu.memory_space<hbm>> -> memref<40xi32, #tpu.memory_space<hbm>>
    %dma_start3A_105 = tpu.memref_slice %arg13[%rem3A_86] : memref<8x!tpu.dma_semaphore, #tpu.memory_space<semaphore_mem>> -> memref<1x!tpu.dma_semaphore, #tpu.memory_space<semaphore_mem>>
    %dma_start3A_106 = tpu.memref_squeeze %dma_start3A_105 : memref<1x!tpu.dma_semaphore, #tpu.memory_space<semaphore_mem>> -> memref<!tpu.dma_semaphore, #tpu.memory_space<semaphore_mem>>
    %dma_start3A_107 = arith.constant 0 : i32
    %dma_start3A_108 = tpu.memref_slice %arg8[%rem3A_86, %dma_start3A_107] : memref<8x40xi32, #tpu.memory_space<vmem>> -> memref<1x40xi32, #tpu.memory_space<vmem>>
    %dma_start3A_109 = tpu.memref_squeeze %dma_start3A_108 : memref<1x40xi32, #tpu.memory_space<vmem>> -> memref<40xi32, #tpu.memory_space<vmem>>
    %dma_start3A_110 = tpu.memref_slice %arg4[%add3A_100] : memref<320000xi32, #tpu.memory_space<hbm>> -> memref<40xi32, #tpu.memory_space<hbm>>
    tpu.enqueue_dma source(%dma_start3A_110 : memref<40xi32, #tpu.memory_space<hbm>>) target(%dma_start3A_109 : memref<40xi32, #tpu.memory_space<vmem>>) target_semaphore(%dma_start3A_106 : memref<!tpu.dma_semaphore, #tpu.memory_space<semaphore_mem>>)
    %rem3A_111 = arith.constant 4 : i32
    %rem3A_112 = arith.constant 8 : i32
    %rem3A_113 = arith.remsi %rem3A_111, %rem3A_112 : i32
    %add3A_114 = arith.constant 160 : i32
    %add3A_115 = arith.addi %mul3A_2, %add3A_114 : i32
    %dma_start3A_116 = arith.constant 0 : i32
    %dma_start3A_117 = tpu.memref_slice %arg7[%rem3A_113, %dma_start3A_116] : memref<8x40xi32, #tpu.memory_space<vmem>> -> memref<1x40xi32, #tpu.memory_space<vmem>>
    %dma_start3A_118 = tpu.memref_squeeze %dma_start3A_117 : memref<1x40xi32, #tpu.memory_space<vmem>> -> memref<40xi32, #tpu.memory_space<vmem>>
    %dma_start3A_119 = tpu.memref_slice %arg3[%add3A_115] : memref<320000xi32, #tpu.memory_space<hbm>> -> memref<40xi32, #tpu.memory_space<hbm>>
    %dma_start3A_120 = tpu.memref_slice %arg13[%rem3A_113] : memref<8x!tpu.dma_semaphore, #tpu.memory_space<semaphore_mem>> -> memref<1x!tpu.dma_semaphore, #tpu.memory_space<semaphore_mem>>
    %dma_start3A_121 = tpu.memref_squeeze %dma_start3A_120 : memref<1x!tpu.dma_semaphore, #tpu.memory_space<semaphore_mem>> -> memref<!tpu.dma_semaphore, #tpu.memory_space<semaphore_mem>>
    %dma_start3A_122 = arith.constant 0 : i32
    %dma_start3A_123 = tpu.memref_slice %arg7[%rem3A_113, %dma_start3A_122] : memref<8x40xi32, #tpu.memory_space<vmem>> -> memref<1x40xi32, #tpu.memory_space<vmem>>
    %dma_start3A_124 = tpu.memref_squeeze %dma_start3A_123 : memref<1x40xi32, #tpu.memory_space<vmem>> -> memref<40xi32, #tpu.memory_space<vmem>>
    %dma_start3A_125 = tpu.memref_slice %arg3[%add3A_115] : memref<320000xi32, #tpu.memory_space<hbm>> -> memref<40xi32, #tpu.memory_space<hbm>>
    tpu.enqueue_dma source(%dma_start3A_125 : memref<40xi32, #tpu.memory_space<hbm>>) target(%dma_start3A_124 : memref<40xi32, #tpu.memory_space<vmem>>) target_semaphore(%dma_start3A_121 : memref<!tpu.dma_semaphore, #tpu.memory_space<semaphore_mem>>)
    %add3A_126 = arith.constant 160 : i32
    %add3A_127 = arith.addi %mul3A_2, %add3A_126 : i32
    %dma_start3A_128 = arith.constant 0 : i32
    %dma_start3A_129 = tpu.memref_slice %arg8[%rem3A_113, %dma_start3A_128] : memref<8x40xi32, #tpu.memory_space<vmem>> -> memref<1x40xi32, #tpu.memory_space<vmem>>
    %dma_start3A_130 = tpu.memref_squeeze %dma_start3A_129 : memref<1x40xi32, #tpu.memory_space<vmem>> -> memref<40xi32, #tpu.memory_space<vmem>>
    %dma_start3A_131 = tpu.memref_slice %arg4[%add3A_127] : memref<320000xi32, #tpu.memory_space<hbm>> -> memref<40xi32, #tpu.memory_space<hbm>>
    %dma_start3A_132 = tpu.memref_slice %arg13[%rem3A_113] : memref<8x!tpu.dma_semaphore, #tpu.memory_space<semaphore_mem>> -> memref<1x!tpu.dma_semaphore, #tpu.memory_space<semaphore_mem>>
    %dma_start3A_133 = tpu.memref_squeeze %dma_start3A_132 : memref<1x!tpu.dma_semaphore, #tpu.memory_space<semaphore_mem>> -> memref<!tpu.dma_semaphore, #tpu.memory_space<semaphore_mem>>
    %dma_start3A_134 = arith.constant 0 : i32
    %dma_start3A_135 = tpu.memref_slice %arg8[%rem3A_113, %dma_start3A_134] : memref<8x40xi32, #tpu.memory_space<vmem>> -> memref<1x40xi32, #tpu.memory_space<vmem>>
    %dma_start3A_136 = tpu.memref_squeeze %dma_start3A_135 : memref<1x40xi32, #tpu.memory_space<vmem>> -> memref<40xi32, #tpu.memory_space<vmem>>
    %dma_start3A_137 = tpu.memref_slice %arg4[%add3A_127] : memref<320000xi32, #tpu.memory_space<hbm>> -> memref<40xi32, #tpu.memory_space<hbm>>
    tpu.enqueue_dma source(%dma_start3A_137 : memref<40xi32, #tpu.memory_space<hbm>>) target(%dma_start3A_136 : memref<40xi32, #tpu.memory_space<vmem>>) target_semaphore(%dma_start3A_133 : memref<!tpu.dma_semaphore, #tpu.memory_space<semaphore_mem>>)
    %rem3A_138 = arith.constant 0 : i32
    %rem3A_139 = arith.constant 8 : i32
    %rem3A_140 = arith.remsi %rem3A_138, %rem3A_139 : i32
    %dma_wait3A = arith.constant 0 : i32
    %dma_wait3A_141 = tpu.memref_slice %arg7[%rem3A_140, %dma_wait3A] : memref<8x40xi32, #tpu.memory_space<vmem>> -> memref<1x40xi32, #tpu.memory_space<vmem>>
    %dma_wait3A_142 = tpu.memref_squeeze %dma_wait3A_141 : memref<1x40xi32, #tpu.memory_space<vmem>> -> memref<40xi32, #tpu.memory_space<vmem>>
    %dma_wait3A_143 = tpu.memref_slice %arg3[%mul3A_2] : memref<320000xi32, #tpu.memory_space<hbm>> -> memref<40xi32, #tpu.memory_space<hbm>>
    %dma_wait3A_144 = tpu.memref_slice %arg13[%rem3A_140] : memref<8x!tpu.dma_semaphore, #tpu.memory_space<semaphore_mem>> -> memref<1x!tpu.dma_semaphore, #tpu.memory_space<semaphore_mem>>
    %dma_wait3A_145 = tpu.memref_squeeze %dma_wait3A_144 : memref<1x!tpu.dma_semaphore, #tpu.memory_space<semaphore_mem>> -> memref<!tpu.dma_semaphore, #tpu.memory_space<semaphore_mem>>
    %dma_wait3A_146 = arith.constant 0 : i32
    %dma_wait3A_147 = tpu.memref_slice %arg7[%rem3A_140, %dma_wait3A_146] : memref<8x40xi32, #tpu.memory_space<vmem>> -> memref<1x40xi32, #tpu.memory_space<vmem>>
    %dma_wait3A_148 = tpu.memref_squeeze %dma_wait3A_147 : memref<1x40xi32, #tpu.memory_space<vmem>> -> memref<40xi32, #tpu.memory_space<vmem>>
    %dma_wait3A_149 = tpu.memref_slice %arg3[%mul3A_2] : memref<320000xi32, #tpu.memory_space<hbm>> -> memref<40xi32, #tpu.memory_space<hbm>>
    tpu.wait_dma2 semaphore(%dma_wait3A_145 : memref<!tpu.dma_semaphore, #tpu.memory_space<semaphore_mem>>) src(%dma_wait3A_149 : memref<40xi32, #tpu.memory_space<hbm>>) dst(%dma_wait3A_148 : memref<40xi32, #tpu.memory_space<vmem>>)
    %dma_wait3A_150 = arith.constant 0 : i32
    %dma_wait3A_151 = tpu.memref_slice %arg8[%rem3A_140, %dma_wait3A_150] : memref<8x40xi32, #tpu.memory_space<vmem>> -> memref<1x40xi32, #tpu.memory_space<vmem>>
    %dma_wait3A_152 = tpu.memref_squeeze %dma_wait3A_151 : memref<1x40xi32, #tpu.memory_space<vmem>> -> memref<40xi32, #tpu.memory_space<vmem>>
    %dma_wait3A_153 = tpu.memref_slice %arg4[%mul3A_2] : memref<320000xi32, #tpu.memory_space<hbm>> -> memref<40xi32, #tpu.memory_space<hbm>>
    %dma_wait3A_154 = tpu.memref_slice %arg13[%rem3A_140] : memref<8x!tpu.dma_semaphore, #tpu.memory_space<semaphore_mem>> -> memref<1x!tpu.dma_semaphore, #tpu.memory_space<semaphore_mem>>
    %dma_wait3A_155 = tpu.memref_squeeze %dma_wait3A_154 : memref<1x!tpu.dma_semaphore, #tpu.memory_space<semaphore_mem>> -> memref<!tpu.dma_semaphore, #tpu.memory_space<semaphore_mem>>
    %dma_wait3A_156 = arith.constant 0 : i32
    %dma_wait3A_157 = tpu.memref_slice %arg8[%rem3A_140, %dma_wait3A_156] : memref<8x40xi32, #tpu.memory_space<vmem>> -> memref<1x40xi32, #tpu.memory_space<vmem>>
    %dma_wait3A_158 = tpu.memref_squeeze %dma_wait3A_157 : memref<1x40xi32, #tpu.memory_space<vmem>> -> memref<40xi32, #tpu.memory_space<vmem>>
    %dma_wait3A_159 = tpu.memref_slice %arg4[%mul3A_2] : memref<320000xi32, #tpu.memory_space<hbm>> -> memref<40xi32, #tpu.memory_space<hbm>>
    tpu.wait_dma2 semaphore(%dma_wait3A_155 : memref<!tpu.dma_semaphore, #tpu.memory_space<semaphore_mem>>) src(%dma_wait3A_159 : memref<40xi32, #tpu.memory_space<hbm>>) dst(%dma_wait3A_158 : memref<40xi32, #tpu.memory_space<vmem>>)
    %rem3A_160 = arith.constant 0 : i32
    %rem3A_161 = arith.constant 4 : i32
    %rem3A_162 = arith.remsi %rem3A_160, %rem3A_161 : i32
    %rem3A_163 = arith.constant 0 : i32
    %rem3A_164 = arith.constant 8 : i32
    %rem3A_165 = arith.remsi %rem3A_163, %rem3A_164 : i32
    %dma_start3A_166 = arith.constant 0 : i32
    %dma_start3A_167 = arith.constant 0 : i32
    %dma_start3A_168 = tpu.memref_slice %arg9[%rem3A_162, %dma_start3A_166, %dma_start3A_167] : memref<4x40x128xf32, #tpu.memory_space<vmem>> -> memref<1x40x128xf32, #tpu.memory_space<vmem>>
    %dma_start3A_169 = tpu.memref_squeeze %dma_start3A_168 : memref<1x40x128xf32, #tpu.memory_space<vmem>> -> memref<40x128xf32, #tpu.memory_space<vmem>>
    %dma_start3A_170 = arith.constant 0 : i32
    %dma_start3A_171 = tpu.memref_slice %arg7[%rem3A_165, %dma_start3A_170] : memref<8x40xi32, #tpu.memory_space<vmem>> -> memref<1x40xi32, #tpu.memory_space<vmem>>
    %dma_start3A_172 = tpu.memref_squeeze %dma_start3A_171 : memref<1x40xi32, #tpu.memory_space<vmem>> -> memref<40xi32, #tpu.memory_space<vmem>>
    %dma_start3A_173 = arith.constant 0 : i32
    %dma_start3A_174 = arith.constant 0 : i32
    %dma_start3A_175 = tpu.memref_slice %arg2[%dma_start3A_173, %dma_start3A_174] : memref<10000x128xf32, #tpu.memory_space<hbm>> -> memref<10000x128xf32, #tpu.memory_space<hbm>>
    %dma_start3A_176 = tpu.memref_slice %arg14[%rem3A_162] : memref<4x!tpu.dma_semaphore, #tpu.memory_space<semaphore_mem>> -> memref<1x!tpu.dma_semaphore, #tpu.memory_space<semaphore_mem>>
    %dma_start3A_177 = tpu.memref_squeeze %dma_start3A_176 : memref<1x!tpu.dma_semaphore, #tpu.memory_space<semaphore_mem>> -> memref<!tpu.dma_semaphore, #tpu.memory_space<semaphore_mem>>
    tpu.enqueue_indirect_dma source(%dma_start3A_175 : memref<10000x128xf32, #tpu.memory_space<hbm>>) target(%dma_start3A_169 : memref<40x128xf32, #tpu.memory_space<vmem>>) offsets(%dma_start3A_172 : memref<40xi32, #tpu.memory_space<vmem>>) semaphore(%dma_start3A_177 : memref<!tpu.dma_semaphore, #tpu.memory_space<semaphore_mem>>)
    %rem3A_178 = arith.constant 1 : i32
    %rem3A_179 = arith.constant 8 : i32
    %rem3A_180 = arith.remsi %rem3A_178, %rem3A_179 : i32
    %dma_wait3A_181 = arith.constant 0 : i32
    %dma_wait3A_182 = tpu.memref_slice %arg7[%rem3A_180, %dma_wait3A_181] : memref<8x40xi32, #tpu.memory_space<vmem>> -> memref<1x40xi32, #tpu.memory_space<vmem>>
    %dma_wait3A_183 = tpu.memref_squeeze %dma_wait3A_182 : memref<1x40xi32, #tpu.memory_space<vmem>> -> memref<40xi32, #tpu.memory_space<vmem>>
    %dma_wait3A_184 = tpu.memref_slice %arg3[%mul3A_2] : memref<320000xi32, #tpu.memory_space<hbm>> -> memref<40xi32, #tpu.memory_space<hbm>>
    %dma_wait3A_185 = tpu.memref_slice %arg13[%rem3A_180] : memref<8x!tpu.dma_semaphore, #tpu.memory_space<semaphore_mem>> -> memref<1x!tpu.dma_semaphore, #tpu.memory_space<semaphore_mem>>
    %dma_wait3A_186 = tpu.memref_squeeze %dma_wait3A_185 : memref<1x!tpu.dma_semaphore, #tpu.memory_space<semaphore_mem>> -> memref<!tpu.dma_semaphore, #tpu.memory_space<semaphore_mem>>
    %dma_wait3A_187 = arith.constant 0 : i32
    %dma_wait3A_188 = tpu.memref_slice %arg7[%rem3A_180, %dma_wait3A_187] : memref<8x40xi32, #tpu.memory_space<vmem>> -> memref<1x40xi32, #tpu.memory_space<vmem>>
    %dma_wait3A_189 = tpu.memref_squeeze %dma_wait3A_188 : memref<1x40xi32, #tpu.memory_space<vmem>> -> memref<40xi32, #tpu.memory_space<vmem>>
    %dma_wait3A_190 = tpu.memref_slice %arg3[%mul3A_2] : memref<320000xi32, #tpu.memory_space<hbm>> -> memref<40xi32, #tpu.memory_space<hbm>>
    tpu.wait_dma2 semaphore(%dma_wait3A_186 : memref<!tpu.dma_semaphore, #tpu.memory_space<semaphore_mem>>) src(%dma_wait3A_190 : memref<40xi32, #tpu.memory_space<hbm>>) dst(%dma_wait3A_189 : memref<40xi32, #tpu.memory_space<vmem>>)
    %dma_wait3A_191 = arith.constant 0 : i32
    %dma_wait3A_192 = tpu.memref_slice %arg8[%rem3A_180, %dma_wait3A_191] : memref<8x40xi32, #tpu.memory_space<vmem>> -> memref<1x40xi32, #tpu.memory_space<vmem>>
    %dma_wait3A_193 = tpu.memref_squeeze %dma_wait3A_192 : memref<1x40xi32, #tpu.memory_space<vmem>> -> memref<40xi32, #tpu.memory_space<vmem>>
    %dma_wait3A_194 = tpu.memref_slice %arg4[%mul3A_2] : memref<320000xi32, #tpu.memory_space<hbm>> -> memref<40xi32, #tpu.memory_space<hbm>>
    %dma_wait3A_195 = tpu.memref_slice %arg13[%rem3A_180] : memref<8x!tpu.dma_semaphore, #tpu.memory_space<semaphore_mem>> -> memref<1x!tpu.dma_semaphore, #tpu.memory_space<semaphore_mem>>
    %dma_wait3A_196 = tpu.memref_squeeze %dma_wait3A_195 : memref<1x!tpu.dma_semaphore, #tpu.memory_space<semaphore_mem>> -> memref<!tpu.dma_semaphore, #tpu.memory_space<semaphore_mem>>
    %dma_wait3A_197 = arith.constant 0 : i32
    %dma_wait3A_198 = tpu.memref_slice %arg8[%rem3A_180, %dma_wait3A_197] : memref<8x40xi32, #tpu.memory_space<vmem>> -> memref<1x40xi32, #tpu.memory_space<vmem>>
    %dma_wait3A_199 = tpu.memref_squeeze %dma_wait3A_198 : memref<1x40xi32, #tpu.memory_space<vmem>> -> memref<40xi32, #tpu.memory_space<vmem>>
    %dma_wait3A_200 = tpu.memref_slice %arg4[%mul3A_2] : memref<320000xi32, #tpu.memory_space<hbm>> -> memref<40xi32, #tpu.memory_space<hbm>>
    tpu.wait_dma2 semaphore(%dma_wait3A_196 : memref<!tpu.dma_semaphore, #tpu.memory_space<semaphore_mem>>) src(%dma_wait3A_200 : memref<40xi32, #tpu.memory_space<hbm>>) dst(%dma_wait3A_199 : memref<40xi32, #tpu.memory_space<vmem>>)
    %rem3A_201 = arith.constant 1 : i32
    %rem3A_202 = arith.constant 4 : i32
    %rem3A_203 = arith.remsi %rem3A_201, %rem3A_202 : i32
    %rem3A_204 = arith.constant 1 : i32
    %rem3A_205 = arith.constant 8 : i32
    %rem3A_206 = arith.remsi %rem3A_204, %rem3A_205 : i32
    %dma_start3A_207 = arith.constant 0 : i32
    %dma_start3A_208 = arith.constant 0 : i32
    %dma_start3A_209 = tpu.memref_slice %arg9[%rem3A_203, %dma_start3A_207, %dma_start3A_208] : memref<4x40x128xf32, #tpu.memory_space<vmem>> -> memref<1x40x128xf32, #tpu.memory_space<vmem>>
    %dma_start3A_210 = tpu.memref_squeeze %dma_start3A_209 : memref<1x40x128xf32, #tpu.memory_space<vmem>> -> memref<40x128xf32, #tpu.memory_space<vmem>>
    %dma_start3A_211 = arith.constant 0 : i32
    %dma_start3A_212 = tpu.memref_slice %arg7[%rem3A_206, %dma_start3A_211] : memref<8x40xi32, #tpu.memory_space<vmem>> -> memref<1x40xi32, #tpu.memory_space<vmem>>
    %dma_start3A_213 = tpu.memref_squeeze %dma_start3A_212 : memref<1x40xi32, #tpu.memory_space<vmem>> -> memref<40xi32, #tpu.memory_space<vmem>>
    %dma_start3A_214 = arith.constant 0 : i32
    %dma_start3A_215 = arith.constant 0 : i32
    %dma_start3A_216 = tpu.memref_slice %arg2[%dma_start3A_214, %dma_start3A_215] : memref<10000x128xf32, #tpu.memory_space<hbm>> -> memref<10000x128xf32, #tpu.memory_space<hbm>>
    %dma_start3A_217 = tpu.memref_slice %arg14[%rem3A_203] : memref<4x!tpu.dma_semaphore, #tpu.memory_space<semaphore_mem>> -> memref<1x!tpu.dma_semaphore, #tpu.memory_space<semaphore_mem>>
    %dma_start3A_218 = tpu.memref_squeeze %dma_start3A_217 : memref<1x!tpu.dma_semaphore, #tpu.memory_space<semaphore_mem>> -> memref<!tpu.dma_semaphore, #tpu.memory_space<semaphore_mem>>
    tpu.enqueue_indirect_dma source(%dma_start3A_216 : memref<10000x128xf32, #tpu.memory_space<hbm>>) target(%dma_start3A_210 : memref<40x128xf32, #tpu.memory_space<vmem>>) offsets(%dma_start3A_213 : memref<40xi32, #tpu.memory_space<vmem>>) semaphore(%dma_start3A_218 : memref<!tpu.dma_semaphore, #tpu.memory_space<semaphore_mem>>)
    %rem3A_219 = arith.constant 2 : i32
    %rem3A_220 = arith.constant 8 : i32
    %rem3A_221 = arith.remsi %rem3A_219, %rem3A_220 : i32
    %dma_wait3A_222 = arith.constant 0 : i32
    %dma_wait3A_223 = tpu.memref_slice %arg7[%rem3A_221, %dma_wait3A_222] : memref<8x40xi32, #tpu.memory_space<vmem>> -> memref<1x40xi32, #tpu.memory_space<vmem>>
    %dma_wait3A_224 = tpu.memref_squeeze %dma_wait3A_223 : memref<1x40xi32, #tpu.memory_space<vmem>> -> memref<40xi32, #tpu.memory_space<vmem>>
    %dma_wait3A_225 = tpu.memref_slice %arg3[%mul3A_2] : memref<320000xi32, #tpu.memory_space<hbm>> -> memref<40xi32, #tpu.memory_space<hbm>>
    %dma_wait3A_226 = tpu.memref_slice %arg13[%rem3A_221] : memref<8x!tpu.dma_semaphore, #tpu.memory_space<semaphore_mem>> -> memref<1x!tpu.dma_semaphore, #tpu.memory_space<semaphore_mem>>
    %dma_wait3A_227 = tpu.memref_squeeze %dma_wait3A_226 : memref<1x!tpu.dma_semaphore, #tpu.memory_space<semaphore_mem>> -> memref<!tpu.dma_semaphore, #tpu.memory_space<semaphore_mem>>
    %dma_wait3A_228 = arith.constant 0 : i32
    %dma_wait3A_229 = tpu.memref_slice %arg7[%rem3A_221, %dma_wait3A_228] : memref<8x40xi32, #tpu.memory_space<vmem>> -> memref<1x40xi32, #tpu.memory_space<vmem>>
    %dma_wait3A_230 = tpu.memref_squeeze %dma_wait3A_229 : memref<1x40xi32, #tpu.memory_space<vmem>> -> memref<40xi32, #tpu.memory_space<vmem>>
    %dma_wait3A_231 = tpu.memref_slice %arg3[%mul3A_2] : memref<320000xi32, #tpu.memory_space<hbm>> -> memref<40xi32, #tpu.memory_space<hbm>>
    tpu.wait_dma2 semaphore(%dma_wait3A_227 : memref<!tpu.dma_semaphore, #tpu.memory_space<semaphore_mem>>) src(%dma_wait3A_231 : memref<40xi32, #tpu.memory_space<hbm>>) dst(%dma_wait3A_230 : memref<40xi32, #tpu.memory_space<vmem>>)
    %dma_wait3A_232 = arith.constant 0 : i32
    %dma_wait3A_233 = tpu.memref_slice %arg8[%rem3A_221, %dma_wait3A_232] : memref<8x40xi32, #tpu.memory_space<vmem>> -> memref<1x40xi32, #tpu.memory_space<vmem>>
    %dma_wait3A_234 = tpu.memref_squeeze %dma_wait3A_233 : memref<1x40xi32, #tpu.memory_space<vmem>> -> memref<40xi32, #tpu.memory_space<vmem>>
    %dma_wait3A_235 = tpu.memref_slice %arg4[%mul3A_2] : memref<320000xi32, #tpu.memory_space<hbm>> -> memref<40xi32, #tpu.memory_space<hbm>>
    %dma_wait3A_236 = tpu.memref_slice %arg13[%rem3A_221] : memref<8x!tpu.dma_semaphore, #tpu.memory_space<semaphore_mem>> -> memref<1x!tpu.dma_semaphore, #tpu.memory_space<semaphore_mem>>
    %dma_wait3A_237 = tpu.memref_squeeze %dma_wait3A_236 : memref<1x!tpu.dma_semaphore, #tpu.memory_space<semaphore_mem>> -> memref<!tpu.dma_semaphore, #tpu.memory_space<semaphore_mem>>
    %dma_wait3A_238 = arith.constant 0 : i32
    %dma_wait3A_239 = tpu.memref_slice %arg8[%rem3A_221, %dma_wait3A_238] : memref<8x40xi32, #tpu.memory_space<vmem>> -> memref<1x40xi32, #tpu.memory_space<vmem>>
    %dma_wait3A_240 = tpu.memref_squeeze %dma_wait3A_239 : memref<1x40xi32, #tpu.memory_space<vmem>> -> memref<40xi32, #tpu.memory_space<vmem>>
    %dma_wait3A_241 = tpu.memref_slice %arg4[%mul3A_2] : memref<320000xi32, #tpu.memory_space<hbm>> -> memref<40xi32, #tpu.memory_space<hbm>>
    tpu.wait_dma2 semaphore(%dma_wait3A_237 : memref<!tpu.dma_semaphore, #tpu.memory_space<semaphore_mem>>) src(%dma_wait3A_241 : memref<40xi32, #tpu.memory_space<hbm>>) dst(%dma_wait3A_240 : memref<40xi32, #tpu.memory_space<vmem>>)
    %rem3A_242 = arith.constant 2 : i32
    %rem3A_243 = arith.constant 4 : i32
    %rem3A_244 = arith.remsi %rem3A_242, %rem3A_243 : i32
    %rem3A_245 = arith.constant 2 : i32
    %rem3A_246 = arith.constant 8 : i32
    %rem3A_247 = arith.remsi %rem3A_245, %rem3A_246 : i32
    %dma_start3A_248 = arith.constant 0 : i32
    %dma_start3A_249 = arith.constant 0 : i32
    %dma_start3A_250 = tpu.memref_slice %arg9[%rem3A_244, %dma_start3A_248, %dma_start3A_249] : memref<4x40x128xf32, #tpu.memory_space<vmem>> -> memref<1x40x128xf32, #tpu.memory_space<vmem>>
    %dma_start3A_251 = tpu.memref_squeeze %dma_start3A_250 : memref<1x40x128xf32, #tpu.memory_space<vmem>> -> memref<40x128xf32, #tpu.memory_space<vmem>>
    %dma_start3A_252 = arith.constant 0 : i32
    %dma_start3A_253 = tpu.memref_slice %arg7[%rem3A_247, %dma_start3A_252] : memref<8x40xi32, #tpu.memory_space<vmem>> -> memref<1x40xi32, #tpu.memory_space<vmem>>
    %dma_start3A_254 = tpu.memref_squeeze %dma_start3A_253 : memref<1x40xi32, #tpu.memory_space<vmem>> -> memref<40xi32, #tpu.memory_space<vmem>>
    %dma_start3A_255 = arith.constant 0 : i32
    %dma_start3A_256 = arith.constant 0 : i32
    %dma_start3A_257 = tpu.memref_slice %arg2[%dma_start3A_255, %dma_start3A_256] : memref<10000x128xf32, #tpu.memory_space<hbm>> -> memref<10000x128xf32, #tpu.memory_space<hbm>>
    %dma_start3A_258 = tpu.memref_slice %arg14[%rem3A_244] : memref<4x!tpu.dma_semaphore, #tpu.memory_space<semaphore_mem>> -> memref<1x!tpu.dma_semaphore, #tpu.memory_space<semaphore_mem>>
    %dma_start3A_259 = tpu.memref_squeeze %dma_start3A_258 : memref<1x!tpu.dma_semaphore, #tpu.memory_space<semaphore_mem>> -> memref<!tpu.dma_semaphore, #tpu.memory_space<semaphore_mem>>
    tpu.enqueue_indirect_dma source(%dma_start3A_257 : memref<10000x128xf32, #tpu.memory_space<hbm>>) target(%dma_start3A_251 : memref<40x128xf32, #tpu.memory_space<vmem>>) offsets(%dma_start3A_254 : memref<40xi32, #tpu.memory_space<vmem>>) semaphore(%dma_start3A_259 : memref<!tpu.dma_semaphore, #tpu.memory_space<semaphore_mem>>)
    %rem3A_260 = arith.constant 0 : i32
    %rem3A_261 = arith.constant 3 : i32
    %rem3A_262 = arith.remsi %rem3A_260, %rem3A_261 : i32
    %add3A_263 = arith.constant 0 : i32
    %add3A_264 = arith.addi %mul3A_2, %add3A_263 : i32
    %dma_start3A_265 = arith.constant 0 : i32
    %dma_start3A_266 = arith.constant 0 : i32
    %dma_start3A_267 = tpu.memref_slice %arg10[%rem3A_262, %dma_start3A_265, %dma_start3A_266] : memref<3x40x128xf32, #tpu.memory_space<vmem>> -> memref<1x40x128xf32, #tpu.memory_space<vmem>>
    %dma_start3A_268 = tpu.memref_squeeze %dma_start3A_267 : memref<1x40x128xf32, #tpu.memory_space<vmem>> -> memref<40x128xf32, #tpu.memory_space<vmem>>
    %dma_start3A_269 = arith.constant 0 : i32
    %dma_start3A_270 = tpu.memref_slice %arg5[%add3A_264, %dma_start3A_269] : memref<320000x128xf32, #tpu.memory_space<hbm>> -> memref<40x128xf32, #tpu.memory_space<hbm>>
    %dma_start3A_271 = tpu.memref_slice %arg15[%rem3A_262] : memref<3x!tpu.dma_semaphore, #tpu.memory_space<semaphore_mem>> -> memref<1x!tpu.dma_semaphore, #tpu.memory_space<semaphore_mem>>
    %dma_start3A_272 = tpu.memref_squeeze %dma_start3A_271 : memref<1x!tpu.dma_semaphore, #tpu.memory_space<semaphore_mem>> -> memref<!tpu.dma_semaphore, #tpu.memory_space<semaphore_mem>>
    %dma_start3A_273 = arith.constant 0 : i32
    %dma_start3A_274 = arith.constant 0 : i32
    %dma_start3A_275 = tpu.memref_slice %arg10[%rem3A_262, %dma_start3A_273, %dma_start3A_274] : memref<3x40x128xf32, #tpu.memory_space<vmem>> -> memref<1x40x128xf32, #tpu.memory_space<vmem>>
    %dma_start3A_276 = tpu.memref_squeeze %dma_start3A_275 : memref<1x40x128xf32, #tpu.memory_space<vmem>> -> memref<40x128xf32, #tpu.memory_space<vmem>>
    %dma_start3A_277 = arith.constant 0 : i32
    %dma_start3A_278 = tpu.memref_slice %arg5[%add3A_264, %dma_start3A_277] : memref<320000x128xf32, #tpu.memory_space<hbm>> -> memref<40x128xf32, #tpu.memory_space<hbm>>
    tpu.enqueue_dma source(%dma_start3A_278 : memref<40x128xf32, #tpu.memory_space<hbm>>) target(%dma_start3A_276 : memref<40x128xf32, #tpu.memory_space<vmem>>) target_semaphore(%dma_start3A_272 : memref<!tpu.dma_semaphore, #tpu.memory_space<semaphore_mem>>)
    %rem3A_279 = arith.constant 1 : i32
    %rem3A_280 = arith.constant 3 : i32
    %rem3A_281 = arith.remsi %rem3A_279, %rem3A_280 : i32
    %add3A_282 = arith.constant 40 : i32
    %add3A_283 = arith.addi %mul3A_2, %add3A_282 : i32
    %dma_start3A_284 = arith.constant 0 : i32
    %dma_start3A_285 = arith.constant 0 : i32
    %dma_start3A_286 = tpu.memref_slice %arg10[%rem3A_281, %dma_start3A_284, %dma_start3A_285] : memref<3x40x128xf32, #tpu.memory_space<vmem>> -> memref<1x40x128xf32, #tpu.memory_space<vmem>>
    %dma_start3A_287 = tpu.memref_squeeze %dma_start3A_286 : memref<1x40x128xf32, #tpu.memory_space<vmem>> -> memref<40x128xf32, #tpu.memory_space<vmem>>
    %dma_start3A_288 = arith.constant 0 : i32
    %dma_start3A_289 = tpu.memref_slice %arg5[%add3A_283, %dma_start3A_288] : memref<320000x128xf32, #tpu.memory_space<hbm>> -> memref<40x128xf32, #tpu.memory_space<hbm>>
    %dma_start3A_290 = tpu.memref_slice %arg15[%rem3A_281] : memref<3x!tpu.dma_semaphore, #tpu.memory_space<semaphore_mem>> -> memref<1x!tpu.dma_semaphore, #tpu.memory_space<semaphore_mem>>
    %dma_start3A_291 = tpu.memref_squeeze %dma_start3A_290 : memref<1x!tpu.dma_semaphore, #tpu.memory_space<semaphore_mem>> -> memref<!tpu.dma_semaphore, #tpu.memory_space<semaphore_mem>>
    %dma_start3A_292 = arith.constant 0 : i32
    %dma_start3A_293 = arith.constant 0 : i32
    %dma_start3A_294 = tpu.memref_slice %arg10[%rem3A_281, %dma_start3A_292, %dma_start3A_293] : memref<3x40x128xf32, #tpu.memory_space<vmem>> -> memref<1x40x128xf32, #tpu.memory_space<vmem>>
    %dma_start3A_295 = tpu.memref_squeeze %dma_start3A_294 : memref<1x40x128xf32, #tpu.memory_space<vmem>> -> memref<40x128xf32, #tpu.memory_space<vmem>>
    %dma_start3A_296 = arith.constant 0 : i32
    %dma_start3A_297 = tpu.memref_slice %arg5[%add3A_283, %dma_start3A_296] : memref<320000x128xf32, #tpu.memory_space<hbm>> -> memref<40x128xf32, #tpu.memory_space<hbm>>
    tpu.enqueue_dma source(%dma_start3A_297 : memref<40x128xf32, #tpu.memory_space<hbm>>) target(%dma_start3A_295 : memref<40x128xf32, #tpu.memory_space<vmem>>) target_semaphore(%dma_start3A_291 : memref<!tpu.dma_semaphore, #tpu.memory_space<semaphore_mem>>)
    %scan3A = arith.constant 0 : i32
    %scan3A_298 = arith.constant 0 : i32
    %scan3A_299 = arith.constant 40 : i32
    %scan3A_300 = arith.addi %scan3A_298, %scan3A_299 : i32
    %scan3A_301 = arith.constant 1 : i32
    scf.for %scan3A_397 = %scan3A_298 to %scan3A_300 step %scan3A_301  : i32 {
      %broadcast_in_dim3A = arith.constant 0.000000e+00 : f32
      %broadcast_in_dim3A_398 = vector.broadcast %broadcast_in_dim3A : f32 to vector<16xf32>
      %swap3A = arith.constant 0 : i32
      %swap3A_399 = arith.index_cast %swap3A : i32 to index
      %swap3A_400 = arith.index_cast %scan3A_397 : i32 to index
      %swap3A_401 = arith.constant 0 : index
      %swap3A_402 = tpu.vector_load %arg11[%swap3A_399, %swap3A_400, %swap3A_401] {strides = array<i32>} : memref<2x40x128xf32, #tpu.memory_space<vmem>>, vector<1x1x16xf32>,
      %swap3A_403 = vector.shape_cast %swap3A_402 : vector<1x1x16xf32> to vector<16xf32>
      %swap3A_404 = vector.shape_cast %broadcast_in_dim3A_398 : vector<16xf32> to vector<1x1x16xf32>
      tpu.vector_store %arg11[%swap3A_399, %swap3A_400, %swap3A_401], %swap3A_404 {strides = array<i32>} : memref<2x40x128xf32, #tpu.memory_space<vmem>>, vector<1x1x16xf32>,
      %broadcast_in_dim3A_405 = arith.constant 0.000000e+00 : f32
      %broadcast_in_dim3A_406 = vector.broadcast %broadcast_in_dim3A_405 : f32 to vector<16xf32>
      %swap3A_407 = arith.constant 0 : i32
      %swap3A_408 = arith.index_cast %swap3A_407 : i32 to index
      %swap3A_409 = arith.index_cast %scan3A_397 : i32 to index
      %swap3A_410 = arith.constant 16 : index
      %swap3A_411 = tpu.vector_load %arg11[%swap3A_408, %swap3A_409, %swap3A_410] {strides = array<i32>} : memref<2x40x128xf32, #tpu.memory_space<vmem>>, vector<1x1x16xf32>,
      %swap3A_412 = vector.shape_cast %swap3A_411 : vector<1x1x16xf32> to vector<16xf32>
      %swap3A_413 = vector.shape_cast %broadcast_in_dim3A_406 : vector<16xf32> to vector<1x1x16xf32>
      tpu.vector_store %arg11[%swap3A_408, %swap3A_409, %swap3A_410], %swap3A_413 {strides = array<i32>} : memref<2x40x128xf32, #tpu.memory_space<vmem>>, vector<1x1x16xf32>,
      %broadcast_in_dim3A_414 = arith.constant 0.000000e+00 : f32
      %broadcast_in_dim3A_415 = vector.broadcast %broadcast_in_dim3A_414 : f32 to vector<16xf32>
      %swap3A_416 = arith.constant 0 : i32
      %swap3A_417 = arith.index_cast %swap3A_416 : i32 to index
      %swap3A_418 = arith.index_cast %scan3A_397 : i32 to index
      %swap3A_419 = arith.constant 32 : index
      %swap3A_420 = tpu.vector_load %arg11[%swap3A_417, %swap3A_418, %swap3A_419] {strides = array<i32>} : memref<2x40x128xf32, #tpu.memory_space<vmem>>, vector<1x1x16xf32>,
      %swap3A_421 = vector.shape_cast %swap3A_420 : vector<1x1x16xf32> to vector<16xf32>
      %swap3A_422 = vector.shape_cast %broadcast_in_dim3A_415 : vector<16xf32> to vector<1x1x16xf32>
      tpu.vector_store %arg11[%swap3A_417, %swap3A_418, %swap3A_419], %swap3A_422 {strides = array<i32>} : memref<2x40x128xf32, #tpu.memory_space<vmem>>, vector<1x1x16xf32>,
      %broadcast_in_dim3A_423 = arith.constant 0.000000e+00 : f32
      %broadcast_in_dim3A_424 = vector.broadcast %broadcast_in_dim3A_423 : f32 to vector<16xf32>
      %swap3A_425 = arith.constant 0 : i32
      %swap3A_426 = arith.index_cast %swap3A_425 : i32 to index
      %swap3A_427 = arith.index_cast %scan3A_397 : i32 to index
      %swap3A_428 = arith.constant 48 : index
      %swap3A_429 = tpu.vector_load %arg11[%swap3A_426, %swap3A_427, %swap3A_428] {strides = array<i32>} : memref<2x40x128xf32, #tpu.memory_space<vmem>>, vector<1x1x16xf32>,
      %swap3A_430 = vector.shape_cast %swap3A_429 : vector<1x1x16xf32> to vector<16xf32>
      %swap3A_431 = vector.shape_cast %broadcast_in_dim3A_424 : vector<16xf32> to vector<1x1x16xf32>
      tpu.vector_store %arg11[%swap3A_426, %swap3A_427, %swap3A_428], %swap3A_431 {strides = array<i32>} : memref<2x40x128xf32, #tpu.memory_space<vmem>>, vector<1x1x16xf32>,
      %broadcast_in_dim3A_432 = arith.constant 0.000000e+00 : f32
      %broadcast_in_dim3A_433 = vector.broadcast %broadcast_in_dim3A_432 : f32 to vector<16xf32>
      %swap3A_434 = arith.constant 0 : i32
      %swap3A_435 = arith.index_cast %swap3A_434 : i32 to index
      %swap3A_436 = arith.index_cast %scan3A_397 : i32 to index
      %swap3A_437 = arith.constant 64 : index
      %swap3A_438 = tpu.vector_load %arg11[%swap3A_435, %swap3A_436, %swap3A_437] {strides = array<i32>} : memref<2x40x128xf32, #tpu.memory_space<vmem>>, vector<1x1x16xf32>,
      %swap3A_439 = vector.shape_cast %swap3A_438 : vector<1x1x16xf32> to vector<16xf32>
      %swap3A_440 = vector.shape_cast %broadcast_in_dim3A_433 : vector<16xf32> to vector<1x1x16xf32>
      tpu.vector_store %arg11[%swap3A_435, %swap3A_436, %swap3A_437], %swap3A_440 {strides = array<i32>} : memref<2x40x128xf32, #tpu.memory_space<vmem>>, vector<1x1x16xf32>,
      %broadcast_in_dim3A_441 = arith.constant 0.000000e+00 : f32
      %broadcast_in_dim3A_442 = vector.broadcast %broadcast_in_dim3A_441 : f32 to vector<16xf32>
      %swap3A_443 = arith.constant 0 : i32
      %swap3A_444 = arith.index_cast %swap3A_443 : i32 to index
      %swap3A_445 = arith.index_cast %scan3A_397 : i32 to index
      %swap3A_446 = arith.constant 80 : index
      %swap3A_447 = tpu.vector_load %arg11[%swap3A_444, %swap3A_445, %swap3A_446] {strides = array<i32>} : memref<2x40x128xf32, #tpu.memory_space<vmem>>, vector<1x1x16xf32>,
      %swap3A_448 = vector.shape_cast %swap3A_447 : vector<1x1x16xf32> to vector<16xf32>
      %swap3A_449 = vector.shape_cast %broadcast_in_dim3A_442 : vector<16xf32> to vector<1x1x16xf32>
      tpu.vector_store %arg11[%swap3A_444, %swap3A_445, %swap3A_446], %swap3A_449 {strides = array<i32>} : memref<2x40x128xf32, #tpu.memory_space<vmem>>, vector<1x1x16xf32>,
      %broadcast_in_dim3A_450 = arith.constant 0.000000e+00 : f32
      %broadcast_in_dim3A_451 = vector.broadcast %broadcast_in_dim3A_450 : f32 to vector<16xf32>
      %swap3A_452 = arith.constant 0 : i32
      %swap3A_453 = arith.index_cast %swap3A_452 : i32 to index
      %swap3A_454 = arith.index_cast %scan3A_397 : i32 to index
      %swap3A_455 = arith.constant 96 : index
      %swap3A_456 = tpu.vector_load %arg11[%swap3A_453, %swap3A_454, %swap3A_455] {strides = array<i32>} : memref<2x40x128xf32, #tpu.memory_space<vmem>>, vector<1x1x16xf32>,
      %swap3A_457 = vector.shape_cast %swap3A_456 : vector<1x1x16xf32> to vector<16xf32>
      %swap3A_458 = vector.shape_cast %broadcast_in_dim3A_451 : vector<16xf32> to vector<1x1x16xf32>
      tpu.vector_store %arg11[%swap3A_453, %swap3A_454, %swap3A_455], %swap3A_458 {strides = array<i32>} : memref<2x40x128xf32, #tpu.memory_space<vmem>>, vector<1x1x16xf32>,
      %broadcast_in_dim3A_459 = arith.constant 0.000000e+00 : f32
      %broadcast_in_dim3A_460 = vector.broadcast %broadcast_in_dim3A_459 : f32 to vector<16xf32>
      %swap3A_461 = arith.constant 0 : i32
      %swap3A_462 = arith.index_cast %swap3A_461 : i32 to index
      %swap3A_463 = arith.index_cast %scan3A_397 : i32 to index
      %swap3A_464 = arith.constant 112 : index
      %swap3A_465 = tpu.vector_load %arg11[%swap3A_462, %swap3A_463, %swap3A_464] {strides = array<i32>} : memref<2x40x128xf32, #tpu.memory_space<vmem>>, vector<1x1x16xf32>,
      %swap3A_466 = vector.shape_cast %swap3A_465 : vector<1x1x16xf32> to vector<16xf32>
      %swap3A_467 = vector.shape_cast %broadcast_in_dim3A_460 : vector<16xf32> to vector<1x1x16xf32>
      tpu.vector_store %arg11[%swap3A_462, %swap3A_463, %swap3A_464], %swap3A_467 {strides = array<i32>} : memref<2x40x128xf32, #tpu.memory_space<vmem>>, vector<1x1x16xf32>,
    }
    %scan3A_302 = arith.constant 40 : i32
    %add3A_303 = arith.constant 0 : i32
    %add3A_304 = arith.addi %mul3A_4, %add3A_303 : i32
    %run_scoped3A = arith.constant 0 : i32
    "tpu.region"() ({
      %run_scoped3A_397 = tpu.sem_alloc : memref<!tpu.dma_semaphore, #tpu.memory_space<semaphore_mem>>
      %dma_start3A_398 = arith.constant 0 : i32
      %dma_start3A_399 = arith.constant 0 : i32
      %dma_start3A_400 = tpu.memref_slice %arg11[%run_scoped3A, %dma_start3A_398, %dma_start3A_399] : memref<2x40x128xf32, #tpu.memory_space<vmem>> -> memref<1x40x128xf32, #tpu.memory_space<vmem>>
      %dma_start3A_401 = tpu.memref_squeeze %dma_start3A_400 : memref<1x40x128xf32, #tpu.memory_space<vmem>> -> memref<40x128xf32, #tpu.memory_space<vmem>>
      %dma_start3A_402 = arith.constant 0 : i32
      %dma_start3A_403 = tpu.memref_slice %arg12[%add3A_304, %dma_start3A_402] : memref<10000x128xf32, #tpu.memory_space<vmem_shared>> -> memref<40x128xf32, #tpu.memory_space<vmem_shared>>
      %dma_start3A_404 = arith.constant 0 : i32
      %dma_start3A_405 = tpu.memref_slice %arg12[%add3A_304, %dma_start3A_404] : memref<10000x128xf32, #tpu.memory_space<vmem_shared>> -> memref<40x128xf32, #tpu.memory_space<vmem_shared>>
      %dma_start3A_406 = arith.constant 0 : i32
      %dma_start3A_407 = arith.constant 0 : i32
      %dma_start3A_408 = tpu.memref_slice %arg11[%run_scoped3A, %dma_start3A_406, %dma_start3A_407] : memref<2x40x128xf32, #tpu.memory_space<vmem>> -> memref<1x40x128xf32, #tpu.memory_space<vmem>>
      %dma_start3A_409 = tpu.memref_squeeze %dma_start3A_408 : memref<1x40x128xf32, #tpu.memory_space<vmem>> -> memref<40x128xf32, #tpu.memory_space<vmem>>
      tpu.enqueue_dma source(%dma_start3A_409 : memref<40x128xf32, #tpu.memory_space<vmem>>) target(%dma_start3A_405 : memref<40x128xf32, #tpu.memory_space<vmem_shared>>) target_semaphore(%run_scoped3A_397 : memref<!tpu.dma_semaphore, #tpu.memory_space<semaphore_mem>>)
      %dma_wait3A_410 = arith.constant 0 : i32
      %dma_wait3A_411 = arith.constant 0 : i32
      %dma_wait3A_412 = tpu.memref_slice %arg11[%run_scoped3A, %dma_wait3A_410, %dma_wait3A_411] : memref<2x40x128xf32, #tpu.memory_space<vmem>> -> memref<1x40x128xf32, #tpu.memory_space<vmem>>
      %dma_wait3A_413 = tpu.memref_squeeze %dma_wait3A_412 : memref<1x40x128xf32, #tpu.memory_space<vmem>> -> memref<40x128xf32, #tpu.memory_space<vmem>>
      %dma_wait3A_414 = arith.constant 0 : i32
      %dma_wait3A_415 = tpu.memref_slice %arg12[%add3A_304, %dma_wait3A_414] : memref<10000x128xf32, #tpu.memory_space<vmem_shared>> -> memref<40x128xf32, #tpu.memory_space<vmem_shared>>
      %dma_wait3A_416 = arith.constant 0 : i32
      %dma_wait3A_417 = tpu.memref_slice %arg12[%add3A_304, %dma_wait3A_416] : memref<10000x128xf32, #tpu.memory_space<vmem_shared>> -> memref<40x128xf32, #tpu.memory_space<vmem_shared>>
      %dma_wait3A_418 = arith.constant 0 : i32
      %dma_wait3A_419 = arith.constant 0 : i32
      %dma_wait3A_420 = tpu.memref_slice %arg11[%run_scoped3A, %dma_wait3A_418, %dma_wait3A_419] : memref<2x40x128xf32, #tpu.memory_space<vmem>> -> memref<1x40x128xf32, #tpu.memory_space<vmem>>
      %dma_wait3A_421 = tpu.memref_squeeze %dma_wait3A_420 : memref<1x40x128xf32, #tpu.memory_space<vmem>> -> memref<40x128xf32, #tpu.memory_space<vmem>>
      tpu.wait_dma2 semaphore(%run_scoped3A_397 : memref<!tpu.dma_semaphore, #tpu.memory_space<semaphore_mem>>) src(%dma_wait3A_421 : memref<40x128xf32, #tpu.memory_space<vmem>>) dst(%dma_wait3A_417 : memref<40x128xf32, #tpu.memory_space<vmem_shared>>)
      tpu.yield
    }) : () -> ()
    %add3A_305 = arith.constant 40 : i32
    %add3A_306 = arith.addi %mul3A_4, %add3A_305 : i32
    %run_scoped3A_307 = arith.constant 0 : i32
    "tpu.region"() ({
      %run_scoped3A_397 = tpu.sem_alloc : memref<!tpu.dma_semaphore, #tpu.memory_space<semaphore_mem>>
      %dma_start3A_398 = arith.constant 0 : i32
      %dma_start3A_399 = arith.constant 0 : i32
      %dma_start3A_400 = tpu.memref_slice %arg11[%run_scoped3A_307, %dma_start3A_398, %dma_start3A_399] : memref<2x40x128xf32, #tpu.memory_space<vmem>> -> memref<1x40x128xf32, #tpu.memory_space<vmem>>
      %dma_start3A_401 = tpu.memref_squeeze %dma_start3A_400 : memref<1x40x128xf32, #tpu.memory_space<vmem>> -> memref<40x128xf32, #tpu.memory_space<vmem>>
      %dma_start3A_402 = arith.constant 0 : i32
      %dma_start3A_403 = tpu.memref_slice %arg12[%add3A_306, %dma_start3A_402] : memref<10000x128xf32, #tpu.memory_space<vmem_shared>> -> memref<40x128xf32, #tpu.memory_space<vmem_shared>>
      %dma_start3A_404 = arith.constant 0 : i32
      %dma_start3A_405 = tpu.memref_slice %arg12[%add3A_306, %dma_start3A_404] : memref<10000x128xf32, #tpu.memory_space<vmem_shared>> -> memref<40x128xf32, #tpu.memory_space<vmem_shared>>
      %dma_start3A_406 = arith.constant 0 : i32
      %dma_start3A_407 = arith.constant 0 : i32
      %dma_start3A_408 = tpu.memref_slice %arg11[%run_scoped3A_307, %dma_start3A_406, %dma_start3A_407] : memref<2x40x128xf32, #tpu.memory_space<vmem>> -> memref<1x40x128xf32, #tpu.memory_space<vmem>>
      %dma_start3A_409 = tpu.memref_squeeze %dma_start3A_408 : memref<1x40x128xf32, #tpu.memory_space<vmem>> -> memref<40x128xf32, #tpu.memory_space<vmem>>
      tpu.enqueue_dma source(%dma_start3A_409 : memref<40x128xf32, #tpu.memory_space<vmem>>) target(%dma_start3A_405 : memref<40x128xf32, #tpu.memory_space<vmem_shared>>) target_semaphore(%run_scoped3A_397 : memref<!tpu.dma_semaphore, #tpu.memory_space<semaphore_mem>>)
      %dma_wait3A_410 = arith.constant 0 : i32
      %dma_wait3A_411 = arith.constant 0 : i32
      %dma_wait3A_412 = tpu.memref_slice %arg11[%run_scoped3A_307, %dma_wait3A_410, %dma_wait3A_411] : memref<2x40x128xf32, #tpu.memory_space<vmem>> -> memref<1x40x128xf32, #tpu.memory_space<vmem>>
      %dma_wait3A_413 = tpu.memref_squeeze %dma_wait3A_412 : memref<1x40x128xf32, #tpu.memory_space<vmem>> -> memref<40x128xf32, #tpu.memory_space<vmem>>
      %dma_wait3A_414 = arith.constant 0 : i32
      %dma_wait3A_415 = tpu.memref_slice %arg12[%add3A_306, %dma_wait3A_414] : memref<10000x128xf32, #tpu.memory_space<vmem_shared>> -> memref<40x128xf32, #tpu.memory_space<vmem_shared>>
      %dma_wait3A_416 = arith.constant 0 : i32
      %dma_wait3A_417 = tpu.memref_slice %arg12[%add3A_306, %dma_wait3A_416] : memref<10000x128xf32, #tpu.memory_space<vmem_shared>> -> memref<40x128xf32, #tpu.memory_space<vmem_shared>>
      %dma_wait3A_418 = arith.constant 0 : i32
      %dma_wait3A_419 = arith.constant 0 : i32
      %dma_wait3A_420 = tpu.memref_slice %arg11[%run_scoped3A_307, %dma_wait3A_418, %dma_wait3A_419] : memref<2x40x128xf32, #tpu.memory_space<vmem>> -> memref<1x40x128xf32, #tpu.memory_space<vmem>>
      %dma_wait3A_421 = tpu.memref_squeeze %dma_wait3A_420 : memref<1x40x128xf32, #tpu.memory_space<vmem>> -> memref<40x128xf32, #tpu.memory_space<vmem>>
      tpu.wait_dma2 semaphore(%run_scoped3A_397 : memref<!tpu.dma_semaphore, #tpu.memory_space<semaphore_mem>>) src(%dma_wait3A_421 : memref<40x128xf32, #tpu.memory_space<vmem>>) dst(%dma_wait3A_417 : memref<40x128xf32, #tpu.memory_space<vmem_shared>>)
      tpu.yield
    }) : () -> ()
    %add3A_308 = arith.constant 80 : i32
    %add3A_309 = arith.addi %mul3A_4, %add3A_308 : i32
    %run_scoped3A_310 = arith.constant 0 : i32
    "tpu.region"() ({
      %run_scoped3A_397 = tpu.sem_alloc : memref<!tpu.dma_semaphore, #tpu.memory_space<semaphore_mem>>
      %dma_start3A_398 = arith.constant 0 : i32
      %dma_start3A_399 = arith.constant 0 : i32
      %dma_start3A_400 = tpu.memref_slice %arg11[%run_scoped3A_310, %dma_start3A_398, %dma_start3A_399] : memref<2x40x128xf32, #tpu.memory_space<vmem>> -> memref<1x40x128xf32, #tpu.memory_space<vmem>>
      %dma_start3A_401 = tpu.memref_squeeze %dma_start3A_400 : memref<1x40x128xf32, #tpu.memory_space<vmem>> -> memref<40x128xf32, #tpu.memory_space<vmem>>
      %dma_start3A_402 = arith.constant 0 : i32
      %dma_start3A_403 = tpu.memref_slice %arg12[%add3A_309, %dma_start3A_402] : memref<10000x128xf32, #tpu.memory_space<vmem_shared>> -> memref<40x128xf32, #tpu.memory_space<vmem_shared>>
      %dma_start3A_404 = arith.constant 0 : i32
      %dma_start3A_405 = tpu.memref_slice %arg12[%add3A_309, %dma_start3A_404] : memref<10000x128xf32, #tpu.memory_space<vmem_shared>> -> memref<40x128xf32, #tpu.memory_space<vmem_shared>>
      %dma_start3A_406 = arith.constant 0 : i32
      %dma_start3A_407 = arith.constant 0 : i32
      %dma_start3A_408 = tpu.memref_slice %arg11[%run_scoped3A_310, %dma_start3A_406, %dma_start3A_407] : memref<2x40x128xf32, #tpu.memory_space<vmem>> -> memref<1x40x128xf32, #tpu.memory_space<vmem>>
      %dma_start3A_409 = tpu.memref_squeeze %dma_start3A_408 : memref<1x40x128xf32, #tpu.memory_space<vmem>> -> memref<40x128xf32, #tpu.memory_space<vmem>>
      tpu.enqueue_dma source(%dma_start3A_409 : memref<40x128xf32, #tpu.memory_space<vmem>>) target(%dma_start3A_405 : memref<40x128xf32, #tpu.memory_space<vmem_shared>>) target_semaphore(%run_scoped3A_397 : memref<!tpu.dma_semaphore, #tpu.memory_space<semaphore_mem>>)
      %dma_wait3A_410 = arith.constant 0 : i32
      %dma_wait3A_411 = arith.constant 0 : i32
      %dma_wait3A_412 = tpu.memref_slice %arg11[%run_scoped3A_310, %dma_wait3A_410, %dma_wait3A_411] : memref<2x40x128xf32, #tpu.memory_space<vmem>> -> memref<1x40x128xf32, #tpu.memory_space<vmem>>
      %dma_wait3A_413 = tpu.memref_squeeze %dma_wait3A_412 : memref<1x40x128xf32, #tpu.memory_space<vmem>> -> memref<40x128xf32, #tpu.memory_space<vmem>>
      %dma_wait3A_414 = arith.constant 0 : i32
      %dma_wait3A_415 = tpu.memref_slice %arg12[%add3A_309, %dma_wait3A_414] : memref<10000x128xf32, #tpu.memory_space<vmem_shared>> -> memref<40x128xf32, #tpu.memory_space<vmem_shared>>
      %dma_wait3A_416 = arith.constant 0 : i32
      %dma_wait3A_417 = tpu.memref_slice %arg12[%add3A_309, %dma_wait3A_416] : memref<10000x128xf32, #tpu.memory_space<vmem_shared>> -> memref<40x128xf32, #tpu.memory_space<vmem_shared>>
      %dma_wait3A_418 = arith.constant 0 : i32
      %dma_wait3A_419 = arith.constant 0 : i32
      %dma_wait3A_420 = tpu.memref_slice %arg11[%run_scoped3A_310, %dma_wait3A_418, %dma_wait3A_419] : memref<2x40x128xf32, #tpu.memory_space<vmem>> -> memref<1x40x128xf32, #tpu.memory_space<vmem>>
      %dma_wait3A_421 = tpu.memref_squeeze %dma_wait3A_420 : memref<1x40x128xf32, #tpu.memory_space<vmem>> -> memref<40x128xf32, #tpu.memory_space<vmem>>
      tpu.wait_dma2 semaphore(%run_scoped3A_397 : memref<!tpu.dma_semaphore, #tpu.memory_space<semaphore_mem>>) src(%dma_wait3A_421 : memref<40x128xf32, #tpu.memory_space<vmem>>) dst(%dma_wait3A_417 : memref<40x128xf32, #tpu.memory_space<vmem_shared>>)
      tpu.yield
    }) : () -> ()
    %add3A_311 = arith.constant 120 : i32
    %add3A_312 = arith.addi %mul3A_4, %add3A_311 : i32
    %run_scoped3A_313 = arith.constant 0 : i32
    "tpu.region"() ({
      %run_scoped3A_397 = tpu.sem_alloc : memref<!tpu.dma_semaphore, #tpu.memory_space<semaphore_mem>>
      %dma_start3A_398 = arith.constant 0 : i32
      %dma_start3A_399 = arith.constant 0 : i32
      %dma_start3A_400 = tpu.memref_slice %arg11[%run_scoped3A_313, %dma_start3A_398, %dma_start3A_399] : memref<2x40x128xf32, #tpu.memory_space<vmem>> -> memref<1x40x128xf32, #tpu.memory_space<vmem>>
      %dma_start3A_401 = tpu.memref_squeeze %dma_start3A_400 : memref<1x40x128xf32, #tpu.memory_space<vmem>> -> memref<40x128xf32, #tpu.memory_space<vmem>>
      %dma_start3A_402 = arith.constant 0 : i32
      %dma_start3A_403 = tpu.memref_slice %arg12[%add3A_312, %dma_start3A_402] : memref<10000x128xf32, #tpu.memory_space<vmem_shared>> -> memref<40x128xf32, #tpu.memory_space<vmem_shared>>
      %dma_start3A_404 = arith.constant 0 : i32
      %dma_start3A_405 = tpu.memref_slice %arg12[%add3A_312, %dma_start3A_404] : memref<10000x128xf32, #tpu.memory_space<vmem_shared>> -> memref<40x128xf32, #tpu.memory_space<vmem_shared>>
      %dma_start3A_406 = arith.constant 0 : i32
      %dma_start3A_407 = arith.constant 0 : i32
      %dma_start3A_408 = tpu.memref_slice %arg11[%run_scoped3A_313, %dma_start3A_406, %dma_start3A_407] : memref<2x40x128xf32, #tpu.memory_space<vmem>> -> memref<1x40x128xf32, #tpu.memory_space<vmem>>
      %dma_start3A_409 = tpu.memref_squeeze %dma_start3A_408 : memref<1x40x128xf32, #tpu.memory_space<vmem>> -> memref<40x128xf32, #tpu.memory_space<vmem>>
      tpu.enqueue_dma source(%dma_start3A_409 : memref<40x128xf32, #tpu.memory_space<vmem>>) target(%dma_start3A_405 : memref<40x128xf32, #tpu.memory_space<vmem_shared>>) target_semaphore(%run_scoped3A_397 : memref<!tpu.dma_semaphore, #tpu.memory_space<semaphore_mem>>)
      %dma_wait3A_410 = arith.constant 0 : i32
      %dma_wait3A_411 = arith.constant 0 : i32
      %dma_wait3A_412 = tpu.memref_slice %arg11[%run_scoped3A_313, %dma_wait3A_410, %dma_wait3A_411] : memref<2x40x128xf32, #tpu.memory_space<vmem>> -> memref<1x40x128xf32, #tpu.memory_space<vmem>>
      %dma_wait3A_413 = tpu.memref_squeeze %dma_wait3A_412 : memref<1x40x128xf32, #tpu.memory_space<vmem>> -> memref<40x128xf32, #tpu.memory_space<vmem>>
      %dma_wait3A_414 = arith.constant 0 : i32
      %dma_wait3A_415 = tpu.memref_slice %arg12[%add3A_312, %dma_wait3A_414] : memref<10000x128xf32, #tpu.memory_space<vmem_shared>> -> memref<40x128xf32, #tpu.memory_space<vmem_shared>>
      %dma_wait3A_416 = arith.constant 0 : i32
      %dma_wait3A_417 = tpu.memref_slice %arg12[%add3A_312, %dma_wait3A_416] : memref<10000x128xf32, #tpu.memory_space<vmem_shared>> -> memref<40x128xf32, #tpu.memory_space<vmem_shared>>
      %dma_wait3A_418 = arith.constant 0 : i32
      %dma_wait3A_419 = arith.constant 0 : i32
      %dma_wait3A_420 = tpu.memref_slice %arg11[%run_scoped3A_313, %dma_wait3A_418, %dma_wait3A_419] : memref<2x40x128xf32, #tpu.memory_space<vmem>> -> memref<1x40x128xf32, #tpu.memory_space<vmem>>
      %dma_wait3A_421 = tpu.memref_squeeze %dma_wait3A_420 : memref<1x40x128xf32, #tpu.memory_space<vmem>> -> memref<40x128xf32, #tpu.memory_space<vmem>>
      tpu.wait_dma2 semaphore(%run_scoped3A_397 : memref<!tpu.dma_semaphore, #tpu.memory_space<semaphore_mem>>) src(%dma_wait3A_421 : memref<40x128xf32, #tpu.memory_space<vmem>>) dst(%dma_wait3A_417 : memref<40x128xf32, #tpu.memory_space<vmem_shared>>)
      tpu.yield
    }) : () -> ()
    %add3A_314 = arith.constant 160 : i32
    %add3A_315 = arith.addi %mul3A_4, %add3A_314 : i32
    %run_scoped3A_316 = arith.constant 0 : i32
    "tpu.region"() ({
      %run_scoped3A_397 = tpu.sem_alloc : memref<!tpu.dma_semaphore, #tpu.memory_space<semaphore_mem>>
      %dma_start3A_398 = arith.constant 0 : i32
      %dma_start3A_399 = arith.constant 0 : i32
      %dma_start3A_400 = tpu.memref_slice %arg11[%run_scoped3A_316, %dma_start3A_398, %dma_start3A_399] : memref<2x40x128xf32, #tpu.memory_space<vmem>> -> memref<1x40x128xf32, #tpu.memory_space<vmem>>
      %dma_start3A_401 = tpu.memref_squeeze %dma_start3A_400 : memref<1x40x128xf32, #tpu.memory_space<vmem>> -> memref<40x128xf32, #tpu.memory_space<vmem>>
      %dma_start3A_402 = arith.constant 0 : i32
      %dma_start3A_403 = tpu.memref_slice %arg12[%add3A_315, %dma_start3A_402] : memref<10000x128xf32, #tpu.memory_space<vmem_shared>> -> memref<40x128xf32, #tpu.memory_space<vmem_shared>>
      %dma_start3A_404 = arith.constant 0 : i32
      %dma_start3A_405 = tpu.memref_slice %arg12[%add3A_315, %dma_start3A_404] : memref<10000x128xf32, #tpu.memory_space<vmem_shared>> -> memref<40x128xf32, #tpu.memory_space<vmem_shared>>
      %dma_start3A_406 = arith.constant 0 : i32
      %dma_start3A_407 = arith.constant 0 : i32
      %dma_start3A_408 = tpu.memref_slice %arg11[%run_scoped3A_316, %dma_start3A_406, %dma_start3A_407] : memref<2x40x128xf32, #tpu.memory_space<vmem>> -> memref<1x40x128xf32, #tpu.memory_space<vmem>>
      %dma_start3A_409 = tpu.memref_squeeze %dma_start3A_408 : memref<1x40x128xf32, #tpu.memory_space<vmem>> -> memref<40x128xf32, #tpu.memory_space<vmem>>
      tpu.enqueue_dma source(%dma_start3A_409 : memref<40x128xf32, #tpu.memory_space<vmem>>) target(%dma_start3A_405 : memref<40x128xf32, #tpu.memory_space<vmem_shared>>) target_semaphore(%run_scoped3A_397 : memref<!tpu.dma_semaphore, #tpu.memory_space<semaphore_mem>>)
      %dma_wait3A_410 = arith.constant 0 : i32
      %dma_wait3A_411 = arith.constant 0 : i32
      %dma_wait3A_412 = tpu.memref_slice %arg11[%run_scoped3A_316, %dma_wait3A_410, %dma_wait3A_411] : memref<2x40x128xf32, #tpu.memory_space<vmem>> -> memref<1x40x128xf32, #tpu.memory_space<vmem>>
      %dma_wait3A_413 = tpu.memref_squeeze %dma_wait3A_412 : memref<1x40x128xf32, #tpu.memory_space<vmem>> -> memref<40x128xf32, #tpu.memory_space<vmem>>
      %dma_wait3A_414 = arith.constant 0 : i32
      %dma_wait3A_415 = tpu.memref_slice %arg12[%add3A_315, %dma_wait3A_414] : memref<10000x128xf32, #tpu.memory_space<vmem_shared>> -> memref<40x128xf32, #tpu.memory_space<vmem_shared>>
      %dma_wait3A_416 = arith.constant 0 : i32
      %dma_wait3A_417 = tpu.memref_slice %arg12[%add3A_315, %dma_wait3A_416] : memref<10000x128xf32, #tpu.memory_space<vmem_shared>> -> memref<40x128xf32, #tpu.memory_space<vmem_shared>>
      %dma_wait3A_418 = arith.constant 0 : i32
      %dma_wait3A_419 = arith.constant 0 : i32
      %dma_wait3A_420 = tpu.memref_slice %arg11[%run_scoped3A_316, %dma_wait3A_418, %dma_wait3A_419] : memref<2x40x128xf32, #tpu.memory_space<vmem>> -> memref<1x40x128xf32, #tpu.memory_space<vmem>>
      %dma_wait3A_421 = tpu.memref_squeeze %dma_wait3A_420 : memref<1x40x128xf32, #tpu.memory_space<vmem>> -> memref<40x128xf32, #tpu.memory_space<vmem>>
      tpu.wait_dma2 semaphore(%run_scoped3A_397 : memref<!tpu.dma_semaphore, #tpu.memory_space<semaphore_mem>>) src(%dma_wait3A_421 : memref<40x128xf32, #tpu.memory_space<vmem>>) dst(%dma_wait3A_417 : memref<40x128xf32, #tpu.memory_space<vmem_shared>>)
      tpu.yield
    }) : () -> ()
    %add3A_317 = arith.constant 200 : i32
    %add3A_318 = arith.addi %mul3A_4, %add3A_317 : i32
    %run_scoped3A_319 = arith.constant 0 : i32
    "tpu.region"() ({
      %run_scoped3A_397 = tpu.sem_alloc : memref<!tpu.dma_semaphore, #tpu.memory_space<semaphore_mem>>
      %dma_start3A_398 = arith.constant 0 : i32
      %dma_start3A_399 = arith.constant 0 : i32
      %dma_start3A_400 = tpu.memref_slice %arg11[%run_scoped3A_319, %dma_start3A_398, %dma_start3A_399] : memref<2x40x128xf32, #tpu.memory_space<vmem>> -> memref<1x40x128xf32, #tpu.memory_space<vmem>>
      %dma_start3A_401 = tpu.memref_squeeze %dma_start3A_400 : memref<1x40x128xf32, #tpu.memory_space<vmem>> -> memref<40x128xf32, #tpu.memory_space<vmem>>
      %dma_start3A_402 = arith.constant 0 : i32
      %dma_start3A_403 = tpu.memref_slice %arg12[%add3A_318, %dma_start3A_402] : memref<10000x128xf32, #tpu.memory_space<vmem_shared>> -> memref<40x128xf32, #tpu.memory_space<vmem_shared>>
      %dma_start3A_404 = arith.constant 0 : i32
      %dma_start3A_405 = tpu.memref_slice %arg12[%add3A_318, %dma_start3A_404] : memref<10000x128xf32, #tpu.memory_space<vmem_shared>> -> memref<40x128xf32, #tpu.memory_space<vmem_shared>>
      %dma_start3A_406 = arith.constant 0 : i32
      %dma_start3A_407 = arith.constant 0 : i32
      %dma_start3A_408 = tpu.memref_slice %arg11[%run_scoped3A_319, %dma_start3A_406, %dma_start3A_407] : memref<2x40x128xf32, #tpu.memory_space<vmem>> -> memref<1x40x128xf32, #tpu.memory_space<vmem>>
      %dma_start3A_409 = tpu.memref_squeeze %dma_start3A_408 : memref<1x40x128xf32, #tpu.memory_space<vmem>> -> memref<40x128xf32, #tpu.memory_space<vmem>>
      tpu.enqueue_dma source(%dma_start3A_409 : memref<40x128xf32, #tpu.memory_space<vmem>>) target(%dma_start3A_405 : memref<40x128xf32, #tpu.memory_space<vmem_shared>>) target_semaphore(%run_scoped3A_397 : memref<!tpu.dma_semaphore, #tpu.memory_space<semaphore_mem>>)
      %dma_wait3A_410 = arith.constant 0 : i32
      %dma_wait3A_411 = arith.constant 0 : i32
      %dma_wait3A_412 = tpu.memref_slice %arg11[%run_scoped3A_319, %dma_wait3A_410, %dma_wait3A_411] : memref<2x40x128xf32, #tpu.memory_space<vmem>> -> memref<1x40x128xf32, #tpu.memory_space<vmem>>
      %dma_wait3A_413 = tpu.memref_squeeze %dma_wait3A_412 : memref<1x40x128xf32, #tpu.memory_space<vmem>> -> memref<40x128xf32, #tpu.memory_space<vmem>>
      %dma_wait3A_414 = arith.constant 0 : i32
      %dma_wait3A_415 = tpu.memref_slice %arg12[%add3A_318, %dma_wait3A_414] : memref<10000x128xf32, #tpu.memory_space<vmem_shared>> -> memref<40x128xf32, #tpu.memory_space<vmem_shared>>
      %dma_wait3A_416 = arith.constant 0 : i32
      %dma_wait3A_417 = tpu.memref_slice %arg12[%add3A_318, %dma_wait3A_416] : memref<10000x128xf32, #tpu.memory_space<vmem_shared>> -> memref<40x128xf32, #tpu.memory_space<vmem_shared>>
      %dma_wait3A_418 = arith.constant 0 : i32
      %dma_wait3A_419 = arith.constant 0 : i32
      %dma_wait3A_420 = tpu.memref_slice %arg11[%run_scoped3A_319, %dma_wait3A_418, %dma_wait3A_419] : memref<2x40x128xf32, #tpu.memory_space<vmem>> -> memref<1x40x128xf32, #tpu.memory_space<vmem>>
      %dma_wait3A_421 = tpu.memref_squeeze %dma_wait3A_420 : memref<1x40x128xf32, #tpu.memory_space<vmem>> -> memref<40x128xf32, #tpu.memory_space<vmem>>
      tpu.wait_dma2 semaphore(%run_scoped3A_397 : memref<!tpu.dma_semaphore, #tpu.memory_space<semaphore_mem>>) src(%dma_wait3A_421 : memref<40x128xf32, #tpu.memory_space<vmem>>) dst(%dma_wait3A_417 : memref<40x128xf32, #tpu.memory_space<vmem_shared>>)
      tpu.yield
    }) : () -> ()
    %add3A_320 = arith.constant 240 : i32
    %add3A_321 = arith.addi %mul3A_4, %add3A_320 : i32
    %run_scoped3A_322 = arith.constant 0 : i32
    "tpu.region"() ({
      %run_scoped3A_397 = tpu.sem_alloc : memref<!tpu.dma_semaphore, #tpu.memory_space<semaphore_mem>>
      %dma_start3A_398 = arith.constant 0 : i32
      %dma_start3A_399 = arith.constant 0 : i32
      %dma_start3A_400 = tpu.memref_slice %arg11[%run_scoped3A_322, %dma_start3A_398, %dma_start3A_399] : memref<2x40x128xf32, #tpu.memory_space<vmem>> -> memref<1x40x128xf32, #tpu.memory_space<vmem>>
      %dma_start3A_401 = tpu.memref_squeeze %dma_start3A_400 : memref<1x40x128xf32, #tpu.memory_space<vmem>> -> memref<40x128xf32, #tpu.memory_space<vmem>>
      %dma_start3A_402 = arith.constant 0 : i32
      %dma_start3A_403 = tpu.memref_slice %arg12[%add3A_321, %dma_start3A_402] : memref<10000x128xf32, #tpu.memory_space<vmem_shared>> -> memref<40x128xf32, #tpu.memory_space<vmem_shared>>
      %dma_start3A_404 = arith.constant 0 : i32
      %dma_start3A_405 = tpu.memref_slice %arg12[%add3A_321, %dma_start3A_404] : memref<10000x128xf32, #tpu.memory_space<vmem_shared>> -> memref<40x128xf32, #tpu.memory_space<vmem_shared>>
      %dma_start3A_406 = arith.constant 0 : i32
      %dma_start3A_407 = arith.constant 0 : i32
      %dma_start3A_408 = tpu.memref_slice %arg11[%run_scoped3A_322, %dma_start3A_406, %dma_start3A_407] : memref<2x40x128xf32, #tpu.memory_space<vmem>> -> memref<1x40x128xf32, #tpu.memory_space<vmem>>
      %dma_start3A_409 = tpu.memref_squeeze %dma_start3A_408 : memref<1x40x128xf32, #tpu.memory_space<vmem>> -> memref<40x128xf32, #tpu.memory_space<vmem>>
      tpu.enqueue_dma source(%dma_start3A_409 : memref<40x128xf32, #tpu.memory_space<vmem>>) target(%dma_start3A_405 : memref<40x128xf32, #tpu.memory_space<vmem_shared>>) target_semaphore(%run_scoped3A_397 : memref<!tpu.dma_semaphore, #tpu.memory_space<semaphore_mem>>)
      %dma_wait3A_410 = arith.constant 0 : i32
      %dma_wait3A_411 = arith.constant 0 : i32
      %dma_wait3A_412 = tpu.memref_slice %arg11[%run_scoped3A_322, %dma_wait3A_410, %dma_wait3A_411] : memref<2x40x128xf32, #tpu.memory_space<vmem>> -> memref<1x40x128xf32, #tpu.memory_space<vmem>>
      %dma_wait3A_413 = tpu.memref_squeeze %dma_wait3A_412 : memref<1x40x128xf32, #tpu.memory_space<vmem>> -> memref<40x128xf32, #tpu.memory_space<vmem>>
      %dma_wait3A_414 = arith.constant 0 : i32
      %dma_wait3A_415 = tpu.memref_slice %arg12[%add3A_321, %dma_wait3A_414] : memref<10000x128xf32, #tpu.memory_space<vmem_shared>> -> memref<40x128xf32, #tpu.memory_space<vmem_shared>>
      %dma_wait3A_416 = arith.constant 0 : i32
      %dma_wait3A_417 = tpu.memref_slice %arg12[%add3A_321, %dma_wait3A_416] : memref<10000x128xf32, #tpu.memory_space<vmem_shared>> -> memref<40x128xf32, #tpu.memory_space<vmem_shared>>
      %dma_wait3A_418 = arith.constant 0 : i32
      %dma_wait3A_419 = arith.constant 0 : i32
      %dma_wait3A_420 = tpu.memref_slice %arg11[%run_scoped3A_322, %dma_wait3A_418, %dma_wait3A_419] : memref<2x40x128xf32, #tpu.memory_space<vmem>> -> memref<1x40x128xf32, #tpu.memory_space<vmem>>
      %dma_wait3A_421 = tpu.memref_squeeze %dma_wait3A_420 : memref<1x40x128xf32, #tpu.memory_space<vmem>> -> memref<40x128xf32, #tpu.memory_space<vmem>>
      tpu.wait_dma2 semaphore(%run_scoped3A_397 : memref<!tpu.dma_semaphore, #tpu.memory_space<semaphore_mem>>) src(%dma_wait3A_421 : memref<40x128xf32, #tpu.memory_space<vmem>>) dst(%dma_wait3A_417 : memref<40x128xf32, #tpu.memory_space<vmem_shared>>)
      tpu.yield
    }) : () -> ()
    %add3A_323 = arith.constant 280 : i32
    %add3A_324 = arith.addi %mul3A_4, %add3A_323 : i32
    %run_scoped3A_325 = arith.constant 0 : i32
    "tpu.region"() ({
      %run_scoped3A_397 = tpu.sem_alloc : memref<!tpu.dma_semaphore, #tpu.memory_space<semaphore_mem>>
      %dma_start3A_398 = arith.constant 0 : i32
      %dma_start3A_399 = arith.constant 0 : i32
      %dma_start3A_400 = tpu.memref_slice %arg11[%run_scoped3A_325, %dma_start3A_398, %dma_start3A_399] : memref<2x40x128xf32, #tpu.memory_space<vmem>> -> memref<1x40x128xf32, #tpu.memory_space<vmem>>
      %dma_start3A_401 = tpu.memref_squeeze %dma_start3A_400 : memref<1x40x128xf32, #tpu.memory_space<vmem>> -> memref<40x128xf32, #tpu.memory_space<vmem>>
      %dma_start3A_402 = arith.constant 0 : i32
      %dma_start3A_403 = tpu.memref_slice %arg12[%add3A_324, %dma_start3A_402] : memref<10000x128xf32, #tpu.memory_space<vmem_shared>> -> memref<40x128xf32, #tpu.memory_space<vmem_shared>>
      %dma_start3A_404 = arith.constant 0 : i32
      %dma_start3A_405 = tpu.memref_slice %arg12[%add3A_324, %dma_start3A_404] : memref<10000x128xf32, #tpu.memory_space<vmem_shared>> -> memref<40x128xf32, #tpu.memory_space<vmem_shared>>
      %dma_start3A_406 = arith.constant 0 : i32
      %dma_start3A_407 = arith.constant 0 : i32
      %dma_start3A_408 = tpu.memref_slice %arg11[%run_scoped3A_325, %dma_start3A_406, %dma_start3A_407] : memref<2x40x128xf32, #tpu.memory_space<vmem>> -> memref<1x40x128xf32, #tpu.memory_space<vmem>>
      %dma_start3A_409 = tpu.memref_squeeze %dma_start3A_408 : memref<1x40x128xf32, #tpu.memory_space<vmem>> -> memref<40x128xf32, #tpu.memory_space<vmem>>
      tpu.enqueue_dma source(%dma_start3A_409 : memref<40x128xf32, #tpu.memory_space<vmem>>) target(%dma_start3A_405 : memref<40x128xf32, #tpu.memory_space<vmem_shared>>) target_semaphore(%run_scoped3A_397 : memref<!tpu.dma_semaphore, #tpu.memory_space<semaphore_mem>>)
      %dma_wait3A_410 = arith.constant 0 : i32
      %dma_wait3A_411 = arith.constant 0 : i32
      %dma_wait3A_412 = tpu.memref_slice %arg11[%run_scoped3A_325, %dma_wait3A_410, %dma_wait3A_411] : memref<2x40x128xf32, #tpu.memory_space<vmem>> -> memref<1x40x128xf32, #tpu.memory_space<vmem>>
      %dma_wait3A_413 = tpu.memref_squeeze %dma_wait3A_412 : memref<1x40x128xf32, #tpu.memory_space<vmem>> -> memref<40x128xf32, #tpu.memory_space<vmem>>
      %dma_wait3A_414 = arith.constant 0 : i32
      %dma_wait3A_415 = tpu.memref_slice %arg12[%add3A_324, %dma_wait3A_414] : memref<10000x128xf32, #tpu.memory_space<vmem_shared>> -> memref<40x128xf32, #tpu.memory_space<vmem_shared>>
      %dma_wait3A_416 = arith.constant 0 : i32
      %dma_wait3A_417 = tpu.memref_slice %arg12[%add3A_324, %dma_wait3A_416] : memref<10000x128xf32, #tpu.memory_space<vmem_shared>> -> memref<40x128xf32, #tpu.memory_space<vmem_shared>>
      %dma_wait3A_418 = arith.constant 0 : i32
      %dma_wait3A_419 = arith.constant 0 : i32
      %dma_wait3A_420 = tpu.memref_slice %arg11[%run_scoped3A_325, %dma_wait3A_418, %dma_wait3A_419] : memref<2x40x128xf32, #tpu.memory_space<vmem>> -> memref<1x40x128xf32, #tpu.memory_space<vmem>>
      %dma_wait3A_421 = tpu.memref_squeeze %dma_wait3A_420 : memref<1x40x128xf32, #tpu.memory_space<vmem>> -> memref<40x128xf32, #tpu.memory_space<vmem>>
      tpu.wait_dma2 semaphore(%run_scoped3A_397 : memref<!tpu.dma_semaphore, #tpu.memory_space<semaphore_mem>>) src(%dma_wait3A_421 : memref<40x128xf32, #tpu.memory_space<vmem>>) dst(%dma_wait3A_417 : memref<40x128xf32, #tpu.memory_space<vmem_shared>>)
      tpu.yield
    }) : () -> ()
    %add3A_326 = arith.constant 320 : i32
    %add3A_327 = arith.addi %mul3A_4, %add3A_326 : i32
    %run_scoped3A_328 = arith.constant 0 : i32
    "tpu.region"() ({
      %run_scoped3A_397 = tpu.sem_alloc : memref<!tpu.dma_semaphore, #tpu.memory_space<semaphore_mem>>
      %dma_start3A_398 = arith.constant 0 : i32
      %dma_start3A_399 = arith.constant 0 : i32
      %dma_start3A_400 = tpu.memref_slice %arg11[%run_scoped3A_328, %dma_start3A_398, %dma_start3A_399] : memref<2x40x128xf32, #tpu.memory_space<vmem>> -> memref<1x40x128xf32, #tpu.memory_space<vmem>>
      %dma_start3A_401 = tpu.memref_squeeze %dma_start3A_400 : memref<1x40x128xf32, #tpu.memory_space<vmem>> -> memref<40x128xf32, #tpu.memory_space<vmem>>
      %dma_start3A_402 = arith.constant 0 : i32
      %dma_start3A_403 = tpu.memref_slice %arg12[%add3A_327, %dma_start3A_402] : memref<10000x128xf32, #tpu.memory_space<vmem_shared>> -> memref<40x128xf32, #tpu.memory_space<vmem_shared>>
      %dma_start3A_404 = arith.constant 0 : i32
      %dma_start3A_405 = tpu.memref_slice %arg12[%add3A_327, %dma_start3A_404] : memref<10000x128xf32, #tpu.memory_space<vmem_shared>> -> memref<40x128xf32, #tpu.memory_space<vmem_shared>>
      %dma_start3A_406 = arith.constant 0 : i32
      %dma_start3A_407 = arith.constant 0 : i32
      %dma_start3A_408 = tpu.memref_slice %arg11[%run_scoped3A_328, %dma_start3A_406, %dma_start3A_407] : memref<2x40x128xf32, #tpu.memory_space<vmem>> -> memref<1x40x128xf32, #tpu.memory_space<vmem>>
      %dma_start3A_409 = tpu.memref_squeeze %dma_start3A_408 : memref<1x40x128xf32, #tpu.memory_space<vmem>> -> memref<40x128xf32, #tpu.memory_space<vmem>>
      tpu.enqueue_dma source(%dma_start3A_409 : memref<40x128xf32, #tpu.memory_space<vmem>>) target(%dma_start3A_405 : memref<40x128xf32, #tpu.memory_space<vmem_shared>>) target_semaphore(%run_scoped3A_397 : memref<!tpu.dma_semaphore, #tpu.memory_space<semaphore_mem>>)
      %dma_wait3A_410 = arith.constant 0 : i32
      %dma_wait3A_411 = arith.constant 0 : i32
      %dma_wait3A_412 = tpu.memref_slice %arg11[%run_scoped3A_328, %dma_wait3A_410, %dma_wait3A_411] : memref<2x40x128xf32, #tpu.memory_space<vmem>> -> memref<1x40x128xf32, #tpu.memory_space<vmem>>
      %dma_wait3A_413 = tpu.memref_squeeze %dma_wait3A_412 : memref<1x40x128xf32, #tpu.memory_space<vmem>> -> memref<40x128xf32, #tpu.memory_space<vmem>>
      %dma_wait3A_414 = arith.constant 0 : i32
      %dma_wait3A_415 = tpu.memref_slice %arg12[%add3A_327, %dma_wait3A_414] : memref<10000x128xf32, #tpu.memory_space<vmem_shared>> -> memref<40x128xf32, #tpu.memory_space<vmem_shared>>
      %dma_wait3A_416 = arith.constant 0 : i32
      %dma_wait3A_417 = tpu.memref_slice %arg12[%add3A_327, %dma_wait3A_416] : memref<10000x128xf32, #tpu.memory_space<vmem_shared>> -> memref<40x128xf32, #tpu.memory_space<vmem_shared>>
      %dma_wait3A_418 = arith.constant 0 : i32
      %dma_wait3A_419 = arith.constant 0 : i32
      %dma_wait3A_420 = tpu.memref_slice %arg11[%run_scoped3A_328, %dma_wait3A_418, %dma_wait3A_419] : memref<2x40x128xf32, #tpu.memory_space<vmem>> -> memref<1x40x128xf32, #tpu.memory_space<vmem>>
      %dma_wait3A_421 = tpu.memref_squeeze %dma_wait3A_420 : memref<1x40x128xf32, #tpu.memory_space<vmem>> -> memref<40x128xf32, #tpu.memory_space<vmem>>
      tpu.wait_dma2 semaphore(%run_scoped3A_397 : memref<!tpu.dma_semaphore, #tpu.memory_space<semaphore_mem>>) src(%dma_wait3A_421 : memref<40x128xf32, #tpu.memory_space<vmem>>) dst(%dma_wait3A_417 : memref<40x128xf32, #tpu.memory_space<vmem_shared>>)
      tpu.yield
    }) : () -> ()
    %add3A_329 = arith.constant 360 : i32
    %add3A_330 = arith.addi %mul3A_4, %add3A_329 : i32
    %run_scoped3A_331 = arith.constant 0 : i32
    "tpu.region"() ({
      %run_scoped3A_397 = tpu.sem_alloc : memref<!tpu.dma_semaphore, #tpu.memory_space<semaphore_mem>>
      %dma_start3A_398 = arith.constant 0 : i32
      %dma_start3A_399 = arith.constant 0 : i32
      %dma_start3A_400 = tpu.memref_slice %arg11[%run_scoped3A_331, %dma_start3A_398, %dma_start3A_399] : memref<2x40x128xf32, #tpu.memory_space<vmem>> -> memref<1x40x128xf32, #tpu.memory_space<vmem>>
      %dma_start3A_401 = tpu.memref_squeeze %dma_start3A_400 : memref<1x40x128xf32, #tpu.memory_space<vmem>> -> memref<40x128xf32, #tpu.memory_space<vmem>>
      %dma_start3A_402 = arith.constant 0 : i32
      %dma_start3A_403 = tpu.memref_slice %arg12[%add3A_330, %dma_start3A_402] : memref<10000x128xf32, #tpu.memory_space<vmem_shared>> -> memref<40x128xf32, #tpu.memory_space<vmem_shared>>
      %dma_start3A_404 = arith.constant 0 : i32
      %dma_start3A_405 = tpu.memref_slice %arg12[%add3A_330, %dma_start3A_404] : memref<10000x128xf32, #tpu.memory_space<vmem_shared>> -> memref<40x128xf32, #tpu.memory_space<vmem_shared>>
      %dma_start3A_406 = arith.constant 0 : i32
      %dma_start3A_407 = arith.constant 0 : i32
      %dma_start3A_408 = tpu.memref_slice %arg11[%run_scoped3A_331, %dma_start3A_406, %dma_start3A_407] : memref<2x40x128xf32, #tpu.memory_space<vmem>> -> memref<1x40x128xf32, #tpu.memory_space<vmem>>
      %dma_start3A_409 = tpu.memref_squeeze %dma_start3A_408 : memref<1x40x128xf32, #tpu.memory_space<vmem>> -> memref<40x128xf32, #tpu.memory_space<vmem>>
      tpu.enqueue_dma source(%dma_start3A_409 : memref<40x128xf32, #tpu.memory_space<vmem>>) target(%dma_start3A_405 : memref<40x128xf32, #tpu.memory_space<vmem_shared>>) target_semaphore(%run_scoped3A_397 : memref<!tpu.dma_semaphore, #tpu.memory_space<semaphore_mem>>)
      %dma_wait3A_410 = arith.constant 0 : i32
      %dma_wait3A_411 = arith.constant 0 : i32
      %dma_wait3A_412 = tpu.memref_slice %arg11[%run_scoped3A_331, %dma_wait3A_410, %dma_wait3A_411] : memref<2x40x128xf32, #tpu.memory_space<vmem>> -> memref<1x40x128xf32, #tpu.memory_space<vmem>>
      %dma_wait3A_413 = tpu.memref_squeeze %dma_wait3A_412 : memref<1x40x128xf32, #tpu.memory_space<vmem>> -> memref<40x128xf32, #tpu.memory_space<vmem>>
      %dma_wait3A_414 = arith.constant 0 : i32
      %dma_wait3A_415 = tpu.memref_slice %arg12[%add3A_330, %dma_wait3A_414] : memref<10000x128xf32, #tpu.memory_space<vmem_shared>> -> memref<40x128xf32, #tpu.memory_space<vmem_shared>>
      %dma_wait3A_416 = arith.constant 0 : i32
      %dma_wait3A_417 = tpu.memref_slice %arg12[%add3A_330, %dma_wait3A_416] : memref<10000x128xf32, #tpu.memory_space<vmem_shared>> -> memref<40x128xf32, #tpu.memory_space<vmem_shared>>
      %dma_wait3A_418 = arith.constant 0 : i32
      %dma_wait3A_419 = arith.constant 0 : i32
      %dma_wait3A_420 = tpu.memref_slice %arg11[%run_scoped3A_331, %dma_wait3A_418, %dma_wait3A_419] : memref<2x40x128xf32, #tpu.memory_space<vmem>> -> memref<1x40x128xf32, #tpu.memory_space<vmem>>
      %dma_wait3A_421 = tpu.memref_squeeze %dma_wait3A_420 : memref<1x40x128xf32, #tpu.memory_space<vmem>> -> memref<40x128xf32, #tpu.memory_space<vmem>>
      tpu.wait_dma2 semaphore(%run_scoped3A_397 : memref<!tpu.dma_semaphore, #tpu.memory_space<semaphore_mem>>) src(%dma_wait3A_421 : memref<40x128xf32, #tpu.memory_space<vmem>>) dst(%dma_wait3A_417 : memref<40x128xf32, #tpu.memory_space<vmem_shared>>)
      tpu.yield
    }) : () -> ()
    %add3A_332 = arith.constant 400 : i32
    %add3A_333 = arith.addi %mul3A_4, %add3A_332 : i32
    %run_scoped3A_334 = arith.constant 0 : i32
    "tpu.region"() ({
      %run_scoped3A_397 = tpu.sem_alloc : memref<!tpu.dma_semaphore, #tpu.memory_space<semaphore_mem>>
      %dma_start3A_398 = arith.constant 0 : i32
      %dma_start3A_399 = arith.constant 0 : i32
      %dma_start3A_400 = tpu.memref_slice %arg11[%run_scoped3A_334, %dma_start3A_398, %dma_start3A_399] : memref<2x40x128xf32, #tpu.memory_space<vmem>> -> memref<1x40x128xf32, #tpu.memory_space<vmem>>
      %dma_start3A_401 = tpu.memref_squeeze %dma_start3A_400 : memref<1x40x128xf32, #tpu.memory_space<vmem>> -> memref<40x128xf32, #tpu.memory_space<vmem>>
      %dma_start3A_402 = arith.constant 0 : i32
      %dma_start3A_403 = tpu.memref_slice %arg12[%add3A_333, %dma_start3A_402] : memref<10000x128xf32, #tpu.memory_space<vmem_shared>> -> memref<40x128xf32, #tpu.memory_space<vmem_shared>>
      %dma_start3A_404 = arith.constant 0 : i32
      %dma_start3A_405 = tpu.memref_slice %arg12[%add3A_333, %dma_start3A_404] : memref<10000x128xf32, #tpu.memory_space<vmem_shared>> -> memref<40x128xf32, #tpu.memory_space<vmem_shared>>
      %dma_start3A_406 = arith.constant 0 : i32
      %dma_start3A_407 = arith.constant 0 : i32
      %dma_start3A_408 = tpu.memref_slice %arg11[%run_scoped3A_334, %dma_start3A_406, %dma_start3A_407] : memref<2x40x128xf32, #tpu.memory_space<vmem>> -> memref<1x40x128xf32, #tpu.memory_space<vmem>>
      %dma_start3A_409 = tpu.memref_squeeze %dma_start3A_408 : memref<1x40x128xf32, #tpu.memory_space<vmem>> -> memref<40x128xf32, #tpu.memory_space<vmem>>
      tpu.enqueue_dma source(%dma_start3A_409 : memref<40x128xf32, #tpu.memory_space<vmem>>) target(%dma_start3A_405 : memref<40x128xf32, #tpu.memory_space<vmem_shared>>) target_semaphore(%run_scoped3A_397 : memref<!tpu.dma_semaphore, #tpu.memory_space<semaphore_mem>>)
      %dma_wait3A_410 = arith.constant 0 : i32
      %dma_wait3A_411 = arith.constant 0 : i32
      %dma_wait3A_412 = tpu.memref_slice %arg11[%run_scoped3A_334, %dma_wait3A_410, %dma_wait3A_411] : memref<2x40x128xf32, #tpu.memory_space<vmem>> -> memref<1x40x128xf32, #tpu.memory_space<vmem>>
      %dma_wait3A_413 = tpu.memref_squeeze %dma_wait3A_412 : memref<1x40x128xf32, #tpu.memory_space<vmem>> -> memref<40x128xf32, #tpu.memory_space<vmem>>
      %dma_wait3A_414 = arith.constant 0 : i32
      %dma_wait3A_415 = tpu.memref_slice %arg12[%add3A_333, %dma_wait3A_414] : memref<10000x128xf32, #tpu.memory_space<vmem_shared>> -> memref<40x128xf32, #tpu.memory_space<vmem_shared>>
      %dma_wait3A_416 = arith.constant 0 : i32
      %dma_wait3A_417 = tpu.memref_slice %arg12[%add3A_333, %dma_wait3A_416] : memref<10000x128xf32, #tpu.memory_space<vmem_shared>> -> memref<40x128xf32, #tpu.memory_space<vmem_shared>>
      %dma_wait3A_418 = arith.constant 0 : i32
      %dma_wait3A_419 = arith.constant 0 : i32
      %dma_wait3A_420 = tpu.memref_slice %arg11[%run_scoped3A_334, %dma_wait3A_418, %dma_wait3A_419] : memref<2x40x128xf32, #tpu.memory_space<vmem>> -> memref<1x40x128xf32, #tpu.memory_space<vmem>>
      %dma_wait3A_421 = tpu.memref_squeeze %dma_wait3A_420 : memref<1x40x128xf32, #tpu.memory_space<vmem>> -> memref<40x128xf32, #tpu.memory_space<vmem>>
      tpu.wait_dma2 semaphore(%run_scoped3A_397 : memref<!tpu.dma_semaphore, #tpu.memory_space<semaphore_mem>>) src(%dma_wait3A_421 : memref<40x128xf32, #tpu.memory_space<vmem>>) dst(%dma_wait3A_417 : memref<40x128xf32, #tpu.memory_space<vmem_shared>>)
      tpu.yield
    }) : () -> ()
    %add3A_335 = arith.constant 440 : i32
    %add3A_336 = arith.addi %mul3A_4, %add3A_335 : i32
    %run_scoped3A_337 = arith.constant 0 : i32
    "tpu.region"() ({
      %run_scoped3A_397 = tpu.sem_alloc : memref<!tpu.dma_semaphore, #tpu.memory_space<semaphore_mem>>
      %dma_start3A_398 = arith.constant 0 : i32
      %dma_start3A_399 = arith.constant 0 : i32
      %dma_start3A_400 = tpu.memref_slice %arg11[%run_scoped3A_337, %dma_start3A_398, %dma_start3A_399] : memref<2x40x128xf32, #tpu.memory_space<vmem>> -> memref<1x40x128xf32, #tpu.memory_space<vmem>>
      %dma_start3A_401 = tpu.memref_squeeze %dma_start3A_400 : memref<1x40x128xf32, #tpu.memory_space<vmem>> -> memref<40x128xf32, #tpu.memory_space<vmem>>
      %dma_start3A_402 = arith.constant 0 : i32
      %dma_start3A_403 = tpu.memref_slice %arg12[%add3A_336, %dma_start3A_402] : memref<10000x128xf32, #tpu.memory_space<vmem_shared>> -> memref<40x128xf32, #tpu.memory_space<vmem_shared>>
      %dma_start3A_404 = arith.constant 0 : i32
      %dma_start3A_405 = tpu.memref_slice %arg12[%add3A_336, %dma_start3A_404] : memref<10000x128xf32, #tpu.memory_space<vmem_shared>> -> memref<40x128xf32, #tpu.memory_space<vmem_shared>>
      %dma_start3A_406 = arith.constant 0 : i32
      %dma_start3A_407 = arith.constant 0 : i32
      %dma_start3A_408 = tpu.memref_slice %arg11[%run_scoped3A_337, %dma_start3A_406, %dma_start3A_407] : memref<2x40x128xf32, #tpu.memory_space<vmem>> -> memref<1x40x128xf32, #tpu.memory_space<vmem>>
      %dma_start3A_409 = tpu.memref_squeeze %dma_start3A_408 : memref<1x40x128xf32, #tpu.memory_space<vmem>> -> memref<40x128xf32, #tpu.memory_space<vmem>>
      tpu.enqueue_dma source(%dma_start3A_409 : memref<40x128xf32, #tpu.memory_space<vmem>>) target(%dma_start3A_405 : memref<40x128xf32, #tpu.memory_space<vmem_shared>>) target_semaphore(%run_scoped3A_397 : memref<!tpu.dma_semaphore, #tpu.memory_space<semaphore_mem>>)
      %dma_wait3A_410 = arith.constant 0 : i32
      %dma_wait3A_411 = arith.constant 0 : i32
      %dma_wait3A_412 = tpu.memref_slice %arg11[%run_scoped3A_337, %dma_wait3A_410, %dma_wait3A_411] : memref<2x40x128xf32, #tpu.memory_space<vmem>> -> memref<1x40x128xf32, #tpu.memory_space<vmem>>
      %dma_wait3A_413 = tpu.memref_squeeze %dma_wait3A_412 : memref<1x40x128xf32, #tpu.memory_space<vmem>> -> memref<40x128xf32, #tpu.memory_space<vmem>>
      %dma_wait3A_414 = arith.constant 0 : i32
      %dma_wait3A_415 = tpu.memref_slice %arg12[%add3A_336, %dma_wait3A_414] : memref<10000x128xf32, #tpu.memory_space<vmem_shared>> -> memref<40x128xf32, #tpu.memory_space<vmem_shared>>
      %dma_wait3A_416 = arith.constant 0 : i32
      %dma_wait3A_417 = tpu.memref_slice %arg12[%add3A_336, %dma_wait3A_416] : memref<10000x128xf32, #tpu.memory_space<vmem_shared>> -> memref<40x128xf32, #tpu.memory_space<vmem_shared>>
      %dma_wait3A_418 = arith.constant 0 : i32
      %dma_wait3A_419 = arith.constant 0 : i32
      %dma_wait3A_420 = tpu.memref_slice %arg11[%run_scoped3A_337, %dma_wait3A_418, %dma_wait3A_419] : memref<2x40x128xf32, #tpu.memory_space<vmem>> -> memref<1x40x128xf32, #tpu.memory_space<vmem>>
      %dma_wait3A_421 = tpu.memref_squeeze %dma_wait3A_420 : memref<1x40x128xf32, #tpu.memory_space<vmem>> -> memref<40x128xf32, #tpu.memory_space<vmem>>
      tpu.wait_dma2 semaphore(%run_scoped3A_397 : memref<!tpu.dma_semaphore, #tpu.memory_space<semaphore_mem>>) src(%dma_wait3A_421 : memref<40x128xf32, #tpu.memory_space<vmem>>) dst(%dma_wait3A_417 : memref<40x128xf32, #tpu.memory_space<vmem_shared>>)
      tpu.yield
    }) : () -> ()
    %add3A_338 = arith.constant 480 : i32
    %add3A_339 = arith.addi %mul3A_4, %add3A_338 : i32
    %run_scoped3A_340 = arith.constant 0 : i32
    "tpu.region"() ({
      %run_scoped3A_397 = tpu.sem_alloc : memref<!tpu.dma_semaphore, #tpu.memory_space<semaphore_mem>>
      %dma_start3A_398 = arith.constant 0 : i32
      %dma_start3A_399 = arith.constant 0 : i32
      %dma_start3A_400 = tpu.memref_slice %arg11[%run_scoped3A_340, %dma_start3A_398, %dma_start3A_399] : memref<2x40x128xf32, #tpu.memory_space<vmem>> -> memref<1x40x128xf32, #tpu.memory_space<vmem>>
      %dma_start3A_401 = tpu.memref_squeeze %dma_start3A_400 : memref<1x40x128xf32, #tpu.memory_space<vmem>> -> memref<40x128xf32, #tpu.memory_space<vmem>>
      %dma_start3A_402 = arith.constant 0 : i32
      %dma_start3A_403 = tpu.memref_slice %arg12[%add3A_339, %dma_start3A_402] : memref<10000x128xf32, #tpu.memory_space<vmem_shared>> -> memref<40x128xf32, #tpu.memory_space<vmem_shared>>
      %dma_start3A_404 = arith.constant 0 : i32
      %dma_start3A_405 = tpu.memref_slice %arg12[%add3A_339, %dma_start3A_404] : memref<10000x128xf32, #tpu.memory_space<vmem_shared>> -> memref<40x128xf32, #tpu.memory_space<vmem_shared>>
      %dma_start3A_406 = arith.constant 0 : i32
      %dma_start3A_407 = arith.constant 0 : i32
      %dma_start3A_408 = tpu.memref_slice %arg11[%run_scoped3A_340, %dma_start3A_406, %dma_start3A_407] : memref<2x40x128xf32, #tpu.memory_space<vmem>> -> memref<1x40x128xf32, #tpu.memory_space<vmem>>
      %dma_start3A_409 = tpu.memref_squeeze %dma_start3A_408 : memref<1x40x128xf32, #tpu.memory_space<vmem>> -> memref<40x128xf32, #tpu.memory_space<vmem>>
      tpu.enqueue_dma source(%dma_start3A_409 : memref<40x128xf32, #tpu.memory_space<vmem>>) target(%dma_start3A_405 : memref<40x128xf32, #tpu.memory_space<vmem_shared>>) target_semaphore(%run_scoped3A_397 : memref<!tpu.dma_semaphore, #tpu.memory_space<semaphore_mem>>)
      %dma_wait3A_410 = arith.constant 0 : i32
      %dma_wait3A_411 = arith.constant 0 : i32
      %dma_wait3A_412 = tpu.memref_slice %arg11[%run_scoped3A_340, %dma_wait3A_410, %dma_wait3A_411] : memref<2x40x128xf32, #tpu.memory_space<vmem>> -> memref<1x40x128xf32, #tpu.memory_space<vmem>>
      %dma_wait3A_413 = tpu.memref_squeeze %dma_wait3A_412 : memref<1x40x128xf32, #tpu.memory_space<vmem>> -> memref<40x128xf32, #tpu.memory_space<vmem>>
      %dma_wait3A_414 = arith.constant 0 : i32
      %dma_wait3A_415 = tpu.memref_slice %arg12[%add3A_339, %dma_wait3A_414] : memref<10000x128xf32, #tpu.memory_space<vmem_shared>> -> memref<40x128xf32, #tpu.memory_space<vmem_shared>>
      %dma_wait3A_416 = arith.constant 0 : i32
      %dma_wait3A_417 = tpu.memref_slice %arg12[%add3A_339, %dma_wait3A_416] : memref<10000x128xf32, #tpu.memory_space<vmem_shared>> -> memref<40x128xf32, #tpu.memory_space<vmem_shared>>
      %dma_wait3A_418 = arith.constant 0 : i32
      %dma_wait3A_419 = arith.constant 0 : i32
      %dma_wait3A_420 = tpu.memref_slice %arg11[%run_scoped3A_340, %dma_wait3A_418, %dma_wait3A_419] : memref<2x40x128xf32, #tpu.memory_space<vmem>> -> memref<1x40x128xf32, #tpu.memory_space<vmem>>
      %dma_wait3A_421 = tpu.memref_squeeze %dma_wait3A_420 : memref<1x40x128xf32, #tpu.memory_space<vmem>> -> memref<40x128xf32, #tpu.memory_space<vmem>>
      tpu.wait_dma2 semaphore(%run_scoped3A_397 : memref<!tpu.dma_semaphore, #tpu.memory_space<semaphore_mem>>) src(%dma_wait3A_421 : memref<40x128xf32, #tpu.memory_space<vmem>>) dst(%dma_wait3A_417 : memref<40x128xf32, #tpu.memory_space<vmem_shared>>)
      tpu.yield
    }) : () -> ()
    %add3A_341 = arith.constant 520 : i32
    %add3A_342 = arith.addi %mul3A_4, %add3A_341 : i32
    %run_scoped3A_343 = arith.constant 0 : i32
    "tpu.region"() ({
      %run_scoped3A_397 = tpu.sem_alloc : memref<!tpu.dma_semaphore, #tpu.memory_space<semaphore_mem>>
      %dma_start3A_398 = arith.constant 0 : i32
      %dma_start3A_399 = arith.constant 0 : i32
      %dma_start3A_400 = tpu.memref_slice %arg11[%run_scoped3A_343, %dma_start3A_398, %dma_start3A_399] : memref<2x40x128xf32, #tpu.memory_space<vmem>> -> memref<1x40x128xf32, #tpu.memory_space<vmem>>
      %dma_start3A_401 = tpu.memref_squeeze %dma_start3A_400 : memref<1x40x128xf32, #tpu.memory_space<vmem>> -> memref<40x128xf32, #tpu.memory_space<vmem>>
      %dma_start3A_402 = arith.constant 0 : i32
      %dma_start3A_403 = tpu.memref_slice %arg12[%add3A_342, %dma_start3A_402] : memref<10000x128xf32, #tpu.memory_space<vmem_shared>> -> memref<40x128xf32, #tpu.memory_space<vmem_shared>>
      %dma_start3A_404 = arith.constant 0 : i32
      %dma_start3A_405 = tpu.memref_slice %arg12[%add3A_342, %dma_start3A_404] : memref<10000x128xf32, #tpu.memory_space<vmem_shared>> -> memref<40x128xf32, #tpu.memory_space<vmem_shared>>
      %dma_start3A_406 = arith.constant 0 : i32
      %dma_start3A_407 = arith.constant 0 : i32
      %dma_start3A_408 = tpu.memref_slice %arg11[%run_scoped3A_343, %dma_start3A_406, %dma_start3A_407] : memref<2x40x128xf32, #tpu.memory_space<vmem>> -> memref<1x40x128xf32, #tpu.memory_space<vmem>>
      %dma_start3A_409 = tpu.memref_squeeze %dma_start3A_408 : memref<1x40x128xf32, #tpu.memory_space<vmem>> -> memref<40x128xf32, #tpu.memory_space<vmem>>
      tpu.enqueue_dma source(%dma_start3A_409 : memref<40x128xf32, #tpu.memory_space<vmem>>) target(%dma_start3A_405 : memref<40x128xf32, #tpu.memory_space<vmem_shared>>) target_semaphore(%run_scoped3A_397 : memref<!tpu.dma_semaphore, #tpu.memory_space<semaphore_mem>>)
      %dma_wait3A_410 = arith.constant 0 : i32
      %dma_wait3A_411 = arith.constant 0 : i32
      %dma_wait3A_412 = tpu.memref_slice %arg11[%run_scoped3A_343, %dma_wait3A_410, %dma_wait3A_411] : memref<2x40x128xf32, #tpu.memory_space<vmem>> -> memref<1x40x128xf32, #tpu.memory_space<vmem>>
      %dma_wait3A_413 = tpu.memref_squeeze %dma_wait3A_412 : memref<1x40x128xf32, #tpu.memory_space<vmem>> -> memref<40x128xf32, #tpu.memory_space<vmem>>
      %dma_wait3A_414 = arith.constant 0 : i32
      %dma_wait3A_415 = tpu.memref_slice %arg12[%add3A_342, %dma_wait3A_414] : memref<10000x128xf32, #tpu.memory_space<vmem_shared>> -> memref<40x128xf32, #tpu.memory_space<vmem_shared>>
      %dma_wait3A_416 = arith.constant 0 : i32
      %dma_wait3A_417 = tpu.memref_slice %arg12[%add3A_342, %dma_wait3A_416] : memref<10000x128xf32, #tpu.memory_space<vmem_shared>> -> memref<40x128xf32, #tpu.memory_space<vmem_shared>>
      %dma_wait3A_418 = arith.constant 0 : i32
      %dma_wait3A_419 = arith.constant 0 : i32
      %dma_wait3A_420 = tpu.memref_slice %arg11[%run_scoped3A_343, %dma_wait3A_418, %dma_wait3A_419] : memref<2x40x128xf32, #tpu.memory_space<vmem>> -> memref<1x40x128xf32, #tpu.memory_space<vmem>>
      %dma_wait3A_421 = tpu.memref_squeeze %dma_wait3A_420 : memref<1x40x128xf32, #tpu.memory_space<vmem>> -> memref<40x128xf32, #tpu.memory_space<vmem>>
      tpu.wait_dma2 semaphore(%run_scoped3A_397 : memref<!tpu.dma_semaphore, #tpu.memory_space<semaphore_mem>>) src(%dma_wait3A_421 : memref<40x128xf32, #tpu.memory_space<vmem>>) dst(%dma_wait3A_417 : memref<40x128xf32, #tpu.memory_space<vmem_shared>>)
      tpu.yield
    }) : () -> ()
    %add3A_344 = arith.constant 560 : i32
    %add3A_345 = arith.addi %mul3A_4, %add3A_344 : i32
    %run_scoped3A_346 = arith.constant 0 : i32
    "tpu.region"() ({
      %run_scoped3A_397 = tpu.sem_alloc : memref<!tpu.dma_semaphore, #tpu.memory_space<semaphore_mem>>
      %dma_start3A_398 = arith.constant 0 : i32
      %dma_start3A_399 = arith.constant 0 : i32
      %dma_start3A_400 = tpu.memref_slice %arg11[%run_scoped3A_346, %dma_start3A_398, %dma_start3A_399] : memref<2x40x128xf32, #tpu.memory_space<vmem>> -> memref<1x40x128xf32, #tpu.memory_space<vmem>>
      %dma_start3A_401 = tpu.memref_squeeze %dma_start3A_400 : memref<1x40x128xf32, #tpu.memory_space<vmem>> -> memref<40x128xf32, #tpu.memory_space<vmem>>
      %dma_start3A_402 = arith.constant 0 : i32
      %dma_start3A_403 = tpu.memref_slice %arg12[%add3A_345, %dma_start3A_402] : memref<10000x128xf32, #tpu.memory_space<vmem_shared>> -> memref<40x128xf32, #tpu.memory_space<vmem_shared>>
      %dma_start3A_404 = arith.constant 0 : i32
      %dma_start3A_405 = tpu.memref_slice %arg12[%add3A_345, %dma_start3A_404] : memref<10000x128xf32, #tpu.memory_space<vmem_shared>> -> memref<40x128xf32, #tpu.memory_space<vmem_shared>>
      %dma_start3A_406 = arith.constant 0 : i32
      %dma_start3A_407 = arith.constant 0 : i32
      %dma_start3A_408 = tpu.memref_slice %arg11[%run_scoped3A_346, %dma_start3A_406, %dma_start3A_407] : memref<2x40x128xf32, #tpu.memory_space<vmem>> -> memref<1x40x128xf32, #tpu.memory_space<vmem>>
      %dma_start3A_409 = tpu.memref_squeeze %dma_start3A_408 : memref<1x40x128xf32, #tpu.memory_space<vmem>> -> memref<40x128xf32, #tpu.memory_space<vmem>>
      tpu.enqueue_dma source(%dma_start3A_409 : memref<40x128xf32, #tpu.memory_space<vmem>>) target(%dma_start3A_405 : memref<40x128xf32, #tpu.memory_space<vmem_shared>>) target_semaphore(%run_scoped3A_397 : memref<!tpu.dma_semaphore, #tpu.memory_space<semaphore_mem>>)
      %dma_wait3A_410 = arith.constant 0 : i32
      %dma_wait3A_411 = arith.constant 0 : i32
      %dma_wait3A_412 = tpu.memref_slice %arg11[%run_scoped3A_346, %dma_wait3A_410, %dma_wait3A_411] : memref<2x40x128xf32, #tpu.memory_space<vmem>> -> memref<1x40x128xf32, #tpu.memory_space<vmem>>
      %dma_wait3A_413 = tpu.memref_squeeze %dma_wait3A_412 : memref<1x40x128xf32, #tpu.memory_space<vmem>> -> memref<40x128xf32, #tpu.memory_space<vmem>>
      %dma_wait3A_414 = arith.constant 0 : i32
      %dma_wait3A_415 = tpu.memref_slice %arg12[%add3A_345, %dma_wait3A_414] : memref<10000x128xf32, #tpu.memory_space<vmem_shared>> -> memref<40x128xf32, #tpu.memory_space<vmem_shared>>
      %dma_wait3A_416 = arith.constant 0 : i32
      %dma_wait3A_417 = tpu.memref_slice %arg12[%add3A_345, %dma_wait3A_416] : memref<10000x128xf32, #tpu.memory_space<vmem_shared>> -> memref<40x128xf32, #tpu.memory_space<vmem_shared>>
      %dma_wait3A_418 = arith.constant 0 : i32
      %dma_wait3A_419 = arith.constant 0 : i32
      %dma_wait3A_420 = tpu.memref_slice %arg11[%run_scoped3A_346, %dma_wait3A_418, %dma_wait3A_419] : memref<2x40x128xf32, #tpu.memory_space<vmem>> -> memref<1x40x128xf32, #tpu.memory_space<vmem>>
      %dma_wait3A_421 = tpu.memref_squeeze %dma_wait3A_420 : memref<1x40x128xf32, #tpu.memory_space<vmem>> -> memref<40x128xf32, #tpu.memory_space<vmem>>
      tpu.wait_dma2 semaphore(%run_scoped3A_397 : memref<!tpu.dma_semaphore, #tpu.memory_space<semaphore_mem>>) src(%dma_wait3A_421 : memref<40x128xf32, #tpu.memory_space<vmem>>) dst(%dma_wait3A_417 : memref<40x128xf32, #tpu.memory_space<vmem_shared>>)
      tpu.yield
    }) : () -> ()
    %add3A_347 = arith.constant 600 : i32
    %add3A_348 = arith.addi %mul3A_4, %add3A_347 : i32
    %run_scoped3A_349 = arith.constant 0 : i32
    "tpu.region"() ({
      %run_scoped3A_397 = tpu.sem_alloc : memref<!tpu.dma_semaphore, #tpu.memory_space<semaphore_mem>>
      %dma_start3A_398 = arith.constant 0 : i32
      %dma_start3A_399 = arith.constant 0 : i32
      %dma_start3A_400 = tpu.memref_slice %arg11[%run_scoped3A_349, %dma_start3A_398, %dma_start3A_399] : memref<2x40x128xf32, #tpu.memory_space<vmem>> -> memref<1x40x128xf32, #tpu.memory_space<vmem>>
      %dma_start3A_401 = tpu.memref_squeeze %dma_start3A_400 : memref<1x40x128xf32, #tpu.memory_space<vmem>> -> memref<40x128xf32, #tpu.memory_space<vmem>>
      %dma_start3A_402 = arith.constant 0 : i32
      %dma_start3A_403 = arith.constant 0 : i32
      %dma_start3A_404 = tpu.memref_slice %dma_start3A_401[%dma_start3A_402, %dma_start3A_403] : memref<40x128xf32, #tpu.memory_space<vmem>> -> memref<24x128xf32, #tpu.memory_space<vmem>>
      %dma_start3A_405 = arith.constant 0 : i32
      %dma_start3A_406 = tpu.memref_slice %arg12[%add3A_348, %dma_start3A_405] : memref<10000x128xf32, #tpu.memory_space<vmem_shared>> -> memref<24x128xf32, #tpu.memory_space<vmem_shared>>
      %dma_start3A_407 = arith.constant 0 : i32
      %dma_start3A_408 = tpu.memref_slice %arg12[%add3A_348, %dma_start3A_407] : memref<10000x128xf32, #tpu.memory_space<vmem_shared>> -> memref<24x128xf32, #tpu.memory_space<vmem_shared>>
      %dma_start3A_409 = arith.constant 0 : i32
      %dma_start3A_410 = arith.constant 0 : i32
      %dma_start3A_411 = tpu.memref_slice %arg11[%run_scoped3A_349, %dma_start3A_409, %dma_start3A_410] : memref<2x40x128xf32, #tpu.memory_space<vmem>> -> memref<1x40x128xf32, #tpu.memory_space<vmem>>
      %dma_start3A_412 = tpu.memref_squeeze %dma_start3A_411 : memref<1x40x128xf32, #tpu.memory_space<vmem>> -> memref<40x128xf32, #tpu.memory_space<vmem>>
      %dma_start3A_413 = arith.constant 0 : i32
      %dma_start3A_414 = arith.constant 0 : i32
      %dma_start3A_415 = tpu.memref_slice %dma_start3A_412[%dma_start3A_413, %dma_start3A_414] : memref<40x128xf32, #tpu.memory_space<vmem>> -> memref<24x128xf32, #tpu.memory_space<vmem>>
      tpu.enqueue_dma source(%dma_start3A_415 : memref<24x128xf32, #tpu.memory_space<vmem>>) target(%dma_start3A_408 : memref<24x128xf32, #tpu.memory_space<vmem_shared>>) target_semaphore(%run_scoped3A_397 : memref<!tpu.dma_semaphore, #tpu.memory_space<semaphore_mem>>)
      %dma_wait3A_416 = arith.constant 0 : i32
      %dma_wait3A_417 = arith.constant 0 : i32
      %dma_wait3A_418 = tpu.memref_slice %arg11[%run_scoped3A_349, %dma_wait3A_416, %dma_wait3A_417] : memref<2x40x128xf32, #tpu.memory_space<vmem>> -> memref<1x40x128xf32, #tpu.memory_space<vmem>>
      %dma_wait3A_419 = tpu.memref_squeeze %dma_wait3A_418 : memref<1x40x128xf32, #tpu.memory_space<vmem>> -> memref<40x128xf32, #tpu.memory_space<vmem>>
      %dma_wait3A_420 = arith.constant 0 : i32
      %dma_wait3A_421 = arith.constant 0 : i32
      %dma_wait3A_422 = tpu.memref_slice %dma_wait3A_419[%dma_wait3A_420, %dma_wait3A_421] : memref<40x128xf32, #tpu.memory_space<vmem>> -> memref<24x128xf32, #tpu.memory_space<vmem>>
      %dma_wait3A_423 = arith.constant 0 : i32
      %dma_wait3A_424 = tpu.memref_slice %arg12[%add3A_348, %dma_wait3A_423] : memref<10000x128xf32, #tpu.memory_space<vmem_shared>> -> memref<24x128xf32, #tpu.memory_space<vmem_shared>>
      %dma_wait3A_425 = arith.constant 0 : i32
      %dma_wait3A_426 = tpu.memref_slice %arg12[%add3A_348, %dma_wait3A_425] : memref<10000x128xf32, #tpu.memory_space<vmem_shared>> -> memref<24x128xf32, #tpu.memory_space<vmem_shared>>
      %dma_wait3A_427 = arith.constant 0 : i32
      %dma_wait3A_428 = arith.constant 0 : i32
      %dma_wait3A_429 = tpu.memref_slice %arg11[%run_scoped3A_349, %dma_wait3A_427, %dma_wait3A_428] : memref<2x40x128xf32, #tpu.memory_space<vmem>> -> memref<1x40x128xf32, #tpu.memory_space<vmem>>
      %dma_wait3A_430 = tpu.memref_squeeze %dma_wait3A_429 : memref<1x40x128xf32, #tpu.memory_space<vmem>> -> memref<40x128xf32, #tpu.memory_space<vmem>>
      %dma_wait3A_431 = arith.constant 0 : i32
      %dma_wait3A_432 = arith.constant 0 : i32
      %dma_wait3A_433 = tpu.memref_slice %dma_wait3A_430[%dma_wait3A_431, %dma_wait3A_432] : memref<40x128xf32, #tpu.memory_space<vmem>> -> memref<24x128xf32, #tpu.memory_space<vmem>>
      tpu.wait_dma2 semaphore(%run_scoped3A_397 : memref<!tpu.dma_semaphore, #tpu.memory_space<semaphore_mem>>) src(%dma_wait3A_433 : memref<24x128xf32, #tpu.memory_space<vmem>>) dst(%dma_wait3A_426 : memref<24x128xf32, #tpu.memory_space<vmem_shared>>)
      tpu.yield
    }) : () -> ()
    %eq3A = arith.constant 15 : i32
    %eq3A_350 = arith.cmpi eq, %arg1, %eq3A : i32
    %convert_element_type3A = arith.extui %eq3A_350 : i1 to i32
    %cond3A = arith.constant 0 : i32
    %cond3A_351 = arith.constant 0 : i32
    %cond3A_352 = arith.cmpi ne, %convert_element_type3A, %cond3A_351 : i32
    scf.if %cond3A_352 {
      "tpu.region"() ({
        %run_scoped3A_397 = tpu.sem_alloc : memref<!tpu.dma_semaphore, #tpu.memory_space<semaphore_mem>>
        %dma_start3A_398 = arith.constant 0 : i32
        %dma_start3A_399 = arith.constant 0 : i32
        %dma_start3A_400 = tpu.memref_slice %arg11[%cond3A, %dma_start3A_398, %dma_start3A_399] : memref<2x40x128xf32, #tpu.memory_space<vmem>> -> memref<1x40x128xf32, #tpu.memory_space<vmem>>
        %dma_start3A_401 = tpu.memref_squeeze %dma_start3A_400 : memref<1x40x128xf32, #tpu.memory_space<vmem>> -> memref<40x128xf32, #tpu.memory_space<vmem>>
        %dma_start3A_402 = arith.constant 0 : i32
        %dma_start3A_403 = arith.constant 0 : i32
        %dma_start3A_404 = tpu.memref_slice %dma_start3A_401[%dma_start3A_402, %dma_start3A_403] : memref<40x128xf32, #tpu.memory_space<vmem>> -> memref<16x128xf32, #tpu.memory_space<vmem>>
        %dma_start3A_405 = arith.constant 9984 : i32
        %dma_start3A_406 = arith.constant 0 : i32
        %dma_start3A_407 = tpu.memref_slice %arg12[%dma_start3A_405, %dma_start3A_406] : memref<10000x128xf32, #tpu.memory_space<vmem_shared>> -> memref<16x128xf32, #tpu.memory_space<vmem_shared>>
        %dma_start3A_408 = arith.constant 9984 : i32
        %dma_start3A_409 = arith.constant 0 : i32
        %dma_start3A_410 = tpu.memref_slice %arg12[%dma_start3A_408, %dma_start3A_409] : memref<10000x128xf32, #tpu.memory_space<vmem_shared>> -> memref<16x128xf32, #tpu.memory_space<vmem_shared>>
        %dma_start3A_411 = arith.constant 0 : i32
        %dma_start3A_412 = arith.constant 0 : i32
        %dma_start3A_413 = tpu.memref_slice %arg11[%cond3A, %dma_start3A_411, %dma_start3A_412] : memref<2x40x128xf32, #tpu.memory_space<vmem>> -> memref<1x40x128xf32, #tpu.memory_space<vmem>>
        %dma_start3A_414 = tpu.memref_squeeze %dma_start3A_413 : memref<1x40x128xf32, #tpu.memory_space<vmem>> -> memref<40x128xf32, #tpu.memory_space<vmem>>
        %dma_start3A_415 = arith.constant 0 : i32
        %dma_start3A_416 = arith.constant 0 : i32
        %dma_start3A_417 = tpu.memref_slice %dma_start3A_414[%dma_start3A_415, %dma_start3A_416] : memref<40x128xf32, #tpu.memory_space<vmem>> -> memref<16x128xf32, #tpu.memory_space<vmem>>
        tpu.enqueue_dma source(%dma_start3A_417 : memref<16x128xf32, #tpu.memory_space<vmem>>) target(%dma_start3A_410 : memref<16x128xf32, #tpu.memory_space<vmem_shared>>) target_semaphore(%run_scoped3A_397 : memref<!tpu.dma_semaphore, #tpu.memory_space<semaphore_mem>>)
        %dma_wait3A_418 = arith.constant 0 : i32
        %dma_wait3A_419 = arith.constant 0 : i32
        %dma_wait3A_420 = tpu.memref_slice %arg11[%cond3A, %dma_wait3A_418, %dma_wait3A_419] : memref<2x40x128xf32, #tpu.memory_space<vmem>> -> memref<1x40x128xf32, #tpu.memory_space<vmem>>
        %dma_wait3A_421 = tpu.memref_squeeze %dma_wait3A_420 : memref<1x40x128xf32, #tpu.memory_space<vmem>> -> memref<40x128xf32, #tpu.memory_space<vmem>>
        %dma_wait3A_422 = arith.constant 0 : i32
        %dma_wait3A_423 = arith.constant 0 : i32
        %dma_wait3A_424 = tpu.memref_slice %dma_wait3A_421[%dma_wait3A_422, %dma_wait3A_423] : memref<40x128xf32, #tpu.memory_space<vmem>> -> memref<16x128xf32, #tpu.memory_space<vmem>>
        %dma_wait3A_425 = arith.constant 9984 : i32
        %dma_wait3A_426 = arith.constant 0 : i32
        %dma_wait3A_427 = tpu.memref_slice %arg12[%dma_wait3A_425, %dma_wait3A_426] : memref<10000x128xf32, #tpu.memory_space<vmem_shared>> -> memref<16x128xf32, #tpu.memory_space<vmem_shared>>
        %dma_wait3A_428 = arith.constant 9984 : i32
        %dma_wait3A_429 = arith.constant 0 : i32
        %dma_wait3A_430 = tpu.memref_slice %arg12[%dma_wait3A_428, %dma_wait3A_429] : memref<10000x128xf32, #tpu.memory_space<vmem_shared>> -> memref<16x128xf32, #tpu.memory_space<vmem_shared>>
        %dma_wait3A_431 = arith.constant 0 : i32
        %dma_wait3A_432 = arith.constant 0 : i32
        %dma_wait3A_433 = tpu.memref_slice %arg11[%cond3A, %dma_wait3A_431, %dma_wait3A_432] : memref<2x40x128xf32, #tpu.memory_space<vmem>> -> memref<1x40x128xf32, #tpu.memory_space<vmem>>
        %dma_wait3A_434 = tpu.memref_squeeze %dma_wait3A_433 : memref<1x40x128xf32, #tpu.memory_space<vmem>> -> memref<40x128xf32, #tpu.memory_space<vmem>>
        %dma_wait3A_435 = arith.constant 0 : i32
        %dma_wait3A_436 = arith.constant 0 : i32
        %dma_wait3A_437 = tpu.memref_slice %dma_wait3A_434[%dma_wait3A_435, %dma_wait3A_436] : memref<40x128xf32, #tpu.memory_space<vmem>> -> memref<16x128xf32, #tpu.memory_space<vmem>>
        tpu.wait_dma2 semaphore(%run_scoped3A_397 : memref<!tpu.dma_semaphore, #tpu.memory_space<semaphore_mem>>) src(%dma_wait3A_437 : memref<16x128xf32, #tpu.memory_space<vmem>>) dst(%dma_wait3A_430 : memref<16x128xf32, #tpu.memory_space<vmem_shared>>)
        tpu.yield
      }) : () -> ()
    } else {
    }
    %barrier3A = arith.constant 0 : index
    tpu.barrier barrier_id(%barrier3A)
    %scan3A_353 = arith.constant 0 : i32
    %scan3A_354 = arith.constant 0 : i32
    %scan3A_355 = arith.constant 250 : i32
    %scan3A_356 = arith.addi %scan3A_354, %scan3A_355 : i32
    %scan3A_357 = arith.constant 1 : i32
    scf.for %scan3A_397 = %scan3A_354 to %scan3A_356 step %scan3A_357  : i32 {
      %add3A_398 = arith.constant 5 : i32
      %add3A_399 = arith.addi %scan3A_397, %add3A_398 : i32
      %lt3A = arith.constant 250 : i32
      %lt3A_400 = arith.cmpi slt, %add3A_399, %lt3A : i32
      %convert_element_type3A_401 = arith.extui %lt3A_400 : i1 to i32
      %cond3A_402 = arith.constant 0 : i32
      %cond3A_403 = arith.cmpi ne, %convert_element_type3A_401, %cond3A_402 : i32
      scf.if %cond3A_403 {
        %add3A_477 = arith.constant 5 : i32
        %add3A_478 = arith.addi %scan3A_397, %add3A_477 : i32
        %rem3A_479 = arith.constant 8 : i32
        %rem3A_480 = arith.remsi %add3A_478, %rem3A_479 : i32
        %mul3A_481 = arith.constant 40 : i32
        %mul3A_482 = arith.muli %add3A_478, %mul3A_481 : i32
        %add3A_483 = arith.addi %mul3A_2, %mul3A_482 : i32
        %dma_start3A_484 = arith.constant 0 : i32
        %dma_start3A_485 = tpu.memref_slice %arg7[%rem3A_480, %dma_start3A_484] : memref<8x40xi32, #tpu.memory_space<vmem>> -> memref<1x40xi32, #tpu.memory_space<vmem>>
        %dma_start3A_486 = tpu.memref_squeeze %dma_start3A_485 : memref<1x40xi32, #tpu.memory_space<vmem>> -> memref<40xi32, #tpu.memory_space<vmem>>
        %dma_start3A_487 = tpu.memref_slice %arg3[%add3A_483] : memref<320000xi32, #tpu.memory_space<hbm>> -> memref<40xi32, #tpu.memory_space<hbm>>
        %dma_start3A_488 = tpu.memref_slice %arg13[%rem3A_480] : memref<8x!tpu.dma_semaphore, #tpu.memory_space<semaphore_mem>> -> memref<1x!tpu.dma_semaphore, #tpu.memory_space<semaphore_mem>>
        %dma_start3A_489 = tpu.memref_squeeze %dma_start3A_488 : memref<1x!tpu.dma_semaphore, #tpu.memory_space<semaphore_mem>> -> memref<!tpu.dma_semaphore, #tpu.memory_space<semaphore_mem>>
        %dma_start3A_490 = arith.constant 0 : i32
        %dma_start3A_491 = tpu.memref_slice %arg7[%rem3A_480, %dma_start3A_490] : memref<8x40xi32, #tpu.memory_space<vmem>> -> memref<1x40xi32, #tpu.memory_space<vmem>>
        %dma_start3A_492 = tpu.memref_squeeze %dma_start3A_491 : memref<1x40xi32, #tpu.memory_space<vmem>> -> memref<40xi32, #tpu.memory_space<vmem>>
        %dma_start3A_493 = tpu.memref_slice %arg3[%add3A_483] : memref<320000xi32, #tpu.memory_space<hbm>> -> memref<40xi32, #tpu.memory_space<hbm>>
        tpu.enqueue_dma source(%dma_start3A_493 : memref<40xi32, #tpu.memory_space<hbm>>) target(%dma_start3A_492 : memref<40xi32, #tpu.memory_space<vmem>>) target_semaphore(%dma_start3A_489 : memref<!tpu.dma_semaphore, #tpu.memory_space<semaphore_mem>>)
        %mul3A_494 = arith.constant 40 : i32
        %mul3A_495 = arith.muli %add3A_478, %mul3A_494 : i32
        %add3A_496 = arith.addi %mul3A_2, %mul3A_495 : i32
        %dma_start3A_497 = arith.constant 0 : i32
        %dma_start3A_498 = tpu.memref_slice %arg8[%rem3A_480, %dma_start3A_497] : memref<8x40xi32, #tpu.memory_space<vmem>> -> memref<1x40xi32, #tpu.memory_space<vmem>>
        %dma_start3A_499 = tpu.memref_squeeze %dma_start3A_498 : memref<1x40xi32, #tpu.memory_space<vmem>> -> memref<40xi32, #tpu.memory_space<vmem>>
        %dma_start3A_500 = tpu.memref_slice %arg4[%add3A_496] : memref<320000xi32, #tpu.memory_space<hbm>> -> memref<40xi32, #tpu.memory_space<hbm>>
        %dma_start3A_501 = tpu.memref_slice %arg13[%rem3A_480] : memref<8x!tpu.dma_semaphore, #tpu.memory_space<semaphore_mem>> -> memref<1x!tpu.dma_semaphore, #tpu.memory_space<semaphore_mem>>
        %dma_start3A_502 = tpu.memref_squeeze %dma_start3A_501 : memref<1x!tpu.dma_semaphore, #tpu.memory_space<semaphore_mem>> -> memref<!tpu.dma_semaphore, #tpu.memory_space<semaphore_mem>>
        %dma_start3A_503 = arith.constant 0 : i32
        %dma_start3A_504 = tpu.memref_slice %arg8[%rem3A_480, %dma_start3A_503] : memref<8x40xi32, #tpu.memory_space<vmem>> -> memref<1x40xi32, #tpu.memory_space<vmem>>
        %dma_start3A_505 = tpu.memref_squeeze %dma_start3A_504 : memref<1x40xi32, #tpu.memory_space<vmem>> -> memref<40xi32, #tpu.memory_space<vmem>>
        %dma_start3A_506 = tpu.memref_slice %arg4[%add3A_496] : memref<320000xi32, #tpu.memory_space<hbm>> -> memref<40xi32, #tpu.memory_space<hbm>>
        tpu.enqueue_dma source(%dma_start3A_506 : memref<40xi32, #tpu.memory_space<hbm>>) target(%dma_start3A_505 : memref<40xi32, #tpu.memory_space<vmem>>) target_semaphore(%dma_start3A_502 : memref<!tpu.dma_semaphore, #tpu.memory_space<semaphore_mem>>)
      } else {
      }
      %add3A_404 = arith.constant 3 : i32
      %add3A_405 = arith.addi %scan3A_397, %add3A_404 : i32
      %lt3A_406 = arith.constant 250 : i32
      %lt3A_407 = arith.cmpi slt, %add3A_405, %lt3A_406 : i32
      %convert_element_type3A_408 = arith.extui %lt3A_407 : i1 to i32
      %cond3A_409 = arith.constant 0 : i32
      %cond3A_410 = arith.cmpi ne, %convert_element_type3A_408, %cond3A_409 : i32
      scf.if %cond3A_410 {
        %add3A_477 = arith.constant 3 : i32
        %add3A_478 = arith.addi %scan3A_397, %add3A_477 : i32
        %rem3A_479 = arith.constant 8 : i32
        %rem3A_480 = arith.remsi %add3A_478, %rem3A_479 : i32
        %dma_wait3A_481 = arith.constant 0 : i32
        %dma_wait3A_482 = tpu.memref_slice %arg7[%rem3A_480, %dma_wait3A_481] : memref<8x40xi32, #tpu.memory_space<vmem>> -> memref<1x40xi32, #tpu.memory_space<vmem>>
        %dma_wait3A_483 = tpu.memref_squeeze %dma_wait3A_482 : memref<1x40xi32, #tpu.memory_space<vmem>> -> memref<40xi32, #tpu.memory_space<vmem>>
        %dma_wait3A_484 = tpu.memref_slice %arg3[%mul3A_2] : memref<320000xi32, #tpu.memory_space<hbm>> -> memref<40xi32, #tpu.memory_space<hbm>>
        %dma_wait3A_485 = tpu.memref_slice %arg13[%rem3A_480] : memref<8x!tpu.dma_semaphore, #tpu.memory_space<semaphore_mem>> -> memref<1x!tpu.dma_semaphore, #tpu.memory_space<semaphore_mem>>
        %dma_wait3A_486 = tpu.memref_squeeze %dma_wait3A_485 : memref<1x!tpu.dma_semaphore, #tpu.memory_space<semaphore_mem>> -> memref<!tpu.dma_semaphore, #tpu.memory_space<semaphore_mem>>
        %dma_wait3A_487 = arith.constant 0 : i32
        %dma_wait3A_488 = tpu.memref_slice %arg7[%rem3A_480, %dma_wait3A_487] : memref<8x40xi32, #tpu.memory_space<vmem>> -> memref<1x40xi32, #tpu.memory_space<vmem>>
        %dma_wait3A_489 = tpu.memref_squeeze %dma_wait3A_488 : memref<1x40xi32, #tpu.memory_space<vmem>> -> memref<40xi32, #tpu.memory_space<vmem>>
        %dma_wait3A_490 = tpu.memref_slice %arg3[%mul3A_2] : memref<320000xi32, #tpu.memory_space<hbm>> -> memref<40xi32, #tpu.memory_space<hbm>>
        tpu.wait_dma2 semaphore(%dma_wait3A_486 : memref<!tpu.dma_semaphore, #tpu.memory_space<semaphore_mem>>) src(%dma_wait3A_490 : memref<40xi32, #tpu.memory_space<hbm>>) dst(%dma_wait3A_489 : memref<40xi32, #tpu.memory_space<vmem>>)
        %dma_wait3A_491 = arith.constant 0 : i32
        %dma_wait3A_492 = tpu.memref_slice %arg8[%rem3A_480, %dma_wait3A_491] : memref<8x40xi32, #tpu.memory_space<vmem>> -> memref<1x40xi32, #tpu.memory_space<vmem>>
        %dma_wait3A_493 = tpu.memref_squeeze %dma_wait3A_492 : memref<1x40xi32, #tpu.memory_space<vmem>> -> memref<40xi32, #tpu.memory_space<vmem>>
        %dma_wait3A_494 = tpu.memref_slice %arg4[%mul3A_2] : memref<320000xi32, #tpu.memory_space<hbm>> -> memref<40xi32, #tpu.memory_space<hbm>>
        %dma_wait3A_495 = tpu.memref_slice %arg13[%rem3A_480] : memref<8x!tpu.dma_semaphore, #tpu.memory_space<semaphore_mem>> -> memref<1x!tpu.dma_semaphore, #tpu.memory_space<semaphore_mem>>
        %dma_wait3A_496 = tpu.memref_squeeze %dma_wait3A_495 : memref<1x!tpu.dma_semaphore, #tpu.memory_space<semaphore_mem>> -> memref<!tpu.dma_semaphore, #tpu.memory_space<semaphore_mem>>
        %dma_wait3A_497 = arith.constant 0 : i32
        %dma_wait3A_498 = tpu.memref_slice %arg8[%rem3A_480, %dma_wait3A_497] : memref<8x40xi32, #tpu.memory_space<vmem>> -> memref<1x40xi32, #tpu.memory_space<vmem>>
        %dma_wait3A_499 = tpu.memref_squeeze %dma_wait3A_498 : memref<1x40xi32, #tpu.memory_space<vmem>> -> memref<40xi32, #tpu.memory_space<vmem>>
        %dma_wait3A_500 = tpu.memref_slice %arg4[%mul3A_2] : memref<320000xi32, #tpu.memory_space<hbm>> -> memref<40xi32, #tpu.memory_space<hbm>>
        tpu.wait_dma2 semaphore(%dma_wait3A_496 : memref<!tpu.dma_semaphore, #tpu.memory_space<semaphore_mem>>) src(%dma_wait3A_500 : memref<40xi32, #tpu.memory_space<hbm>>) dst(%dma_wait3A_499 : memref<40xi32, #tpu.memory_space<vmem>>)
        %add3A_501 = arith.constant 3 : i32
        %add3A_502 = arith.addi %scan3A_397, %add3A_501 : i32
        %rem3A_503 = arith.constant 4 : i32
        %rem3A_504 = arith.remsi %add3A_502, %rem3A_503 : i32
        %rem3A_505 = arith.constant 8 : i32
        %rem3A_506 = arith.remsi %add3A_502, %rem3A_505 : i32
        %dma_start3A_507 = arith.constant 0 : i32
        %dma_start3A_508 = arith.constant 0 : i32
        %dma_start3A_509 = tpu.memref_slice %arg9[%rem3A_504, %dma_start3A_507, %dma_start3A_508] : memref<4x40x128xf32, #tpu.memory_space<vmem>> -> memref<1x40x128xf32, #tpu.memory_space<vmem>>
        %dma_start3A_510 = tpu.memref_squeeze %dma_start3A_509 : memref<1x40x128xf32, #tpu.memory_space<vmem>> -> memref<40x128xf32, #tpu.memory_space<vmem>>
        %dma_start3A_511 = arith.constant 0 : i32
        %dma_start3A_512 = tpu.memref_slice %arg7[%rem3A_506, %dma_start3A_511] : memref<8x40xi32, #tpu.memory_space<vmem>> -> memref<1x40xi32, #tpu.memory_space<vmem>>
        %dma_start3A_513 = tpu.memref_squeeze %dma_start3A_512 : memref<1x40xi32, #tpu.memory_space<vmem>> -> memref<40xi32, #tpu.memory_space<vmem>>
        %dma_start3A_514 = arith.constant 0 : i32
        %dma_start3A_515 = arith.constant 0 : i32
        %dma_start3A_516 = tpu.memref_slice %arg2[%dma_start3A_514, %dma_start3A_515] : memref<10000x128xf32, #tpu.memory_space<hbm>> -> memref<10000x128xf32, #tpu.memory_space<hbm>>
        %dma_start3A_517 = tpu.memref_slice %arg14[%rem3A_504] : memref<4x!tpu.dma_semaphore, #tpu.memory_space<semaphore_mem>> -> memref<1x!tpu.dma_semaphore, #tpu.memory_space<semaphore_mem>>
        %dma_start3A_518 = tpu.memref_squeeze %dma_start3A_517 : memref<1x!tpu.dma_semaphore, #tpu.memory_space<semaphore_mem>> -> memref<!tpu.dma_semaphore, #tpu.memory_space<semaphore_mem>>
        tpu.enqueue_indirect_dma source(%dma_start3A_516 : memref<10000x128xf32, #tpu.memory_space<hbm>>) target(%dma_start3A_510 : memref<40x128xf32, #tpu.memory_space<vmem>>) offsets(%dma_start3A_513 : memref<40xi32, #tpu.memory_space<vmem>>) semaphore(%dma_start3A_518 : memref<!tpu.dma_semaphore, #tpu.memory_space<semaphore_mem>>)
      } else {
      }
      %add3A_411 = arith.constant 2 : i32
      %add3A_412 = arith.addi %scan3A_397, %add3A_411 : i32
      %lt3A_413 = arith.constant 250 : i32
      %lt3A_414 = arith.cmpi slt, %add3A_412, %lt3A_413 : i32
      %convert_element_type3A_415 = arith.extui %lt3A_414 : i1 to i32
      %cond3A_416 = arith.constant 0 : i32
      %cond3A_417 = arith.cmpi ne, %convert_element_type3A_415, %cond3A_416 : i32
      scf.if %cond3A_417 {
        %add3A_477 = arith.constant 2 : i32
        %add3A_478 = arith.addi %scan3A_397, %add3A_477 : i32
        %rem3A_479 = arith.constant 3 : i32
        %rem3A_480 = arith.remsi %add3A_478, %rem3A_479 : i32
        %mul3A_481 = arith.constant 40 : i32
        %mul3A_482 = arith.muli %add3A_478, %mul3A_481 : i32
        %add3A_483 = arith.addi %mul3A_2, %mul3A_482 : i32
        %dma_start3A_484 = arith.constant 0 : i32
        %dma_start3A_485 = arith.constant 0 : i32
        %dma_start3A_486 = tpu.memref_slice %arg10[%rem3A_480, %dma_start3A_484, %dma_start3A_485] : memref<3x40x128xf32, #tpu.memory_space<vmem>> -> memref<1x40x128xf32, #tpu.memory_space<vmem>>
        %dma_start3A_487 = tpu.memref_squeeze %dma_start3A_486 : memref<1x40x128xf32, #tpu.memory_space<vmem>> -> memref<40x128xf32, #tpu.memory_space<vmem>>
        %dma_start3A_488 = arith.constant 0 : i32
        %dma_start3A_489 = tpu.memref_slice %arg5[%add3A_483, %dma_start3A_488] : memref<320000x128xf32, #tpu.memory_space<hbm>> -> memref<40x128xf32, #tpu.memory_space<hbm>>
        %dma_start3A_490 = tpu.memref_slice %arg15[%rem3A_480] : memref<3x!tpu.dma_semaphore, #tpu.memory_space<semaphore_mem>> -> memref<1x!tpu.dma_semaphore, #tpu.memory_space<semaphore_mem>>
        %dma_start3A_491 = tpu.memref_squeeze %dma_start3A_490 : memref<1x!tpu.dma_semaphore, #tpu.memory_space<semaphore_mem>> -> memref<!tpu.dma_semaphore, #tpu.memory_space<semaphore_mem>>
        %dma_start3A_492 = arith.constant 0 : i32
        %dma_start3A_493 = arith.constant 0 : i32
        %dma_start3A_494 = tpu.memref_slice %arg10[%rem3A_480, %dma_start3A_492, %dma_start3A_493] : memref<3x40x128xf32, #tpu.memory_space<vmem>> -> memref<1x40x128xf32, #tpu.memory_space<vmem>>
        %dma_start3A_495 = tpu.memref_squeeze %dma_start3A_494 : memref<1x40x128xf32, #tpu.memory_space<vmem>> -> memref<40x128xf32, #tpu.memory_space<vmem>>
        %dma_start3A_496 = arith.constant 0 : i32
        %dma_start3A_497 = tpu.memref_slice %arg5[%add3A_483, %dma_start3A_496] : memref<320000x128xf32, #tpu.memory_space<hbm>> -> memref<40x128xf32, #tpu.memory_space<hbm>>
        tpu.enqueue_dma source(%dma_start3A_497 : memref<40x128xf32, #tpu.memory_space<hbm>>) target(%dma_start3A_495 : memref<40x128xf32, #tpu.memory_space<vmem>>) target_semaphore(%dma_start3A_491 : memref<!tpu.dma_semaphore, #tpu.memory_space<semaphore_mem>>)
      } else {
      }
      %rem3A_418 = arith.constant 4 : i32
      %rem3A_419 = arith.remsi %scan3A_397, %rem3A_418 : i32
      %dma_wait3A_420 = arith.constant 0 : i32
      %dma_wait3A_421 = arith.constant 0 : i32
      %dma_wait3A_422 = arith.constant 0 : i32
      %dma_wait3A_423 = tpu.memref_slice %arg9[%rem3A_419, %dma_wait3A_421, %dma_wait3A_422] : memref<4x40x128xf32, #tpu.memory_space<vmem>> -> memref<1x40x128xf32, #tpu.memory_space<vmem>>
      %dma_wait3A_424 = tpu.memref_squeeze %dma_wait3A_423 : memref<1x40x128xf32, #tpu.memory_space<vmem>> -> memref<40x128xf32, #tpu.memory_space<vmem>>
      %dma_wait3A_425 = arith.constant 0 : i32
      %dma_wait3A_426 = tpu.memref_slice %arg7[%dma_wait3A_420, %dma_wait3A_425] : memref<8x40xi32, #tpu.memory_space<vmem>> -> memref<1x40xi32, #tpu.memory_space<vmem>>
      %dma_wait3A_427 = tpu.memref_squeeze %dma_wait3A_426 : memref<1x40xi32, #tpu.memory_space<vmem>> -> memref<40xi32, #tpu.memory_space<vmem>>
      %dma_wait3A_428 = arith.constant 0 : i32
      %dma_wait3A_429 = arith.constant 0 : i32
      %dma_wait3A_430 = tpu.memref_slice %arg2[%dma_wait3A_428, %dma_wait3A_429] : memref<10000x128xf32, #tpu.memory_space<hbm>> -> memref<10000x128xf32, #tpu.memory_space<hbm>>
      %dma_wait3A_431 = tpu.memref_slice %arg14[%rem3A_419] : memref<4x!tpu.dma_semaphore, #tpu.memory_space<semaphore_mem>> -> memref<1x!tpu.dma_semaphore, #tpu.memory_space<semaphore_mem>>
      %dma_wait3A_432 = tpu.memref_squeeze %dma_wait3A_431 : memref<1x!tpu.dma_semaphore, #tpu.memory_space<semaphore_mem>> -> memref<!tpu.dma_semaphore, #tpu.memory_space<semaphore_mem>>
      tpu.wait_indirect_dma semaphore(%dma_wait3A_432 : memref<!tpu.dma_semaphore, #tpu.memory_space<semaphore_mem>>) src(%dma_wait3A_430 : memref<10000x128xf32, #tpu.memory_space<hbm>>) dst(%dma_wait3A_424 : memref<40x128xf32, #tpu.memory_space<vmem>>)
      %rem3A_433 = arith.constant 3 : i32
      %rem3A_434 = arith.remsi %scan3A_397, %rem3A_433 : i32
      %dma_wait3A_435 = arith.constant 0 : i32
      %dma_wait3A_436 = arith.constant 0 : i32
      %dma_wait3A_437 = tpu.memref_slice %arg10[%rem3A_434, %dma_wait3A_435, %dma_wait3A_436] : memref<3x40x128xf32, #tpu.memory_space<vmem>> -> memref<1x40x128xf32, #tpu.memory_space<vmem>>
      %dma_wait3A_438 = tpu.memref_squeeze %dma_wait3A_437 : memref<1x40x128xf32, #tpu.memory_space<vmem>> -> memref<40x128xf32, #tpu.memory_space<vmem>>
      %dma_wait3A_439 = arith.constant 0 : i32
      %dma_wait3A_440 = tpu.memref_slice %arg5[%mul3A_2, %dma_wait3A_439] : memref<320000x128xf32, #tpu.memory_space<hbm>> -> memref<40x128xf32, #tpu.memory_space<hbm>>
      %dma_wait3A_441 = tpu.memref_slice %arg15[%rem3A_434] : memref<3x!tpu.dma_semaphore, #tpu.memory_space<semaphore_mem>> -> memref<1x!tpu.dma_semaphore, #tpu.memory_space<semaphore_mem>>
      %dma_wait3A_442 = tpu.memref_squeeze %dma_wait3A_441 : memref<1x!tpu.dma_semaphore, #tpu.memory_space<semaphore_mem>> -> memref<!tpu.dma_semaphore, #tpu.memory_space<semaphore_mem>>
      %dma_wait3A_443 = arith.constant 0 : i32
      %dma_wait3A_444 = arith.constant 0 : i32
      %dma_wait3A_445 = tpu.memref_slice %arg10[%rem3A_434, %dma_wait3A_443, %dma_wait3A_444] : memref<3x40x128xf32, #tpu.memory_space<vmem>> -> memref<1x40x128xf32, #tpu.memory_space<vmem>>
      %dma_wait3A_446 = tpu.memref_squeeze %dma_wait3A_445 : memref<1x40x128xf32, #tpu.memory_space<vmem>> -> memref<40x128xf32, #tpu.memory_space<vmem>>
      %dma_wait3A_447 = arith.constant 0 : i32
      %dma_wait3A_448 = tpu.memref_slice %arg5[%mul3A_2, %dma_wait3A_447] : memref<320000x128xf32, #tpu.memory_space<hbm>> -> memref<40x128xf32, #tpu.memory_space<hbm>>
      tpu.wait_dma2 semaphore(%dma_wait3A_442 : memref<!tpu.dma_semaphore, #tpu.memory_space<semaphore_mem>>) src(%dma_wait3A_448 : memref<40x128xf32, #tpu.memory_space<hbm>>) dst(%dma_wait3A_446 : memref<40x128xf32, #tpu.memory_space<vmem>>)
      %ge3A = arith.constant 2 : i32
      %ge3A_449 = arith.cmpi sge, %scan3A_397, %ge3A : i32
      %convert_element_type3A_450 = arith.extui %ge3A_449 : i1 to i32
      %cond3A_451 = arith.constant 0 : i32
      %cond3A_452 = arith.cmpi ne, %convert_element_type3A_450, %cond3A_451 : i32
      scf.if %cond3A_452 {
        %sub3A = arith.constant 2 : i32
        %sub3A_477 = arith.subi %scan3A_397, %sub3A : i32
        %rem3A_478 = arith.constant 2 : i32
        %rem3A_479 = arith.remsi %sub3A_477, %rem3A_478 : i32
        %dma_wait3A_480 = arith.constant 0 : i32
        %dma_wait3A_481 = arith.constant 0 : i32
        %dma_wait3A_482 = arith.constant 0 : i32
        %dma_wait3A_483 = tpu.memref_slice %arg11[%rem3A_479, %dma_wait3A_481, %dma_wait3A_482] : memref<2x40x128xf32, #tpu.memory_space<vmem>> -> memref<1x40x128xf32, #tpu.memory_space<vmem>>
        %dma_wait3A_484 = tpu.memref_squeeze %dma_wait3A_483 : memref<1x40x128xf32, #tpu.memory_space<vmem>> -> memref<40x128xf32, #tpu.memory_space<vmem>>
        %dma_wait3A_485 = arith.constant 0 : i32
        %dma_wait3A_486 = tpu.memref_slice %arg8[%dma_wait3A_480, %dma_wait3A_485] : memref<8x40xi32, #tpu.memory_space<vmem>> -> memref<1x40xi32, #tpu.memory_space<vmem>>
        %dma_wait3A_487 = tpu.memref_squeeze %dma_wait3A_486 : memref<1x40xi32, #tpu.memory_space<vmem>> -> memref<40xi32, #tpu.memory_space<vmem>>
        %dma_wait3A_488 = arith.constant 0 : i32
        %dma_wait3A_489 = arith.constant 0 : i32
        %dma_wait3A_490 = tpu.memref_slice %arg12[%dma_wait3A_488, %dma_wait3A_489] : memref<10000x128xf32, #tpu.memory_space<vmem_shared>> -> memref<10000x128xf32, #tpu.memory_space<vmem_shared>>
        %dma_wait3A_491 = tpu.memref_slice %arg16[%rem3A_479] : memref<2x!tpu.dma_semaphore, #tpu.memory_space<semaphore_mem>> -> memref<1x!tpu.dma_semaphore, #tpu.memory_space<semaphore_mem>>
        %dma_wait3A_492 = tpu.memref_squeeze %dma_wait3A_491 : memref<1x!tpu.dma_semaphore, #tpu.memory_space<semaphore_mem>> -> memref<!tpu.dma_semaphore, #tpu.memory_space<semaphore_mem>>
        tpu.wait_indirect_dma semaphore(%dma_wait3A_492 : memref<!tpu.dma_semaphore, #tpu.memory_space<semaphore_mem>>) src(%dma_wait3A_484 : memref<40x128xf32, #tpu.memory_space<vmem>>) dst(%dma_wait3A_490 : memref<10000x128xf32, #tpu.memory_space<vmem_shared>>)
      } else {
      }
      %rem3A_453 = arith.constant 4 : i32
      %rem3A_454 = arith.remsi %scan3A_397, %rem3A_453 : i32
      %rem3A_455 = arith.constant 3 : i32
      %rem3A_456 = arith.remsi %scan3A_397, %rem3A_455 : i32
      %rem3A_457 = arith.constant 2 : i32
      %rem3A_458 = arith.remsi %scan3A_397, %rem3A_457 : i32
      %parallel_loop3A = arith.constant 0 : i32
      %parallel_loop3A_459 = arith.constant 40 : i32
      %parallel_loop3A_460 = arith.constant 1 : i32
      scf.for %parallel_loop3A_477 = %parallel_loop3A to %parallel_loop3A_459 step %parallel_loop3A_460  : i32 {
        %parallel_loop3A_478 = arith.index_cast %rem3A_454 : i32 to index
        %parallel_loop3A_479 = arith.index_cast %parallel_loop3A_477 : i32 to index
        %parallel_loop3A_480 = arith.constant 0 : index
        %parallel_loop3A_481 = tpu.vector_load %arg9[%parallel_loop3A_478, %parallel_loop3A_479, %parallel_loop3A_480] {strides = array<i32>} : memref<4x40x128xf32, #tpu.memory_space<vmem>>, vector<1x1x16xf32>,
        %parallel_loop3A_482 = vector.shape_cast %parallel_loop3A_481 : vector<1x1x16xf32> to vector<16xf32>
        %parallel_loop3A_483 = arith.index_cast %rem3A_456 : i32 to index
        %parallel_loop3A_484 = arith.index_cast %parallel_loop3A_477 : i32 to index
        %parallel_loop3A_485 = arith.constant 0 : index
        %parallel_loop3A_486 = tpu.vector_load %arg10[%parallel_loop3A_483, %parallel_loop3A_484, %parallel_loop3A_485] {strides = array<i32>} : memref<3x40x128xf32, #tpu.memory_space<vmem>>, vector<1x1x16xf32>,
        %parallel_loop3A_487 = vector.shape_cast %parallel_loop3A_486 : vector<1x1x16xf32> to vector<16xf32>
        %parallel_loop3A_488 = arith.addf %parallel_loop3A_482, %parallel_loop3A_487 : vector<16xf32>
        %parallel_loop3A_489 = arith.constant 0.000000e+00 : f32
        %parallel_loop3A_490 = vector.broadcast %parallel_loop3A_489 : f32 to vector<16xf32>
        %parallel_loop3A_491 = arith.maximumf %parallel_loop3A_488, %parallel_loop3A_490 : vector<16xf32>
        %parallel_loop3A_492 = arith.index_cast %rem3A_458 : i32 to index
        %parallel_loop3A_493 = arith.index_cast %parallel_loop3A_477 : i32 to index
        %parallel_loop3A_494 = arith.constant 0 : index
        %parallel_loop3A_495 = tpu.vector_load %arg11[%parallel_loop3A_492, %parallel_loop3A_493, %parallel_loop3A_494] {strides = array<i32>} : memref<2x40x128xf32, #tpu.memory_space<vmem>>, vector<1x1x16xf32>,
        %parallel_loop3A_496 = vector.shape_cast %parallel_loop3A_495 : vector<1x1x16xf32> to vector<16xf32>
        %parallel_loop3A_497 = vector.shape_cast %parallel_loop3A_491 : vector<16xf32> to vector<1x1x16xf32>
        tpu.vector_store %arg11[%parallel_loop3A_492, %parallel_loop3A_493, %parallel_loop3A_494], %parallel_loop3A_497 {strides = array<i32>} : memref<2x40x128xf32, #tpu.memory_space<vmem>>, vector<1x1x16xf32>,
        %parallel_loop3A_498 = arith.index_cast %rem3A_454 : i32 to index
        %parallel_loop3A_499 = arith.index_cast %parallel_loop3A_477 : i32 to index
        %parallel_loop3A_500 = arith.constant 16 : index
        %parallel_loop3A_501 = tpu.vector_load %arg9[%parallel_loop3A_498, %parallel_loop3A_499, %parallel_loop3A_500] {strides = array<i32>} : memref<4x40x128xf32, #tpu.memory_space<vmem>>, vector<1x1x16xf32>,
        %parallel_loop3A_502 = vector.shape_cast %parallel_loop3A_501 : vector<1x1x16xf32> to vector<16xf32>
        %parallel_loop3A_503 = arith.index_cast %rem3A_456 : i32 to index
        %parallel_loop3A_504 = arith.index_cast %parallel_loop3A_477 : i32 to index
        %parallel_loop3A_505 = arith.constant 16 : index
        %parallel_loop3A_506 = tpu.vector_load %arg10[%parallel_loop3A_503, %parallel_loop3A_504, %parallel_loop3A_505] {strides = array<i32>} : memref<3x40x128xf32, #tpu.memory_space<vmem>>, vector<1x1x16xf32>,
        %parallel_loop3A_507 = vector.shape_cast %parallel_loop3A_506 : vector<1x1x16xf32> to vector<16xf32>
        %parallel_loop3A_508 = arith.addf %parallel_loop3A_502, %parallel_loop3A_507 : vector<16xf32>
        %parallel_loop3A_509 = arith.constant 0.000000e+00 : f32
        %parallel_loop3A_510 = vector.broadcast %parallel_loop3A_509 : f32 to vector<16xf32>
        %parallel_loop3A_511 = arith.maximumf %parallel_loop3A_508, %parallel_loop3A_510 : vector<16xf32>
        %parallel_loop3A_512 = arith.index_cast %rem3A_458 : i32 to index
        %parallel_loop3A_513 = arith.index_cast %parallel_loop3A_477 : i32 to index
        %parallel_loop3A_514 = arith.constant 16 : index
        %parallel_loop3A_515 = tpu.vector_load %arg11[%parallel_loop3A_512, %parallel_loop3A_513, %parallel_loop3A_514] {strides = array<i32>} : memref<2x40x128xf32, #tpu.memory_space<vmem>>, vector<1x1x16xf32>,
        %parallel_loop3A_516 = vector.shape_cast %parallel_loop3A_515 : vector<1x1x16xf32> to vector<16xf32>
        %parallel_loop3A_517 = vector.shape_cast %parallel_loop3A_511 : vector<16xf32> to vector<1x1x16xf32>
        tpu.vector_store %arg11[%parallel_loop3A_512, %parallel_loop3A_513, %parallel_loop3A_514], %parallel_loop3A_517 {strides = array<i32>} : memref<2x40x128xf32, #tpu.memory_space<vmem>>, vector<1x1x16xf32>,
        %parallel_loop3A_518 = arith.index_cast %rem3A_454 : i32 to index
        %parallel_loop3A_519 = arith.index_cast %parallel_loop3A_477 : i32 to index
        %parallel_loop3A_520 = arith.constant 32 : index
        %parallel_loop3A_521 = tpu.vector_load %arg9[%parallel_loop3A_518, %parallel_loop3A_519, %parallel_loop3A_520] {strides = array<i32>} : memref<4x40x128xf32, #tpu.memory_space<vmem>>, vector<1x1x16xf32>,
        %parallel_loop3A_522 = vector.shape_cast %parallel_loop3A_521 : vector<1x1x16xf32> to vector<16xf32>
        %parallel_loop3A_523 = arith.index_cast %rem3A_456 : i32 to index
        %parallel_loop3A_524 = arith.index_cast %parallel_loop3A_477 : i32 to index
        %parallel_loop3A_525 = arith.constant 32 : index
        %parallel_loop3A_526 = tpu.vector_load %arg10[%parallel_loop3A_523, %parallel_loop3A_524, %parallel_loop3A_525] {strides = array<i32>} : memref<3x40x128xf32, #tpu.memory_space<vmem>>, vector<1x1x16xf32>,
        %parallel_loop3A_527 = vector.shape_cast %parallel_loop3A_526 : vector<1x1x16xf32> to vector<16xf32>
        %parallel_loop3A_528 = arith.addf %parallel_loop3A_522, %parallel_loop3A_527 : vector<16xf32>
        %parallel_loop3A_529 = arith.constant 0.000000e+00 : f32
        %parallel_loop3A_530 = vector.broadcast %parallel_loop3A_529 : f32 to vector<16xf32>
        %parallel_loop3A_531 = arith.maximumf %parallel_loop3A_528, %parallel_loop3A_530 : vector<16xf32>
        %parallel_loop3A_532 = arith.index_cast %rem3A_458 : i32 to index
        %parallel_loop3A_533 = arith.index_cast %parallel_loop3A_477 : i32 to index
        %parallel_loop3A_534 = arith.constant 32 : index
        %parallel_loop3A_535 = tpu.vector_load %arg11[%parallel_loop3A_532, %parallel_loop3A_533, %parallel_loop3A_534] {strides = array<i32>} : memref<2x40x128xf32, #tpu.memory_space<vmem>>, vector<1x1x16xf32>,
        %parallel_loop3A_536 = vector.shape_cast %parallel_loop3A_535 : vector<1x1x16xf32> to vector<16xf32>
        %parallel_loop3A_537 = vector.shape_cast %parallel_loop3A_531 : vector<16xf32> to vector<1x1x16xf32>
        tpu.vector_store %arg11[%parallel_loop3A_532, %parallel_loop3A_533, %parallel_loop3A_534], %parallel_loop3A_537 {strides = array<i32>} : memref<2x40x128xf32, #tpu.memory_space<vmem>>, vector<1x1x16xf32>,
        %parallel_loop3A_538 = arith.index_cast %rem3A_454 : i32 to index
        %parallel_loop3A_539 = arith.index_cast %parallel_loop3A_477 : i32 to index
        %parallel_loop3A_540 = arith.constant 48 : index
        %parallel_loop3A_541 = tpu.vector_load %arg9[%parallel_loop3A_538, %parallel_loop3A_539, %parallel_loop3A_540] {strides = array<i32>} : memref<4x40x128xf32, #tpu.memory_space<vmem>>, vector<1x1x16xf32>,
        %parallel_loop3A_542 = vector.shape_cast %parallel_loop3A_541 : vector<1x1x16xf32> to vector<16xf32>
        %parallel_loop3A_543 = arith.index_cast %rem3A_456 : i32 to index
        %parallel_loop3A_544 = arith.index_cast %parallel_loop3A_477 : i32 to index
        %parallel_loop3A_545 = arith.constant 48 : index
        %parallel_loop3A_546 = tpu.vector_load %arg10[%parallel_loop3A_543, %parallel_loop3A_544, %parallel_loop3A_545] {strides = array<i32>} : memref<3x40x128xf32, #tpu.memory_space<vmem>>, vector<1x1x16xf32>,
        %parallel_loop3A_547 = vector.shape_cast %parallel_loop3A_546 : vector<1x1x16xf32> to vector<16xf32>
        %parallel_loop3A_548 = arith.addf %parallel_loop3A_542, %parallel_loop3A_547 : vector<16xf32>
        %parallel_loop3A_549 = arith.constant 0.000000e+00 : f32
        %parallel_loop3A_550 = vector.broadcast %parallel_loop3A_549 : f32 to vector<16xf32>
        %parallel_loop3A_551 = arith.maximumf %parallel_loop3A_548, %parallel_loop3A_550 : vector<16xf32>
        %parallel_loop3A_552 = arith.index_cast %rem3A_458 : i32 to index
        %parallel_loop3A_553 = arith.index_cast %parallel_loop3A_477 : i32 to index
        %parallel_loop3A_554 = arith.constant 48 : index
        %parallel_loop3A_555 = tpu.vector_load %arg11[%parallel_loop3A_552, %parallel_loop3A_553, %parallel_loop3A_554] {strides = array<i32>} : memref<2x40x128xf32, #tpu.memory_space<vmem>>, vector<1x1x16xf32>,
        %parallel_loop3A_556 = vector.shape_cast %parallel_loop3A_555 : vector<1x1x16xf32> to vector<16xf32>
        %parallel_loop3A_557 = vector.shape_cast %parallel_loop3A_551 : vector<16xf32> to vector<1x1x16xf32>
        tpu.vector_store %arg11[%parallel_loop3A_552, %parallel_loop3A_553, %parallel_loop3A_554], %parallel_loop3A_557 {strides = array<i32>} : memref<2x40x128xf32, #tpu.memory_space<vmem>>, vector<1x1x16xf32>,
        %parallel_loop3A_558 = arith.index_cast %rem3A_454 : i32 to index
        %parallel_loop3A_559 = arith.index_cast %parallel_loop3A_477 : i32 to index
        %parallel_loop3A_560 = arith.constant 64 : index
        %parallel_loop3A_561 = tpu.vector_load %arg9[%parallel_loop3A_558, %parallel_loop3A_559, %parallel_loop3A_560] {strides = array<i32>} : memref<4x40x128xf32, #tpu.memory_space<vmem>>, vector<1x1x16xf32>,
        %parallel_loop3A_562 = vector.shape_cast %parallel_loop3A_561 : vector<1x1x16xf32> to vector<16xf32>
        %parallel_loop3A_563 = arith.index_cast %rem3A_456 : i32 to index
        %parallel_loop3A_564 = arith.index_cast %parallel_loop3A_477 : i32 to index
        %parallel_loop3A_565 = arith.constant 64 : index
        %parallel_loop3A_566 = tpu.vector_load %arg10[%parallel_loop3A_563, %parallel_loop3A_564, %parallel_loop3A_565] {strides = array<i32>} : memref<3x40x128xf32, #tpu.memory_space<vmem>>, vector<1x1x16xf32>,
        %parallel_loop3A_567 = vector.shape_cast %parallel_loop3A_566 : vector<1x1x16xf32> to vector<16xf32>
        %parallel_loop3A_568 = arith.addf %parallel_loop3A_562, %parallel_loop3A_567 : vector<16xf32>
        %parallel_loop3A_569 = arith.constant 0.000000e+00 : f32
        %parallel_loop3A_570 = vector.broadcast %parallel_loop3A_569 : f32 to vector<16xf32>
        %parallel_loop3A_571 = arith.maximumf %parallel_loop3A_568, %parallel_loop3A_570 : vector<16xf32>
        %parallel_loop3A_572 = arith.index_cast %rem3A_458 : i32 to index
        %parallel_loop3A_573 = arith.index_cast %parallel_loop3A_477 : i32 to index
        %parallel_loop3A_574 = arith.constant 64 : index
        %parallel_loop3A_575 = tpu.vector_load %arg11[%parallel_loop3A_572, %parallel_loop3A_573, %parallel_loop3A_574] {strides = array<i32>} : memref<2x40x128xf32, #tpu.memory_space<vmem>>, vector<1x1x16xf32>,
        %parallel_loop3A_576 = vector.shape_cast %parallel_loop3A_575 : vector<1x1x16xf32> to vector<16xf32>
        %parallel_loop3A_577 = vector.shape_cast %parallel_loop3A_571 : vector<16xf32> to vector<1x1x16xf32>
        tpu.vector_store %arg11[%parallel_loop3A_572, %parallel_loop3A_573, %parallel_loop3A_574], %parallel_loop3A_577 {strides = array<i32>} : memref<2x40x128xf32, #tpu.memory_space<vmem>>, vector<1x1x16xf32>,
        %parallel_loop3A_578 = arith.index_cast %rem3A_454 : i32 to index
        %parallel_loop3A_579 = arith.index_cast %parallel_loop3A_477 : i32 to index
        %parallel_loop3A_580 = arith.constant 80 : index
        %parallel_loop3A_581 = tpu.vector_load %arg9[%parallel_loop3A_578, %parallel_loop3A_579, %parallel_loop3A_580] {strides = array<i32>} : memref<4x40x128xf32, #tpu.memory_space<vmem>>, vector<1x1x16xf32>,
        %parallel_loop3A_582 = vector.shape_cast %parallel_loop3A_581 : vector<1x1x16xf32> to vector<16xf32>
        %parallel_loop3A_583 = arith.index_cast %rem3A_456 : i32 to index
        %parallel_loop3A_584 = arith.index_cast %parallel_loop3A_477 : i32 to index
        %parallel_loop3A_585 = arith.constant 80 : index
        %parallel_loop3A_586 = tpu.vector_load %arg10[%parallel_loop3A_583, %parallel_loop3A_584, %parallel_loop3A_585] {strides = array<i32>} : memref<3x40x128xf32, #tpu.memory_space<vmem>>, vector<1x1x16xf32>,
        %parallel_loop3A_587 = vector.shape_cast %parallel_loop3A_586 : vector<1x1x16xf32> to vector<16xf32>
        %parallel_loop3A_588 = arith.addf %parallel_loop3A_582, %parallel_loop3A_587 : vector<16xf32>
        %parallel_loop3A_589 = arith.constant 0.000000e+00 : f32
        %parallel_loop3A_590 = vector.broadcast %parallel_loop3A_589 : f32 to vector<16xf32>
        %parallel_loop3A_591 = arith.maximumf %parallel_loop3A_588, %parallel_loop3A_590 : vector<16xf32>
        %parallel_loop3A_592 = arith.index_cast %rem3A_458 : i32 to index
        %parallel_loop3A_593 = arith.index_cast %parallel_loop3A_477 : i32 to index
        %parallel_loop3A_594 = arith.constant 80 : index
        %parallel_loop3A_595 = tpu.vector_load %arg11[%parallel_loop3A_592, %parallel_loop3A_593, %parallel_loop3A_594] {strides = array<i32>} : memref<2x40x128xf32, #tpu.memory_space<vmem>>, vector<1x1x16xf32>,
        %parallel_loop3A_596 = vector.shape_cast %parallel_loop3A_595 : vector<1x1x16xf32> to vector<16xf32>
        %parallel_loop3A_597 = vector.shape_cast %parallel_loop3A_591 : vector<16xf32> to vector<1x1x16xf32>
        tpu.vector_store %arg11[%parallel_loop3A_592, %parallel_loop3A_593, %parallel_loop3A_594], %parallel_loop3A_597 {strides = array<i32>} : memref<2x40x128xf32, #tpu.memory_space<vmem>>, vector<1x1x16xf32>,
        %parallel_loop3A_598 = arith.index_cast %rem3A_454 : i32 to index
        %parallel_loop3A_599 = arith.index_cast %parallel_loop3A_477 : i32 to index
        %parallel_loop3A_600 = arith.constant 96 : index
        %parallel_loop3A_601 = tpu.vector_load %arg9[%parallel_loop3A_598, %parallel_loop3A_599, %parallel_loop3A_600] {strides = array<i32>} : memref<4x40x128xf32, #tpu.memory_space<vmem>>, vector<1x1x16xf32>,
        %parallel_loop3A_602 = vector.shape_cast %parallel_loop3A_601 : vector<1x1x16xf32> to vector<16xf32>
        %parallel_loop3A_603 = arith.index_cast %rem3A_456 : i32 to index
        %parallel_loop3A_604 = arith.index_cast %parallel_loop3A_477 : i32 to index
        %parallel_loop3A_605 = arith.constant 96 : index
        %parallel_loop3A_606 = tpu.vector_load %arg10[%parallel_loop3A_603, %parallel_loop3A_604, %parallel_loop3A_605] {strides = array<i32>} : memref<3x40x128xf32, #tpu.memory_space<vmem>>, vector<1x1x16xf32>,
        %parallel_loop3A_607 = vector.shape_cast %parallel_loop3A_606 : vector<1x1x16xf32> to vector<16xf32>
        %parallel_loop3A_608 = arith.addf %parallel_loop3A_602, %parallel_loop3A_607 : vector<16xf32>
        %parallel_loop3A_609 = arith.constant 0.000000e+00 : f32
        %parallel_loop3A_610 = vector.broadcast %parallel_loop3A_609 : f32 to vector<16xf32>
        %parallel_loop3A_611 = arith.maximumf %parallel_loop3A_608, %parallel_loop3A_610 : vector<16xf32>
        %parallel_loop3A_612 = arith.index_cast %rem3A_458 : i32 to index
        %parallel_loop3A_613 = arith.index_cast %parallel_loop3A_477 : i32 to index
        %parallel_loop3A_614 = arith.constant 96 : index
        %parallel_loop3A_615 = tpu.vector_load %arg11[%parallel_loop3A_612, %parallel_loop3A_613, %parallel_loop3A_614] {strides = array<i32>} : memref<2x40x128xf32, #tpu.memory_space<vmem>>, vector<1x1x16xf32>,
        %parallel_loop3A_616 = vector.shape_cast %parallel_loop3A_615 : vector<1x1x16xf32> to vector<16xf32>
        %parallel_loop3A_617 = vector.shape_cast %parallel_loop3A_611 : vector<16xf32> to vector<1x1x16xf32>
        tpu.vector_store %arg11[%parallel_loop3A_612, %parallel_loop3A_613, %parallel_loop3A_614], %parallel_loop3A_617 {strides = array<i32>} : memref<2x40x128xf32, #tpu.memory_space<vmem>>, vector<1x1x16xf32>,
        %parallel_loop3A_618 = arith.index_cast %rem3A_454 : i32 to index
        %parallel_loop3A_619 = arith.index_cast %parallel_loop3A_477 : i32 to index
        %parallel_loop3A_620 = arith.constant 112 : index
        %parallel_loop3A_621 = tpu.vector_load %arg9[%parallel_loop3A_618, %parallel_loop3A_619, %parallel_loop3A_620] {strides = array<i32>} : memref<4x40x128xf32, #tpu.memory_space<vmem>>, vector<1x1x16xf32>,
        %parallel_loop3A_622 = vector.shape_cast %parallel_loop3A_621 : vector<1x1x16xf32> to vector<16xf32>
        %parallel_loop3A_623 = arith.index_cast %rem3A_456 : i32 to index
        %parallel_loop3A_624 = arith.index_cast %parallel_loop3A_477 : i32 to index
        %parallel_loop3A_625 = arith.constant 112 : index
        %parallel_loop3A_626 = tpu.vector_load %arg10[%parallel_loop3A_623, %parallel_loop3A_624, %parallel_loop3A_625] {strides = array<i32>} : memref<3x40x128xf32, #tpu.memory_space<vmem>>, vector<1x1x16xf32>,
        %parallel_loop3A_627 = vector.shape_cast %parallel_loop3A_626 : vector<1x1x16xf32> to vector<16xf32>
        %parallel_loop3A_628 = arith.addf %parallel_loop3A_622, %parallel_loop3A_627 : vector<16xf32>
        %parallel_loop3A_629 = arith.constant 0.000000e+00 : f32
        %parallel_loop3A_630 = vector.broadcast %parallel_loop3A_629 : f32 to vector<16xf32>
        %parallel_loop3A_631 = arith.maximumf %parallel_loop3A_628, %parallel_loop3A_630 : vector<16xf32>
        %parallel_loop3A_632 = arith.index_cast %rem3A_458 : i32 to index
        %parallel_loop3A_633 = arith.index_cast %parallel_loop3A_477 : i32 to index
        %parallel_loop3A_634 = arith.constant 112 : index
        %parallel_loop3A_635 = tpu.vector_load %arg11[%parallel_loop3A_632, %parallel_loop3A_633, %parallel_loop3A_634] {strides = array<i32>} : memref<2x40x128xf32, #tpu.memory_space<vmem>>, vector<1x1x16xf32>,
        %parallel_loop3A_636 = vector.shape_cast %parallel_loop3A_635 : vector<1x1x16xf32> to vector<16xf32>
        %parallel_loop3A_637 = vector.shape_cast %parallel_loop3A_631 : vector<16xf32> to vector<1x1x16xf32>
        tpu.vector_store %arg11[%parallel_loop3A_632, %parallel_loop3A_633, %parallel_loop3A_634], %parallel_loop3A_637 {strides = array<i32>} : memref<2x40x128xf32, #tpu.memory_space<vmem>>, vector<1x1x16xf32>,
      } {sc.loop_unroll_factor = 2 : i64, sc.parallel_access}
      %rem3A_461 = arith.constant 2 : i32
      %rem3A_462 = arith.remsi %scan3A_397, %rem3A_461 : i32
      %rem3A_463 = arith.constant 8 : i32
      %rem3A_464 = arith.remsi %scan3A_397, %rem3A_463 : i32
      %dma_start3A_465 = arith.constant 0 : i32
      %dma_start3A_466 = arith.constant 0 : i32
      %dma_start3A_467 = tpu.memref_slice %arg11[%rem3A_462, %dma_start3A_465, %dma_start3A_466] : memref<2x40x128xf32, #tpu.memory_space<vmem>> -> memref<1x40x128xf32, #tpu.memory_space<vmem>>
      %dma_start3A_468 = tpu.memref_squeeze %dma_start3A_467 : memref<1x40x128xf32, #tpu.memory_space<vmem>> -> memref<40x128xf32, #tpu.memory_space<vmem>>
      %dma_start3A_469 = arith.constant 0 : i32
      %dma_start3A_470 = tpu.memref_slice %arg8[%rem3A_464, %dma_start3A_469] : memref<8x40xi32, #tpu.memory_space<vmem>> -> memref<1x40xi32, #tpu.memory_space<vmem>>
      %dma_start3A_471 = tpu.memref_squeeze %dma_start3A_470 : memref<1x40xi32, #tpu.memory_space<vmem>> -> memref<40xi32, #tpu.memory_space<vmem>>
      %dma_start3A_472 = arith.constant 0 : i32
      %dma_start3A_473 = arith.constant 0 : i32
      %dma_start3A_474 = tpu.memref_slice %arg12[%dma_start3A_472, %dma_start3A_473] : memref<10000x128xf32, #tpu.memory_space<vmem_shared>> -> memref<10000x128xf32, #tpu.memory_space<vmem_shared>>
      %dma_start3A_475 = tpu.memref_slice %arg16[%rem3A_462] : memref<2x!tpu.dma_semaphore, #tpu.memory_space<semaphore_mem>> -> memref<1x!tpu.dma_semaphore, #tpu.memory_space<semaphore_mem>>
      %dma_start3A_476 = tpu.memref_squeeze %dma_start3A_475 : memref<1x!tpu.dma_semaphore, #tpu.memory_space<semaphore_mem>> -> memref<!tpu.dma_semaphore, #tpu.memory_space<semaphore_mem>>
      tpu.enqueue_indirect_dma source(%dma_start3A_468 : memref<40x128xf32, #tpu.memory_space<vmem>>) target(%dma_start3A_474 : memref<10000x128xf32, #tpu.memory_space<vmem_shared>>) offsets(%dma_start3A_471 : memref<40xi32, #tpu.memory_space<vmem>>) semaphore(%dma_start3A_476 : memref<!tpu.dma_semaphore, #tpu.memory_space<semaphore_mem>>) {add = true}
    }
    %scan3A_358 = arith.constant 250 : i32
    %rem3A_359 = arith.constant 248 : i32
    %rem3A_360 = arith.constant 2 : i32
    %rem3A_361 = arith.remsi %rem3A_359, %rem3A_360 : i32
    %dma_wait3A_362 = arith.constant 0 : i32
    %dma_wait3A_363 = arith.constant 0 : i32
    %dma_wait3A_364 = arith.constant 0 : i32
    %dma_wait3A_365 = tpu.memref_slice %arg11[%rem3A_361, %dma_wait3A_363, %dma_wait3A_364] : memref<2x40x128xf32, #tpu.memory_space<vmem>> -> memref<1x40x128xf32, #tpu.memory_space<vmem>>
    %dma_wait3A_366 = tpu.memref_squeeze %dma_wait3A_365 : memref<1x40x128xf32, #tpu.memory_space<vmem>> -> memref<40x128xf32, #tpu.memory_space<vmem>>
    %dma_wait3A_367 = arith.constant 0 : i32
    %dma_wait3A_368 = tpu.memref_slice %arg8[%dma_wait3A_362, %dma_wait3A_367] : memref<8x40xi32, #tpu.memory_space<vmem>> -> memref<1x40xi32, #tpu.memory_space<vmem>>
    %dma_wait3A_369 = tpu.memref_squeeze %dma_wait3A_368 : memref<1x40xi32, #tpu.memory_space<vmem>> -> memref<40xi32, #tpu.memory_space<vmem>>
    %dma_wait3A_370 = arith.constant 0 : i32
    %dma_wait3A_371 = arith.constant 0 : i32
    %dma_wait3A_372 = tpu.memref_slice %arg12[%dma_wait3A_370, %dma_wait3A_371] : memref<10000x128xf32, #tpu.memory_space<vmem_shared>> -> memref<10000x128xf32, #tpu.memory_space<vmem_shared>>
    %dma_wait3A_373 = tpu.memref_slice %arg16[%rem3A_361] : memref<2x!tpu.dma_semaphore, #tpu.memory_space<semaphore_mem>> -> memref<1x!tpu.dma_semaphore, #tpu.memory_space<semaphore_mem>>
    %dma_wait3A_374 = tpu.memref_squeeze %dma_wait3A_373 : memref<1x!tpu.dma_semaphore, #tpu.memory_space<semaphore_mem>> -> memref<!tpu.dma_semaphore, #tpu.memory_space<semaphore_mem>>
    tpu.wait_indirect_dma semaphore(%dma_wait3A_374 : memref<!tpu.dma_semaphore, #tpu.memory_space<semaphore_mem>>) src(%dma_wait3A_366 : memref<40x128xf32, #tpu.memory_space<vmem>>) dst(%dma_wait3A_372 : memref<10000x128xf32, #tpu.memory_space<vmem_shared>>)
    %rem3A_375 = arith.constant 249 : i32
    %rem3A_376 = arith.constant 2 : i32
    %rem3A_377 = arith.remsi %rem3A_375, %rem3A_376 : i32
    %dma_wait3A_378 = arith.constant 0 : i32
    %dma_wait3A_379 = arith.constant 0 : i32
    %dma_wait3A_380 = arith.constant 0 : i32
    %dma_wait3A_381 = tpu.memref_slice %arg11[%rem3A_377, %dma_wait3A_379, %dma_wait3A_380] : memref<2x40x128xf32, #tpu.memory_space<vmem>> -> memref<1x40x128xf32, #tpu.memory_space<vmem>>
    %dma_wait3A_382 = tpu.memref_squeeze %dma_wait3A_381 : memref<1x40x128xf32, #tpu.memory_space<vmem>> -> memref<40x128xf32, #tpu.memory_space<vmem>>
    %dma_wait3A_383 = arith.constant 0 : i32
    %dma_wait3A_384 = tpu.memref_slice %arg8[%dma_wait3A_378, %dma_wait3A_383] : memref<8x40xi32, #tpu.memory_space<vmem>> -> memref<1x40xi32, #tpu.memory_space<vmem>>
    %dma_wait3A_385 = tpu.memref_squeeze %dma_wait3A_384 : memref<1x40xi32, #tpu.memory_space<vmem>> -> memref<40xi32, #tpu.memory_space<vmem>>
    %dma_wait3A_386 = arith.constant 0 : i32
    %dma_wait3A_387 = arith.constant 0 : i32
    %dma_wait3A_388 = tpu.memref_slice %arg12[%dma_wait3A_386, %dma_wait3A_387] : memref<10000x128xf32, #tpu.memory_space<vmem_shared>> -> memref<10000x128xf32, #tpu.memory_space<vmem_shared>>
    %dma_wait3A_389 = tpu.memref_slice %arg16[%rem3A_377] : memref<2x!tpu.dma_semaphore, #tpu.memory_space<semaphore_mem>> -> memref<1x!tpu.dma_semaphore, #tpu.memory_space<semaphore_mem>>
    %dma_wait3A_390 = tpu.memref_squeeze %dma_wait3A_389 : memref<1x!tpu.dma_semaphore, #tpu.memory_space<semaphore_mem>> -> memref<!tpu.dma_semaphore, #tpu.memory_space<semaphore_mem>>
    tpu.wait_indirect_dma semaphore(%dma_wait3A_390 : memref<!tpu.dma_semaphore, #tpu.memory_space<semaphore_mem>>) src(%dma_wait3A_382 : memref<40x128xf32, #tpu.memory_space<vmem>>) dst(%dma_wait3A_388 : memref<10000x128xf32, #tpu.memory_space<vmem_shared>>)
    %barrier3A_391 = arith.constant 0 : index
    tpu.barrier barrier_id(%barrier3A_391)
    "tpu.region"() ({
      %run_scoped3A_397 = tpu.sem_alloc : memref<!tpu.dma_semaphore, #tpu.memory_space<semaphore_mem>>
      %dma_start3A_398 = arith.constant 0 : i32
      %dma_start3A_399 = tpu.memref_slice %arg6[%arg0, %mul3A_4, %dma_start3A_398] : memref<2x10000x128xf32, #tpu.memory_space<hbm>> -> memref<1x624x128xf32, #tpu.memory_space<hbm>>
      %dma_start3A_400 = tpu.memref_squeeze %dma_start3A_399 : memref<1x624x128xf32, #tpu.memory_space<hbm>> -> memref<624x128xf32, #tpu.memory_space<hbm>>
      %dma_start3A_401 = arith.constant 0 : i32
      %dma_start3A_402 = tpu.memref_slice %arg12[%mul3A_4, %dma_start3A_401] : memref<10000x128xf32, #tpu.memory_space<vmem_shared>> -> memref<624x128xf32, #tpu.memory_space<vmem_shared>>
      tpu.enqueue_dma source(%dma_start3A_402 : memref<624x128xf32, #tpu.memory_space<vmem_shared>>) target(%dma_start3A_400 : memref<624x128xf32, #tpu.memory_space<hbm>>) target_semaphore(%run_scoped3A_397 : memref<!tpu.dma_semaphore, #tpu.memory_space<semaphore_mem>>)
      %dma_wait3A_403 = arith.constant 0 : i32
      %dma_wait3A_404 = tpu.memref_slice %arg6[%arg0, %mul3A_4, %dma_wait3A_403] : memref<2x10000x128xf32, #tpu.memory_space<hbm>> -> memref<1x624x128xf32, #tpu.memory_space<hbm>>
      %dma_wait3A_405 = tpu.memref_squeeze %dma_wait3A_404 : memref<1x624x128xf32, #tpu.memory_space<hbm>> -> memref<624x128xf32, #tpu.memory_space<hbm>>
      %dma_wait3A_406 = arith.constant 0 : i32
      %dma_wait3A_407 = tpu.memref_slice %arg12[%mul3A_4, %dma_wait3A_406] : memref<10000x128xf32, #tpu.memory_space<vmem_shared>> -> memref<624x128xf32, #tpu.memory_space<vmem_shared>>
      tpu.wait_dma2 semaphore(%run_scoped3A_397 : memref<!tpu.dma_semaphore, #tpu.memory_space<semaphore_mem>>) src(%dma_wait3A_407 : memref<624x128xf32, #tpu.memory_space<vmem_shared>>) dst(%dma_wait3A_405 : memref<624x128xf32, #tpu.memory_space<hbm>>)
      tpu.yield
    }) : () -> ()
    %eq3A_392 = arith.constant 15 : i32
    %eq3A_393 = arith.cmpi eq, %arg1, %eq3A_392 : i32
    %convert_element_type3A_394 = arith.extui %eq3A_393 : i1 to i32
    %cond3A_395 = arith.constant 0 : i32
    %cond3A_396 = arith.cmpi ne, %convert_element_type3A_394, %cond3A_395 : i32
    scf.if %cond3A_396 {
      "tpu.region"() ({
        %run_scoped3A_397 = tpu.sem_alloc : memref<!tpu.dma_semaphore, #tpu.memory_space<semaphore_mem>>
        %dma_start3A_398 = arith.constant 9984 : i32
        %dma_start3A_399 = arith.constant 0 : i32
        %dma_start3A_400 = tpu.memref_slice %arg6[%arg0, %dma_start3A_398, %dma_start3A_399] : memref<2x10000x128xf32, #tpu.memory_space<hbm>> -> memref<1x16x128xf32, #tpu.memory_space<hbm>>
        %dma_start3A_401 = tpu.memref_squeeze %dma_start3A_400 : memref<1x16x128xf32, #tpu.memory_space<hbm>> -> memref<16x128xf32, #tpu.memory_space<hbm>>
        %dma_start3A_402 = arith.constant 9984 : i32
        %dma_start3A_403 = arith.constant 0 : i32
        %dma_start3A_404 = tpu.memref_slice %arg12[%dma_start3A_402, %dma_start3A_403] : memref<10000x128xf32, #tpu.memory_space<vmem_shared>> -> memref<16x128xf32, #tpu.memory_space<vmem_shared>>
        tpu.enqueue_dma source(%dma_start3A_404 : memref<16x128xf32, #tpu.memory_space<vmem_shared>>) target(%dma_start3A_401 : memref<16x128xf32, #tpu.memory_space<hbm>>) target_semaphore(%run_scoped3A_397 : memref<!tpu.dma_semaphore, #tpu.memory_space<semaphore_mem>>)
        %dma_wait3A_405 = arith.constant 9984 : i32
        %dma_wait3A_406 = arith.constant 0 : i32
        %dma_wait3A_407 = tpu.memref_slice %arg6[%arg0, %dma_wait3A_405, %dma_wait3A_406] : memref<2x10000x128xf32, #tpu.memory_space<hbm>> -> memref<1x16x128xf32, #tpu.memory_space<hbm>>
        %dma_wait3A_408 = tpu.memref_squeeze %dma_wait3A_407 : memref<1x16x128xf32, #tpu.memory_space<hbm>> -> memref<16x128xf32, #tpu.memory_space<hbm>>
        %dma_wait3A_409 = arith.constant 9984 : i32
        %dma_wait3A_410 = arith.constant 0 : i32
        %dma_wait3A_411 = tpu.memref_slice %arg12[%dma_wait3A_409, %dma_wait3A_410] : memref<10000x128xf32, #tpu.memory_space<vmem_shared>> -> memref<16x128xf32, #tpu.memory_space<vmem_shared>>
        tpu.wait_dma2 semaphore(%run_scoped3A_397 : memref<!tpu.dma_semaphore, #tpu.memory_space<semaphore_mem>>) src(%dma_wait3A_411 : memref<16x128xf32, #tpu.memory_space<vmem_shared>>) dst(%dma_wait3A_408 : memref<16x128xf32, #tpu.memory_space<hbm>>)
        tpu.yield
      }) : () -> ()
    } else {
    }
    return
  }
}

module attributes {stable_mosaic.version = 14 : i64} {
  func.func @_tc_body(%arg0: i32, %arg1: memref<1000x128xf32, #tpu.memory_space<vmem>>, %arg2: memref<1000x128xf32, #tpu.memory_space<vmem>>, %arg3: memref<1000x128xf32, #tpu.memory_space<vmem>>, %arg4: memref<128x128xf32, #tpu.memory_space<vmem>>, %arg5: memref<1x128xf32, #tpu.memory_space<vmem>>, %arg6: memref<128x128xf32, #tpu.memory_space<vmem>>, %arg7: memref<1x128xf32, #tpu.memory_space<vmem>>, %arg8: memref<1x128xf32, #tpu.memory_space<vmem>>, %arg9: memref<1x128xf32, #tpu.memory_space<vmem>>, %arg10: memref<1000x128xf32, #tpu.memory_space<vmem>>) attributes {dimension_semantics = [#tpu.dimension_semantics<arbitrary>], iteration_bounds = array<i64: 10>, scalar_prefetch = 0 : i64, scratch_operands = 0 : i64, tpu.core_type = #tpu.core_type<tc>, window_params = [{transform_indices = @transform_0, window_bounds = array<i64: 1000, 128>}, {transform_indices = @transform_1, window_bounds = array<i64: 1000, 128>}, {transform_indices = @transform_2, window_bounds = array<i64: 1000, 128>}, {pipeline_mode = #tpu.pipeline_mode<synchronous>, transform_indices = @transform_3, window_bounds = array<i64: 128, 128>}, {pipeline_mode = #tpu.pipeline_mode<synchronous>, transform_indices = @transform_4, window_bounds = array<i64: 1, 128>}, {pipeline_mode = #tpu.pipeline_mode<synchronous>, transform_indices = @transform_5, window_bounds = array<i64: 128, 128>}, {pipeline_mode = #tpu.pipeline_mode<synchronous>, transform_indices = @transform_6, window_bounds = array<i64: 1, 128>}, {pipeline_mode = #tpu.pipeline_mode<synchronous>, transform_indices = @transform_7, window_bounds = array<i64: 1, 128>}, {pipeline_mode = #tpu.pipeline_mode<synchronous>, transform_indices = @transform_8, window_bounds = array<i64: 1, 128>}, {transform_indices = @transform_9, window_bounds = array<i64: 1000, 128>}]} {
    %get3A = arith.constant 0 : index
    %get3A_0 = arith.constant 0 : index
    %get3A_1 = vector.load %arg1[%get3A, %get3A_0] : memref<1000x128xf32, #tpu.memory_space<vmem>>, vector<1000x128xf32>
    %get3A_2 = arith.constant 0 : index
    %get3A_3 = arith.constant 0 : index
    %get3A_4 = vector.load %arg2[%get3A_2, %get3A_3] : memref<1000x128xf32, #tpu.memory_space<vmem>>, vector<1000x128xf32>
    %add3A = arith.addf %get3A_1, %get3A_4 : vector<1000x128xf32>
    %get3A_5 = arith.constant 0 : index
    %get3A_6 = arith.constant 0 : index
    %get3A_7 = vector.load %arg3[%get3A_5, %get3A_6] : memref<1000x128xf32, #tpu.memory_space<vmem>>, vector<1000x128xf32>
    %add3A_8 = arith.addf %add3A, %get3A_7 : vector<1000x128xf32>
    %get3A_9 = arith.constant 0 : index
    %get3A_10 = arith.constant 0 : index
    %get3A_11 = vector.load %arg4[%get3A_9, %get3A_10] : memref<128x128xf32, #tpu.memory_space<vmem>>, vector<128x128xf32>
    %dot_general3A = arith.constant dense<0.000000e+00> : vector<1000x128xf32>
    %dot_general3A_12 = tpu.matmul %add3A_8, %get3A_11, %dot_general3A {dimension_numbers = #tpu.dot_dimension_numbers<[1], [0], [0], [1], [0, 0, 1, 1], [], []>, transpose_lhs_hint = false} : vector<1000x128xf32>, vector<128x128xf32>, vector<1000x128xf32> -> vector<1000x128xf32>
    %get3A_13 = arith.constant 0 : index
    %get3A_14 = arith.constant 0 : index
    %get3A_15 = vector.load %arg5[%get3A_13, %get3A_14] : memref<1x128xf32, #tpu.memory_space<vmem>>, vector<1x128xf32>
    %add3A_16 = vector.broadcast %get3A_15 : vector<1x128xf32> to vector<1000x128xf32>
    %add3A_17 = arith.addf %dot_general3A_12, %add3A_16 : vector<1000x128xf32>
    %max3A = arith.constant 0.000000e+00 : f32
    %max3A_18 = vector.broadcast %max3A : f32 to vector<1000x128xf32>
    %max3A_19 = arith.maximumf %add3A_17, %max3A_18 : vector<1000x128xf32>
    %get3A_20 = arith.constant 0 : index
    %get3A_21 = arith.constant 0 : index
    %get3A_22 = vector.load %arg6[%get3A_20, %get3A_21] : memref<128x128xf32, #tpu.memory_space<vmem>>, vector<128x128xf32>
    %dot_general3A_23 = arith.constant dense<0.000000e+00> : vector<1000x128xf32>
    %dot_general3A_24 = tpu.matmul %max3A_19, %get3A_22, %dot_general3A_23 {dimension_numbers = #tpu.dot_dimension_numbers<[1], [0], [0], [1], [0, 0, 1, 1], [], []>, transpose_lhs_hint = false} : vector<1000x128xf32>, vector<128x128xf32>, vector<1000x128xf32> -> vector<1000x128xf32>
    %get3A_25 = arith.constant 0 : index
    %get3A_26 = arith.constant 0 : index
    %get3A_27 = vector.load %arg7[%get3A_25, %get3A_26] : memref<1x128xf32, #tpu.memory_space<vmem>>, vector<1x128xf32>
    %add3A_28 = vector.broadcast %get3A_27 : vector<1x128xf32> to vector<1000x128xf32>
    %add3A_29 = arith.addf %dot_general3A_24, %add3A_28 : vector<1000x128xf32>
    %max3A_30 = arith.constant 0.000000e+00 : f32
    %max3A_31 = vector.broadcast %max3A_30 : f32 to vector<1000x128xf32>
    %max3A_32 = arith.maximumf %add3A_29, %max3A_31 : vector<1000x128xf32>
    %add3A_33 = arith.addf %get3A_1, %max3A_32 : vector<1000x128xf32>
    %reduce_sum3A = arith.constant dense<0.000000e+00> : vector<1000xf32>
    %reduce_sum3A_34 = vector.multi_reduction <add>, %add3A_33, %reduce_sum3A [1] : vector<1000x128xf32> to vector<1000xf32>
    %broadcast_in_dim3A = vector.shape_cast %reduce_sum3A_34 : vector<1000xf32> to vector<1000x1xf32>
    %div3A = arith.constant 1.280000e+02 : f32
    %div3A_35 = vector.broadcast %div3A : f32 to vector<1000x1xf32>
    %div3A_36 = arith.divf %broadcast_in_dim3A, %div3A_35 : vector<1000x1xf32>
    %sub3A = vector.broadcast %div3A_36 : vector<1000x1xf32> to vector<1000x128xf32>
    %sub3A_37 = arith.subf %add3A_33, %sub3A : vector<1000x128xf32>
    %mul3A = arith.mulf %sub3A_37, %sub3A_37 : vector<1000x128xf32>
    %reduce_sum3A_38 = arith.constant dense<0.000000e+00> : vector<1000xf32>
    %reduce_sum3A_39 = vector.multi_reduction <add>, %mul3A, %reduce_sum3A_38 [1] : vector<1000x128xf32> to vector<1000xf32>
    %broadcast_in_dim3A_40 = vector.shape_cast %reduce_sum3A_39 : vector<1000xf32> to vector<1000x1xf32>
    %div3A_41 = arith.constant 1.280000e+02 : f32
    %div3A_42 = vector.broadcast %div3A_41 : f32 to vector<1000x1xf32>
    %div3A_43 = arith.divf %broadcast_in_dim3A_40, %div3A_42 : vector<1000x1xf32>
    %add3A_44 = arith.constant 9.99999974E-6 : f32
    %add3A_45 = vector.broadcast %add3A_44 : f32 to vector<1000x1xf32>
    %add3A_46 = arith.addf %div3A_43, %add3A_45 : vector<1000x1xf32>
    %rsqrt3A = math.rsqrt %add3A_46 : vector<1000x1xf32>
    %mul3A_47 = vector.broadcast %rsqrt3A : vector<1000x1xf32> to vector<1000x128xf32>
    %mul3A_48 = arith.mulf %sub3A_37, %mul3A_47 : vector<1000x128xf32>
    %get3A_49 = arith.constant 0 : index
    %get3A_50 = arith.constant 0 : index
    %get3A_51 = vector.load %arg8[%get3A_49, %get3A_50] : memref<1x128xf32, #tpu.memory_space<vmem>>, vector<1x128xf32>
    %mul3A_52 = vector.broadcast %get3A_51 : vector<1x128xf32> to vector<1000x128xf32>
    %mul3A_53 = arith.mulf %mul3A_48, %mul3A_52 : vector<1000x128xf32>
    %get3A_54 = arith.constant 0 : index
    %get3A_55 = arith.constant 0 : index
    %get3A_56 = vector.load %arg9[%get3A_54, %get3A_55] : memref<1x128xf32, #tpu.memory_space<vmem>>, vector<1x128xf32>
    %add3A_57 = vector.broadcast %get3A_56 : vector<1x128xf32> to vector<1000x128xf32>
    %add3A_58 = arith.addf %mul3A_53, %add3A_57 : vector<1000x128xf32>
    %swap3A = arith.constant 0 : index
    %swap3A_59 = arith.constant 0 : index
    %swap3A_60 = vector.load %arg10[%swap3A, %swap3A_59] : memref<1000x128xf32, #tpu.memory_space<vmem>>, vector<1000x128xf32>
    tpu.vector_store %arg10[%swap3A, %swap3A_59], %add3A_58 {strides = array<i32>} : memref<1000x128xf32, #tpu.memory_space<vmem>>, vector<1000x128xf32>,
    return
  }
  func.func @transform_0(%arg0: i32) -> (i32, i32) {
    %c0_i32 = arith.constant 0 : i32
    %c0_i32_0 = arith.constant 0 : i32
    return %arg0, %c0_i32 : i32, i32
  }
  func.func @transform_1(%arg0: i32) -> (i32, i32) {
    %c0_i32 = arith.constant 0 : i32
    %c0_i32_0 = arith.constant 0 : i32
    return %arg0, %c0_i32 : i32, i32
  }
  func.func @transform_2(%arg0: i32) -> (i32, i32) {
    %c0_i32 = arith.constant 0 : i32
    %c0_i32_0 = arith.constant 0 : i32
    return %arg0, %c0_i32 : i32, i32
  }
  func.func @transform_3(%arg0: i32) -> (i32, i32) {
    %c0_i32 = arith.constant 0 : i32
    %c0_i32_0 = arith.constant 0 : i32
    %c0_i32_1 = arith.constant 0 : i32
    return %c0_i32, %c0_i32_0 : i32, i32
  }
  func.func @transform_4(%arg0: i32) -> (i32, i32) {
    %c0_i32 = arith.constant 0 : i32
    %c0_i32_0 = arith.constant 0 : i32
    %c0_i32_1 = arith.constant 0 : i32
    return %c0_i32, %c0_i32_0 : i32, i32
  }
  func.func @transform_5(%arg0: i32) -> (i32, i32) {
    %c0_i32 = arith.constant 0 : i32
    %c0_i32_0 = arith.constant 0 : i32
    %c0_i32_1 = arith.constant 0 : i32
    return %c0_i32, %c0_i32_0 : i32, i32
  }
  func.func @transform_6(%arg0: i32) -> (i32, i32) {
    %c0_i32 = arith.constant 0 : i32
    %c0_i32_0 = arith.constant 0 : i32
    %c0_i32_1 = arith.constant 0 : i32
    return %c0_i32, %c0_i32_0 : i32, i32
  }
  func.func @transform_7(%arg0: i32) -> (i32, i32) {
    %c0_i32 = arith.constant 0 : i32
    %c0_i32_0 = arith.constant 0 : i32
    %c0_i32_1 = arith.constant 0 : i32
    return %c0_i32, %c0_i32_0 : i32, i32
  }
  func.func @transform_8(%arg0: i32) -> (i32, i32) {
    %c0_i32 = arith.constant 0 : i32
    %c0_i32_0 = arith.constant 0 : i32
    %c0_i32_1 = arith.constant 0 : i32
    return %c0_i32, %c0_i32_0 : i32, i32
  }
  func.func @transform_9(%arg0: i32) -> (i32, i32) {
    %c0_i32 = arith.constant 0 : i32
    %c0_i32_0 = arith.constant 0 : i32
    return %arg0, %c0_i32 : i32, i32
  }
}

</mosaic_0001>

<sc_bundles>
// kernel: kernel.4.cloned.1.call-start
scs
__scs_entry_jumppad:
0x0: {  	(pc) =	sbr.rel $0x88, $3  }
0x1: {  	(tag) =	ssettag $0x0;
	lr =	simm.s32 $0x1  }
0x2: {  	[smem:$0x3F98] =	sst lr;
	_ =	strace $0xD0000000  }
0x3: {  	_ = 	snop  }
0x4: {  	_ = 	snop  }
0x5: {  	_ = 	snop  }
0x6: {  	_ = 	snop  }
0x7: {  	_ = 	snop  }
__scs_overlays_trampoline_lowered:
0x8: {  	[smem:$0x3FA7] =	sst s0  }
0x9: {  	[smem:$0x3FA8] =	sst s1  }
0xa: {  	[smem:$0x3FA9] =	sst s2  }
0xb: {  	[smem:$0x3FAA] =	sst s3  }
0xc: {  	[smem:$0x3FAB] =	sst s4  }
0xd: {  	[smem:$0x3FAC] =	sst s5  }
0xe: {  	[smem:$0x3FAD] =	sst s6  }
0xf: {  	[smem:$0x3FAE] =	sst s7  }
0x10: {  	[smem:$0x3FAF] =	sst s8  }
0x11: {  	[smem:$0x3FB0] =	sst s9;
	s0 =	simm.s32 @!p0 $0x0  }
0x12: {  	s1 =	sld [smem:$0x3F96];
	s0 =	simm.s32 @p0 $0x1  }
0x13: {  	[smem:$0x3FB1] =	sst s0;
	s0 =	simm.s32 @!p1 $0x0  }
0x14: {  	s2 =	sld [smem:$0x3F95];
	s0 =	simm.s32 @p1 $0x1  }
0x15: {  	[smem:$0x3FB2] =	sst s0;
	s0 =	simm.s32 @!p2 $0x0  }
0x16: {  	s3 =	sld [smem:$0x3FDB];
	s0 =	simm.s32 @p2 $0x1  }
0x17: {  	s4 =	simm.s32 $0x1BF5;
	[smem:$0x3FB4] =	sst s0  }
0x18: {  	s0 =	sld [smem:$0x3F97];
	_ =	swait.ge [sflag:s4], $0x0  }
0x19: {  	s7 =	sld [smem:$0x3F98]  }
0x1a: {  	s8 =	sadd.s32 $0xFFFFE003, lr  }
0x1b: {  	s9 =	sadd.s32 $0xFFFFFEF7, lr;
	s5 =	simm.s32 $0xFFFFFFFF;
	p2 =	slt.u32 s8, $0xFFFFF086  }
0x1c: {  	p1 =	slt.u32 s9, $0xF7A;
	s5 =	simm.s32 @!p2 $0x0  }
0x1d: {  	s5 =	simm.s32 @p1 $0x1;
	p0 =	seq.s32 s7, s2  }
0x1e: {  	s7 =	smul.u32 @!p0 $0xF7A, s2;
	p2 =	seq.s32 @!p0 s5, $0x0  }
0x1f: {  	s9 =	smul.u32 $0xF7A, s1;
	s8 =	simm.s32 @!p0 $0x1BF5;
	p2 =	por !p2, p0  }
0x20: {  	[sflag:s8] =	ssyncset.s32 @!p0 $0xFFFFF086;
	s6 =	sadd.s32 @!p0 s3, s7;
	s7 =	simm.s32 @!p0 $0x108  }
0x21: {  	s3 =	sadd.s32 s3, s9;
	s6 =	sadd.s32 @!p0 $0x88, s6;
	s7 =	simm.s32 @p2 $0x1082  }
0x22: {  	[simem:s7], [sflag:s8] =	dma.local @!p0 [hbm:s6], $0xF7A  }
0x23: {  	s9 =	sor.u32 $0xD0000000, s2;
	s6 =	simm.s32 $0x108;
	_ =	swait.ge @!p0 [sflag:s8], $0x0  }
0x24: {  	s3 =	sadd.s32 $0x88, s3;
	s6 =	simm.s32 @!p1 $0x1082;
	[sflag:s4] =	ssyncset.s32 $0xFFFFF086  }
0x25: {  	[simem:s6], [sflag:s4] =	dma.local [hbm:s3], $0xF7A  }
0x26: {  	[smem:$0x3F98] =	sst s1;
	(tag) =	ssettag s2;
	_ =	strace s9  }
0x27: {  	s1 =	sld [smem:$0x3FA8]  }
0x28: {  	s2 =	sld [smem:$0x3FA9]  }
0x29: {  	s4 =	sld [smem:$0x3FAB]  }
0x2a: {  	p0 =	seq.s32 s5, $0x0;
	s5 =	sld [smem:$0x3FAC]  }
0x2b: {  	s6 =	sld [smem:$0x3FAD]  }
0x2c: {  	s7 =	sld [smem:$0x3FAE]  }
0x2d: {  	s3 =	simm.s32 $0x108;
	s8 =	sld [smem:$0x3FAF]  }
0x2e: {  	s3 =	simm.s32 @!p0 $0x1082;
	s9 =	sld [smem:$0x3FB0]  }
0x2f: {  	lr =	sadd.s32 s0, s3;
	s0 =	sld [smem:$0x3FA7]  }
0x30: {  	s3 =	sld [smem:$0x3FAA]  }
0x31: {  	[smem:$0x3FB3] =	sst s10  }
0x32: {  	s10 =	sld [smem:$0x3FB1];
	_ =	sdelay $0x3  }
0x33: {  	p0 =	seq.s32 s10, $0x1;
	s10 =	sld [smem:$0x3FB3];
	_ =	sdelay $0x3  }
0x34: {  	[smem:$0x3FB3] =	sst s10  }
0x35: {  	s10 =	sld [smem:$0x3FB2];
	_ =	sdelay $0x3  }
0x36: {  	p1 =	seq.s32 s10, $0x1;
	s10 =	sld [smem:$0x3FB3];
	_ =	sdelay $0x3  }
0x37: {  	[smem:$0x3FB3] =	sst s10  }
0x38: {  	s10 =	sld [smem:$0x3FB4]  }
0x39: {  	_ = 	snop;
	(pc) =	sbr.ind lr, $3  }
0x3a: {  	_ = 	snop  }
0x3b: {  	_ = 	snop  }
0x3c: {  	p2 =	seq.s32 s10, $0x1;
	s10 =	sld [smem:$0x3FB3]  }
0x3d: {  	_ =	shalt  }
0x3e: {  	_ =	shalt  }
0x3f: {  	_ =	shalt  }
0x40: {  	_ =	shalt  }
0x41: {  	_ =	shalt  }
0x42: {  	_ =	shalt  }
0x43: {  	_ =	shalt  }
0x44: {  	_ =	shalt  }
0x45: {  	_ =	shalt  }
0x46: {  	_ =	shalt  }
0x47: {  	_ =	shalt  }
0x48: {  	_ =	shalt  }
0x49: {  	_ =	shalt  }
0x4a: {  	_ =	shalt  }
0x4b: {  	_ =	shalt  }
0x4c: {  	_ =	shalt  }
0x4d: {  	_ =	shalt  }
0x4e: {  	_ =	shalt  }
0x4f: {  	_ =	shalt  }
0x50: {  	_ =	shalt  }
0x51: {  	_ =	shalt  }
0x52: {  	_ =	shalt  }
0x53: {  	_ =	shalt  }
0x54: {  	_ =	shalt  }
0x55: {  	_ =	shalt  }
0x56: {  	_ =	shalt  }
0x57: {  	_ =	shalt  }
0x58: {  	_ =	shalt  }
0x59: {  	_ =	shalt  }
0x5a: {  	_ =	shalt  }
0x5b: {  	_ =	shalt  }
0x5c: {  	_ =	shalt  }
0x5d: {  	_ =	shalt  }
0x5e: {  	_ =	shalt  }
0x5f: {  	_ =	shalt  }
0x60: {  	_ =	shalt  }
0x61: {  	_ =	shalt  }
0x62: {  	_ =	shalt  }
0x63: {  	_ =	shalt  }
0x64: {  	_ =	shalt  }
0x65: {  	_ =	shalt  }
0x66: {  	_ =	shalt  }
0x67: {  	_ =	shalt  }
0x68: {  	_ =	shalt  }
0x69: {  	_ =	shalt  }
0x6a: {  	_ =	shalt  }
0x6b: {  	_ =	shalt  }
0x6c: {  	_ =	shalt  }
0x6d: {  	_ =	shalt  }
0x6e: {  	_ =	shalt  }
0x6f: {  	_ =	shalt  }
0x70: {  	_ =	shalt  }
0x71: {  	_ =	shalt  }
0x72: {  	_ =	shalt  }
0x73: {  	_ =	shalt  }
0x74: {  	_ =	shalt  }
0x75: {  	_ =	shalt  }
0x76: {  	_ =	shalt  }
0x77: {  	_ =	shalt  }
0x78: {  	_ =	shalt  }
0x79: {  	_ =	shalt  }
0x7a: {  	_ =	shalt  }
0x7b: {  	_ =	shalt  }
0x7c: {  	_ =	shalt  }
0x7d: {  	_ =	shalt  }
0x7e: {  	_ =	shalt  }
0x7f: {  	_ =	shalt  }
0x80: {  	_ =	shalt  }
0x81: {  	_ =	shalt  }
0x82: {  	_ =	shalt  }
0x83: {  	_ =	shalt  }
0x84: {  	_ =	shalt  }
0x85: {  	_ =	shalt  }
0x86: {  	_ =	shalt  }
0x87: {  	_ =	shalt  }
.Lfunc_end0:
.L_simem_size_0:
called_computation_lowered:
.L_overlay_start_0:
0x88: {  	s2 =	sld [smem:$0x3FD9]  }
0x89: {  	s3 =	sld [smem:$0x3FFE];
	_ =	sdelay $0x1  }
0x8a: {  	s1 =	srdreg.scid  }
0x8b: {  	s0 =	sand.u32 $0x1, s1  }
0x8c: {  	s17 =	sshll.u32 s0, $0xA;
	s2 =	sadd.s32 s3, s2  }
0x8d: {  	s2 =	sadd.s32 s2, s17  }
0x8e: {  	[smem:$0x3FBF] =	sst s2  }
0x8f: {  	_ = 	snop  }
0x90: {  	s2 =	sld [smem:$0x3FC9]  }
0x91: {  	s18 =	sld [smem:$0x3FC7]  }
0x92: {  	s4 =	sld [smem:$0x3FD0];
	(tm) =	ssettm $0x1  }
0x93: {  	s5 =	sld [smem:$0x3FFB];
	_ =	sdelay $0x3  }
0x94: {  	_ =	strace s5  }
0x95: {  	s5 =	sld [smem:$0x3FFC];
	_ =	sdelay $0x3  }
0x96: {  	_ =	strace s5  }
0x97: {  	s5 =	sld [smem:$0x3FFD];
	_ =	sdelay $0x3  }
0x98: {  	_ =	strace s5  }
0x99: {  	_ =	strace $0x8FFFFFFF  }
0x9a: {  	s19 =	sld [smem:$0x3FDB];
	_ =	sdelay $0x1  }
0x9b: {  	s6 =	simm.s32 $_scs_section_size  }
0x9c: {  	s7 =	simm.s32 $_size__tile_overlayer_lowered;
	s8 =	simm.s32 $_tile_overlayer_lowered  }
0x9d: {  	s22 =	simm.s32 $0x1BFF;
	s21 =	sshll.u32 s8, $0x1;
	s5 =	sadd.s32 s6, s19  }
0x9e: {  	s9 =	simm.s32 $0x0;
	s20 =	sshll.u32 s7, $0x1;
	s7 =	sadd.s32 s21, s5  }
0x9f: {  	[timem:s9], [sflag:s22] =	dma.local [hbm:s7], s20  }
0xa0: {  	_ =	swait.ge [sflag:s22], s20  }
0xa1: {  	s6 =	ssub.s32 $0x0, s20;
	[sflag:s22] =	ssyncset.done $0x0  }
0xa2: {  	[sflag:s22] =	ssyncadd.s32 s6;
	_ =	sdelay $0x1  }
0xa3: {  	s23 =	simm.s32 $0x1B8B  }
0xa4: {  	_ =	swait.ge [sflag:s23], $0x1  }
0xa5: {  	[sflag:s23] =	ssyncset.done $0x0  }
0xa6: {  	s25 =	simm.s32 $0x1B8E;
	s24 =	sld [smem:$0x3FFE];
	[sflag:s23] =	ssyncadd.s32 $0xFFFFFFFF  }
0xa7: {  	s26 =	simm.s32 $execute0_lowered;
	[smem:$0x3FD2] =	sst s25  }
0xa8: {  	s7 =	sshll.u32 s26, $0x1;
	_ =	strace $0x80000046;
	[dreg:$0x1] =	wrdreg $0xFFFFFFFF  }
0xa9: {  	s28 =	simm.s32 $_size_execute0_lowered;
	s5 =	sadd.s32 s5, s7;
	[dreg:$0x0] =	wrdreg $0x0  }
0xaa: {  	s7 =	sshll.u32 s28, $0x1;
	[dreg:$0x2] =	wrdreg s5  }
0xab: {  	[dreg:$0x3] =	wrdreg s7  }
0xac: {  	[dreg:$0x4] =	wrdreg $0xC0  }
0xad: {  	_ =	task [dreg:s9], $0x5FFFF  }
0xae: {  	[dreg:$0x1] =	wrdreg $0xFFFFFFFF  }
0xaf: {  	[dreg:$0x0] =	wrdreg $0x60  }
0xb0: {  	[dreg:$0x2] =	wrdreg s2  }
0xb1: {  	[dreg:$0x3] =	wrdreg s24  }
0xb2: {  	[dreg:$0x4] =	wrdreg s4  }
0xb3: {  	[dreg:$0x5] =	wrdreg s18  }
0xb4: {  	[dreg:$0x6] =	wrdreg $0xBC000  }
0xb5: {  	[dreg:$0x7] =	wrdreg $0x9  }
0xb6: {  	_ =	task.clear_ibuf [dreg:s9], $0x8FFFF;
	_ =	strace $0x90000046  }
0xb7: {  	s29 =	simm.s32 $0x9;
	_ =	strace $0x80000048  }
0xb8: {  	_ =	swait.ge [sflag:s29], $0x1  }
0xb9: {  	[sflag:s29] =	ssyncadd.s32 $0xFFFFFFFF  }
0xba: {  	_ =	strace $0x90000048  }
0xbb: {  	_ =	sfence  }
0xbc: {  	s30 =	sld [smem:$0x0];
	_ =	sdelay $0x2  }
0xbd: {  	s31 =	sshll.u32 s1, $0xD;
	s1 =	sshrl.u32 s1, $0x2  }
0xbe: {  	s3 =	sand.u32 $0x4000, s31;
	s1 =	sadd.s32 s1, s30  }
0xbf: {  	s0 =	sor.u32 s3, s0;
	s1 =	sshll.u32 s1, $0x11  }
0xc0: {  	s0 =	sor.u32 s1, s0  }
0xc1: {  	s0 =	sadd.s32 $0x8F2B, s0  }
0xc2: {  	[sflag:s0] =	ssyncadd.remote.s32 $0x1  }
0xc3: {  	_ =	sfence.sel $0xFFFF  }
0xc4: {  	[dreg:$0x0] =	wrdreg $0xFFFFFFFF;
	(pc) =	sbr.abs _section_cstart, $3  }
0xc5: {  	[dreg:$0x1] =	wrdreg $0xFFFFFFFF  }
0xc6: {  	_ =	task.clear_ibuf [dreg:s9], $0x2FFFF;
	_ =	strace $0x9FFFFFFF  }
0xc7: {  	(tm) =	ssettm $0x7FFFFFFF  }
tec
execute0_lowered:
.L_overlay_start_1:
0x0: {  	(tag) =	ssettag $0x1  }
0x1: {  	s1 =	rddreg [dreg:$0x0];
	s5 =	srdreg.scid  }
0x2: {  	s0 =	rddreg [dreg:$0x1];
	s5 =	sand.u32 $0x1, s5  }
0x3: {  	s2 =	rddreg [dreg:$0x2];
	s15 =	stileid.u32;
	s7 =	sshll.u32 s5, $0x4  }
0x4: {  	s3 =	rddreg [dreg:$0x3];
	s9 =	sor.u32 s15, s7  }
0x5: {  	s4 =	rddreg [dreg:$0x4];
	s6 =	simm.s32 $0x0;
	s7 =	smul.u32 $0x2710, s9  }
0x6: {  	[smem:$0x7FF] =	sst s6;
	s9 =	smul.u32 $0x27100, s9  }
0x7: {  	s8 =	sadd.s32 $0xC00, s0;
	_ =	strace $0x80000047;
	s10 =	ssub.s32 $0x2, s5  }
0x8: {  	s11 =	sshrl.u32 s10, $0x1;
	s12 =	sshrl.u32 s7, $0x3;
	s9 =	sadd.s32 s3, s9  }
0x9: {  	s13 =	sadd.s32 $0x28, s7;
	s18 =	sadd.s32 s8, s12;
	[dreg:$0x10] =	wrdreg s9  }
0xa: {  	s19 =	sshrl.u32 s13, $0x3;
	s14 =	sadd.s32 s2, s12;
	[dreg:$0x6] =	wrdreg s18  }
0xb: {  	s10 =	ssub.s32 s10, s11;
	[dreg:$0x7] =	wrdreg s14;
	s20 =	sadd.s32 s8, s19  }
0xc: {  	s21 =	sadd.s32 $0xA, s12;
	s11 =	sadd.s32 s2, s19;
	[dreg:$0x8] =	wrdreg s20  }
0xd: {  	s22 =	sadd.s32 s8, s21;
	[dreg:$0x9] =	wrdreg s11  }
0xe: {  	s12 =	sadd.s32 $0x14, s12;
	s14 =	sadd.s32 s2, s21;
	[dreg:$0xa] =	wrdreg s22  }
0xf: {  	s30 =	smul.u32 $0x4E000, s15;
	s25 =	sadd.s32 s8, s12;
	[dreg:$0xb] =	wrdreg s14  }
0x10: {  	s28 =	sshll.u32 s13, $0x4;
	s12 =	sadd.s32 s2, s12;
	[dreg:$0xe] =	wrdreg s25  }
0x11: {  	s23 =	sadd.s32 $0x78, s7;
	s31 =	sadd.s32 s3, s28;
	[dreg:$0xf] =	wrdreg s12  }
0x12: {  	s11 =	sshrl.u32 s23, $0x3;
	[dreg:$0x11] =	wrdreg s31;
	s14 =	smax.u32 s10, $0x1  }
0x13: {  	s12 =	sshrl.u32 s30, $0x2;
	s24 =	sadd.s32 s8, s11;
	[dreg:$0x15] =	wrdreg s14  }
0x14: {  	s11 =	sadd.s32 s2, s11;
	s21 =	sadd.s32 s12, s4;
	[dreg:$0xc] =	wrdreg s24  }
0x15: {  	s26 =	smul.u32 $0x13800, s15;
	[dreg:$0xd] =	wrdreg s11;
	s13 =	sadd.s32 $0x1400, s21  }
0x16: {  	p0 =	sne.s32 s15, $0xF;
	s15 =	sadd.s32 $0x2800, s21;
	[dreg:$0x13] =	wrdreg s13  }
0x17: {  	s16 =	sadd.s32 $0x3C00, s21;
	[dreg:$0x16] =	wrdreg s15  }
0x18: {  	s17 =	sadd.s32 $0x5000, s21;
	[dreg:$0x17] =	wrdreg s16  }
0x19: {  	s18 =	sadd.s32 $0x6400, s21;
	[dreg:$0x18] =	wrdreg s17  }
0x1a: {  	s19 =	sadd.s32 $0x7800, s21;
	[dreg:$0x19] =	wrdreg s18  }
0x1b: {  	s20 =	sadd.s32 $0x8C00, s21;
	[dreg:$0x1a] =	wrdreg s19  }
0x1c: {  	s22 =	sadd.s32 $0xA000, s21;
	[dreg:$0x1b] =	wrdreg s20  }
0x1d: {  	s23 =	sadd.s32 $0xB400, s21;
	[dreg:$0x1c] =	wrdreg s22  }
0x1e: {  	s5 =	smul.u32 $0x138800, s5;
	s24 =	sadd.s32 $0xC800, s21;
	[dreg:$0x1d] =	wrdreg s23  }
0x1f: {  	s25 =	sadd.s32 $0xDC00, s21;
	[dreg:$0x1e] =	wrdreg s24  }
0x20: {  	s11 =	sadd.s32 s26, s5;
	s26 =	sadd.s32 $0xF000, s21;
	[dreg:$0x1f] =	wrdreg s25  }
0x21: {  	s29 =	simm.s32 $0x0;
	s28 =	sadd.s32 $0x10400, s21;
	[smem:$0x7FA] =	sst s26  }
0x22: {  	s0 =	sadd.s32 $0xAA00, s0;
	s30 =	sadd.s32 $0x11800, s21;
	[smem:$0x7FB] =	sst s28  }
0x23: {  	s5 =	sshrl.u32 s5, $0x3;
	s31 =	sadd.s32 $0x12C00, s21;
	[smem:$0x7FC] =	sst s30  }
.Ltmp0:
0x24: {  	s9 =	sshrl.u32 s11, $0x3;
	[smem:$0x7FD] =	sst s31;
	(pc) =	sbr.rel .LBB2_1-.Ltmp0, $4  }
0x25: {  	s16 =	sadd.s32 $0x138000, s4;
	s19 =	simm.s32 $0x1;
	s20 =	simm.s32 $0x28  }
0x26: {  	s22 =	simm.s32 $0x2;
	s9 =	sadd.s32 s0, s9;
	s0 =	sadd.s32 s0, s5  }
0x27: {  	s23 =	simm.s32 $0x3;
	[dreg:$0x12] =	wrdreg s9;
	s0 =	sadd.s32 $0x27000, s0  }
0x28: {  	v0 =	vimm.f32 $0.0e+00;
	s24 =	simm.s32 $0x9400;
	s25 =	simm.s32 $0x12;
	[dreg:$0x14] =	wrdreg s0  }
.LBB2_13:
0x29: {  	s0 =	simm.s32 $0x10  }
0x2a: {  	_ =	swait.ge [sflag:s0], $0x1400  }
0x2b: {  	[sflag:s0] =	ssyncset.done $0x0  }
0x2c: {  	s28 =	simm.s32 $0x11;
	[sflag:s0] =	ssyncadd.s32 $0xFFFFEC00  }
0x2d: {  	_ =	swait.ge [sflag:s28], $0x1400  }
0x2e: {  	[sflag:s28] =	ssyncset.done $0x0  }
0x2f: {  	s30 =	stileid.u32;
	[sflag:s28] =	ssyncadd.s32 $0xFFFFEC00  }
0x30: {  	s0 =	sshll.u32 s30, $0x6;
	[bflag:$0x0] =	sbarrier.arrive $0xFFFF  }
0x31: {  	s5 =	sshrl.u32 s21, $0x3;
	s0 =	sor.u32 $0x1C12, s0;
	s9 =	rddreg [dreg:$0x12]  }
0x32: {  	[hbm:s9], [sflag:s0] =	dma.local [spmem:s5], $0x2700  }
0x33: {  	_ =	swait.ge [sflag:s25], $0x2700  }
0x34: {  	[sflag:s25] =	ssyncset.done $0x0  }
0x35: {  	s5 =	sshrl.u32 @!p0 s16, $0x3;
	s9 =	rddreg [dreg:$0x14];
	[sflag:s25] =	ssyncadd.s32 $0xFFFFD900  }
0x36: {  	[hbm:s9], [sflag:s0] =	dma.local @!p0 [spmem:s5], $0x100  }
0x37: {  	s0 =	simm.s32 @!p0 $0x12  }
0x38: {  	_ =	swait.ge @!p0 [sflag:s0], $0x100  }
0x39: {  	s29 =	sadd.s32 $0x1, s29;
	s31 =	rddreg [dreg:$0x15]  }
0x3a: {  	p1 =	sne.s32 s29, s31  }
.Ltmp1:
0x3b: {  	_ = 	snop;
	(pc) =	sbr.rel @!p1 .LBB2_14-.Ltmp1, $3  }
0x3c: {  	_ =	sdelay $0x1  }
0x3d: {  	[sflag:s0] =	ssyncset.done @!p0 $0x0  }
0x3e: {  	[sflag:s0] =	ssyncadd.s32 @!p0 $0xFFFFFF00  }
.LBB2_1:
0x3f: {  	s0 =	rddreg [dreg:$0x6]  }
0x40: {  	[tilespmem:s6], [sflag:$0x1] =	stream.linear.gather [hbm4b:s0+s6], $0x28, $0x38;
	[tilespmem:$0x1F480] =	vst v63  }
0x41: {  	s13 =	rddreg [dreg:$0x7];
	s5 =	simm.s32 $0x400  }
0x42: {  	[tilespmem:s5], [sflag:$0x1] =	stream.linear.gather [hbm4b:s13+s6], $0x28, $0x38;
	[tilespmem:$0x1F480] =	vst v63  }
0x43: {  	s14 =	rddreg [dreg:$0x8];
	s5 =	simm.s32 $0x80  }
0x44: {  	[tilespmem:s5], [sflag:$0x2] =	stream.linear.gather [hbm4b:s14+s6], $0x28, $0x38;
	[tilespmem:$0x1F480] =	vst v63  }
0x45: {  	s15 =	rddreg [dreg:$0x9];
	s9 =	simm.s32 $0x480  }
0x46: {  	[tilespmem:s9], [sflag:$0x2] =	stream.linear.gather [hbm4b:s15+s6], $0x28, $0x38;
	[tilespmem:$0x1F480] =	vst v63  }
0x47: {  	s17 =	rddreg [dreg:$0xa];
	s9 =	simm.s32 $0x100  }
0x48: {  	[tilespmem:s9], [sflag:$0x3] =	stream.linear.gather [hbm4b:s17+s6], $0x28, $0x38;
	[tilespmem:$0x1F480] =	vst v63  }
0x49: {  	s18 =	rddreg [dreg:$0xb];
	s10 =	simm.s32 $0x500  }
0x4a: {  	[tilespmem:s10], [sflag:$0x3] =	stream.linear.gather [hbm4b:s18+s6], $0x28, $0x38;
	[tilespmem:$0x1F480] =	vst v63  }
0x4b: {  	s26 =	rddreg [dreg:$0xc];
	s28 =	simm.s32 $0x180  }
0x4c: {  	[tilespmem:s28], [sflag:$0x4] =	stream.linear.gather [hbm4b:s26+s6], $0x28, $0x38;
	[tilespmem:$0x1F480] =	vst v63  }
0x4d: {  	s30 =	rddreg [dreg:$0xd];
	s31 =	simm.s32 $0x580  }
0x4e: {  	[tilespmem:s31], [sflag:$0x4] =	stream.linear.gather [hbm4b:s30+s6], $0x28, $0x38;
	[tilespmem:$0x1F480] =	vst v63  }
0x4f: {  	s11 =	rddreg [dreg:$0xe];
	s12 =	simm.s32 $0x200  }
0x50: {  	[tilespmem:s12], [sflag:$0x5] =	stream.linear.gather [hbm4b:s11+s6], $0x28, $0x38;
	[tilespmem:$0x1F480] =	vst v63  }
0x51: {  	s13 =	rddreg [dreg:$0xf];
	s14 =	simm.s32 $0x600  }
0x52: {  	[tilespmem:s14], [sflag:$0x5] =	stream.linear.gather [hbm4b:s13+s6], $0x28, $0x38;
	[tilespmem:$0x1F480] =	vst v63  }
0x53: {  	_ =	swait.ge [sflag:s19], $0x28  }
0x54: {  	[sflag:s19] =	ssyncset.done $0x0  }
0x55: {  	[sflag:s19] =	ssyncadd.s32 $0xFFFFFFD8  }
0x56: {  	_ =	swait.ge [sflag:s19], $0x28  }
0x57: {  	[sflag:s19] =	ssyncset.done $0x0  }
0x58: {  	s15 =	simm.s32 $0x800;
	[sflag:s19] =	ssyncadd.s32 $0xFFFFFFD8  }
0x59: {  	[tilespmem:s15], [sflag:$0x9] =	stream.indirect.gather [hbm4b:s1+s20], $0x80, s6, s20, $0xb8;
	[tilespmem:$0x1F480] =	vst v63  }
0x5a: {  	_ =	swait.ge [sflag:s22], $0x28  }
0x5b: {  	[sflag:s22] =	ssyncset.done $0x0  }
0x5c: {  	[sflag:s22] =	ssyncadd.s32 $0xFFFFFFD8  }
0x5d: {  	_ =	swait.ge [sflag:s22], $0x28  }
0x5e: {  	[sflag:s22] =	ssyncset.done $0x0  }
0x5f: {  	s17 =	simm.s32 $0x1C00;
	[sflag:s22] =	ssyncadd.s32 $0xFFFFFFD8  }
0x60: {  	[tilespmem:s17], [sflag:$0xA] =	stream.indirect.gather [hbm4b:s1+s20], $0x80, s5, s20, $0xb8;
	[tilespmem:$0x1F480] =	vst v63  }
0x61: {  	_ =	swait.ge [sflag:s23], $0x28  }
0x62: {  	[sflag:s23] =	ssyncset.done $0x0  }
0x63: {  	[sflag:s23] =	ssyncadd.s32 $0xFFFFFFD8  }
0x64: {  	_ =	swait.ge [sflag:s23], $0x28  }
0x65: {  	[sflag:s23] =	ssyncset.done $0x0  }
0x66: {  	s18 =	simm.s32 $0x3000;
	[sflag:s23] =	ssyncadd.s32 $0xFFFFFFD8  }
0x67: {  	[tilespmem:s18], [sflag:$0xB] =	stream.indirect.gather [hbm4b:s1+s20], $0x80, s9, s20, $0xb8;
	[tilespmem:$0x1F480] =	vst v63  }
0x68: {  	s0 =	simm.s32 $0x0;
	s28 =	simm.s32 $0x5800;
	s26 =	rddreg [dreg:$0x10]  }
0x69: {  	[tilespmem:s28], [sflag:$0xD] =	stream.linear.gather [hbm4b:s26+s6], $0x1400, $0x38;
	[tilespmem:$0x1F480] =	vst v63  }
0x6a: {  	s31 =	simm.s32 $0x6C00;
	s5 =	simm.s32 $0x200;
	s30 =	rddreg [dreg:$0x11]  }
0x6b: {  	[tilespmem:s31], [sflag:$0xE] =	stream.linear.gather [hbm4b:s30+s6], $0x1400, $0x38;
	[tilespmem:$0x1F480] =	vst v63  }
.LBB2_2:
0x6c: {  	p1 =	sne.s32 s5, $0x4E00;
	[tilespmem:s0+$0x9470] =	vst v0  }
0x6d: {  	[tilespmem:s0+$0x9400] =	vst v0  }
0x6e: {  	[tilespmem:s0+$0x9410] =	vst v0  }
.Ltmp2:
0x6f: {  	[tilespmem:s0+$0x9420] =	vst v0;
	(pc) =	sbr.rel @p1 .LBB2_2-.Ltmp2, $4  }
0x70: {  	[tilespmem:s0+$0x9430] =	vst v0  }
0x71: {  	[tilespmem:s0+$0x9440] =	vst v0  }
0x72: {  	[tilespmem:s0+$0x9450] =	vst v0  }
0x73: {  	[tilespmem:s0+$0x9460] =	vst v0;
	s0 =	sshra.s32 s5, $0x2;
	s5 =	sadd.s32 $0x200, s5  }
0x74: {  	[tilespmem:s0+$0x9470] =	vst v0  }
0x75: {  	[tilespmem:s0+$0x9400] =	vst v0  }
0x76: {  	[tilespmem:s0+$0x9410] =	vst v0  }
0x77: {  	[tilespmem:s0+$0x9420] =	vst v0  }
0x78: {  	[tilespmem:s0+$0x9430] =	vst v0  }
0x79: {  	[tilespmem:s0+$0x9440] =	vst v0  }
0x7a: {  	[tilespmem:s0+$0x9450] =	vst v0  }
0x7b: {  	[tilespmem:s0+$0x9460] =	vst v0  }
0x7c: {  	[spmem:s21] =	stream.linear.scatter [tilespmem:s24], [sflag:$0x12], $0x1400, $0x38;
	[tilespmem:$0x1F480] =	vst v63  }
0x7d: {  	_ =	swait.ge [sflag:s25], $0x1400  }
0x7e: {  	[sflag:s25] =	ssyncset.done $0x0  }
0x7f: {  	s18 =	rddreg [dreg:$0x13];
	[sflag:s25] =	ssyncadd.s32 $0xFFFFEC00  }
0x80: {  	[spmem:s18] =	stream.linear.scatter [tilespmem:s24], [sflag:$0x12], $0x1400, $0x38;
	[tilespmem:$0x1F480] =	vst v63  }
0x81: {  	_ =	swait.ge [sflag:s25], $0x1400  }
0x82: {  	[sflag:s25] =	ssyncset.done $0x0  }
0x83: {  	s26 =	rddreg [dreg:$0x16];
	[sflag:s25] =	ssyncadd.s32 $0xFFFFEC00  }
0x84: {  	[spmem:s26] =	stream.linear.scatter [tilespmem:s24], [sflag:$0x12], $0x1400, $0x38;
	[tilespmem:$0x1F480] =	vst v63  }
0x85: {  	_ =	swait.ge [sflag:s25], $0x1400  }
0x86: {  	[sflag:s25] =	ssyncset.done $0x0  }
0x87: {  	s28 =	rddreg [dreg:$0x17];
	[sflag:s25] =	ssyncadd.s32 $0xFFFFEC00  }
0x88: {  	[spmem:s28] =	stream.linear.scatter [tilespmem:s24], [sflag:$0x12], $0x1400, $0x38;
	[tilespmem:$0x1F480] =	vst v63  }
0x89: {  	_ =	swait.ge [sflag:s25], $0x1400  }
0x8a: {  	[sflag:s25] =	ssyncset.done $0x0  }
0x8b: {  	s5 =	rddreg [dreg:$0x18];
	[sflag:s25] =	ssyncadd.s32 $0xFFFFEC00  }
0x8c: {  	[spmem:s5] =	stream.linear.scatter [tilespmem:s24], [sflag:$0x12], $0x1400, $0x38;
	[tilespmem:$0x1F480] =	vst v63  }
0x8d: {  	_ =	swait.ge [sflag:s25], $0x1400  }
0x8e: {  	[sflag:s25] =	ssyncset.done $0x0  }
0x8f: {  	s9 =	rddreg [dreg:$0x19];
	[sflag:s25] =	ssyncadd.s32 $0xFFFFEC00  }
0x90: {  	[spmem:s9] =	stream.linear.scatter [tilespmem:s24], [sflag:$0x12], $0x1400, $0x38;
	[tilespmem:$0x1F480] =	vst v63  }
0x91: {  	_ =	swait.ge [sflag:s25], $0x1400  }
0x92: {  	[sflag:s25] =	ssyncset.done $0x0  }
0x93: {  	s10 =	rddreg [dreg:$0x1a];
	[sflag:s25] =	ssyncadd.s32 $0xFFFFEC00  }
0x94: {  	[spmem:s10] =	stream.linear.scatter [tilespmem:s24], [sflag:$0x12], $0x1400, $0x38;
	[tilespmem:$0x1F480] =	vst v63  }
0x95: {  	_ =	swait.ge [sflag:s25], $0x1400  }
0x96: {  	[sflag:s25] =	ssyncset.done $0x0  }
0x97: {  	s11 =	rddreg [dreg:$0x1b];
	[sflag:s25] =	ssyncadd.s32 $0xFFFFEC00  }
0x98: {  	[spmem:s11] =	stream.linear.scatter [tilespmem:s24], [sflag:$0x12], $0x1400, $0x38;
	[tilespmem:$0x1F480] =	vst v63  }
0x99: {  	_ =	swait.ge [sflag:s25], $0x1400  }
0x9a: {  	[sflag:s25] =	ssyncset.done $0x0  }
0x9b: {  	s12 =	rddreg [dreg:$0x1c];
	[sflag:s25] =	ssyncadd.s32 $0xFFFFEC00  }
0x9c: {  	[spmem:s12] =	stream.linear.scatter [tilespmem:s24], [sflag:$0x12], $0x1400, $0x38;
	[tilespmem:$0x1F480] =	vst v63  }
0x9d: {  	_ =	swait.ge [sflag:s25], $0x1400  }
0x9e: {  	[sflag:s25] =	ssyncset.done $0x0  }
0x9f: {  	s13 =	rddreg [dreg:$0x1d];
	[sflag:s25] =	ssyncadd.s32 $0xFFFFEC00  }
0xa0: {  	[spmem:s13] =	stream.linear.scatter [tilespmem:s24], [sflag:$0x12], $0x1400, $0x38;
	[tilespmem:$0x1F480] =	vst v63  }
0xa1: {  	_ =	swait.ge [sflag:s25], $0x1400  }
0xa2: {  	[sflag:s25] =	ssyncset.done $0x0  }
0xa3: {  	s14 =	rddreg [dreg:$0x1e];
	[sflag:s25] =	ssyncadd.s32 $0xFFFFEC00  }
0xa4: {  	[spmem:s14] =	stream.linear.scatter [tilespmem:s24], [sflag:$0x12], $0x1400, $0x38;
	[tilespmem:$0x1F480] =	vst v63  }
0xa5: {  	_ =	swait.ge [sflag:s25], $0x1400  }
0xa6: {  	[sflag:s25] =	ssyncset.done $0x0  }
0xa7: {  	s15 =	rddreg [dreg:$0x1f];
	[sflag:s25] =	ssyncadd.s32 $0xFFFFEC00  }
0xa8: {  	[spmem:s15] =	stream.linear.scatter [tilespmem:s24], [sflag:$0x12], $0x1400, $0x38;
	[tilespmem:$0x1F480] =	vst v63  }
0xa9: {  	_ =	swait.ge [sflag:s25], $0x1400  }
0xaa: {  	s17 =	sld [smem:$0x7FA]  }
0xab: {  	[sflag:s25] =	ssyncset.done $0x0  }
0xac: {  	[sflag:s25] =	ssyncadd.s32 $0xFFFFEC00  }
0xad: {  	[spmem:s17] =	stream.linear.scatter [tilespmem:s24], [sflag:$0x12], $0x1400, $0x38;
	[tilespmem:$0x1F480] =	vst v63  }
0xae: {  	_ =	swait.ge [sflag:s25], $0x1400  }
0xaf: {  	s18 =	sld [smem:$0x7FB]  }
0xb0: {  	[sflag:s25] =	ssyncset.done $0x0  }
0xb1: {  	[sflag:s25] =	ssyncadd.s32 $0xFFFFEC00  }
0xb2: {  	[spmem:s18] =	stream.linear.scatter [tilespmem:s24], [sflag:$0x12], $0x1400, $0x38;
	[tilespmem:$0x1F480] =	vst v63  }
0xb3: {  	_ =	swait.ge [sflag:s25], $0x1400  }
0xb4: {  	s26 =	sld [smem:$0x7FC]  }
0xb5: {  	[sflag:s25] =	ssyncset.done $0x0  }
0xb6: {  	[sflag:s25] =	ssyncadd.s32 $0xFFFFEC00  }
0xb7: {  	[spmem:s26] =	stream.linear.scatter [tilespmem:s24], [sflag:$0x12], $0x1400, $0x38;
	[tilespmem:$0x1F480] =	vst v63  }
0xb8: {  	_ =	swait.ge [sflag:s25], $0x1400  }
0xb9: {  	s28 =	sld [smem:$0x7FD]  }
0xba: {  	[sflag:s25] =	ssyncset.done $0x0  }
0xbb: {  	[sflag:s25] =	ssyncadd.s32 $0xFFFFEC00  }
0xbc: {  	[spmem:s28] =	stream.linear.scatter [tilespmem:s24], [sflag:$0x12], $0xC00, $0x38;
	[tilespmem:$0x1F480] =	vst v63  }
0xbd: {  	_ =	swait.ge [sflag:s25], $0xC00  }
0xbe: {  	[sflag:s25] =	ssyncset.done $0x0  }
0xbf: {  	s0 =	simm.s32 @!p0 $0x9400;
	[sflag:s25] =	ssyncadd.s32 $0xFFFFF400  }
0xc0: {  	[spmem:s16] =	stream.linear.scatter @!p0 [tilespmem:s0], [sflag:$0x12], $0x800, $0x38;
	[tilespmem:$0x1F480] =	vst v63  }
0xc1: {  	s0 =	simm.s32 @!p0 $0x12  }
0xc2: {  	_ =	swait.ge @!p0 [sflag:s0], $0x800  }
0xc3: {  	[sflag:s0] =	ssyncset.done @!p0 $0x0  }
0xc4: {  	s30 =	simm.s32 $0x0;
	[sflag:s0] =	ssyncadd.s32 @!p0 $0xFFFFF800  }
0xc5: {  	s31 =	simm.s32 $0x5800;
	s0 =	simm.s32 $0x0;
	[bflag:$0x0] =	sbarrier.arrive $0xFFFF  }
.LBB2_4:
0xc6: {  	p1 =	sgt.u32 s0, $0xF4  }
.Ltmp3:
0xc7: {  	_ = 	snop;
	(pc) =	sbr.rel @p1 .LBB2_6-.Ltmp3, $1  }
0xc8: {  	_ =	sdelay $0x3  }
0xc9: {  	s5 =	sadd.s32 $0x5, s0  }
0xca: {  	s9 =	smul.u32 $0x28, s5;
	_ =	sdelay $0x1  }
0xcb: {  	s9 =	sadd.s32 s7, s9  }
.Ltmp4:
0xcc: {  	s5 =	sand.u32 $0x7, s5;
	s9 =	sshrl.u32 s9, $0x3;
	(pc) =	sbr.rel .LBB2_7-.Ltmp4, $4  }
0xcd: {  	s10 =	sadd.s32 $0x1, s5;
	s5 =	sshll.u32 s5, $0x7;
	s11 =	sadd.s32 s8, s9  }
0xce: {  	[tilespmem:s5], [sflag:s10] =	stream.linear.gather [hbm4b:s11+s6], $0x28, $0x38;
	[tilespmem:$0x1F480] =	vst v63  }
0xcf: {  	s9 =	sadd.s32 s2, s9;
	s5 =	sor.u32 $0x400, s5  }
0xd0: {  	[tilespmem:s5], [sflag:s10] =	stream.linear.gather [hbm4b:s9+s6], $0x28, $0x38;
	[tilespmem:$0x1F480] =	vst v63  }
.LBB2_6:
0xd1: {  	p1 =	sgt.u32 s0, $0xF6  }
.Ltmp5:
0xd2: {  	_ = 	snop;
	(pc) =	sbr.rel @p1 .LBB2_8-.Ltmp5, $1  }
0xd3: {  	_ =	sdelay $0x3  }
.LBB2_7:
0xd4: {  	s5 =	sadd.s32 $0x3, s0  }
0xd5: {  	s9 =	sand.u32 $0x7, s5  }
0xd6: {  	s10 =	sadd.s32 $0x1, s9  }
0xd7: {  	_ =	swait.ge [sflag:s10], $0x28  }
0xd8: {  	s5 =	sand.u32 $0x3, s5;
	[sflag:s10] =	ssyncset.done $0x0  }
0xd9: {  	s11 =	smul.u32 $0x5000, s5;
	[sflag:s10] =	ssyncadd.s32 $0xFFFFFFD8  }
0xda: {  	_ =	swait.ge [sflag:s10], $0x28  }
0xdb: {  	s9 =	sshll.u32 s9, $0x7;
	s28 =	sshrl.u32 s11, $0x2;
	[sflag:s10] =	ssyncset.done $0x0  }
0xdc: {  	s5 =	sadd.s32 $0x9, s5;
	[sflag:s10] =	ssyncadd.s32 $0xFFFFFFD8;
	s10 =	sadd.s32 $0x800, s28  }
0xdd: {  	[tilespmem:s10], [sflag:s5] =	stream.indirect.gather [hbm4b:s1+s20], $0x80, s9, s20, $0xb8;
	[tilespmem:$0x1F480] =	vst v63  }
.LBB2_9:
0xde: {  	s5 =	sadd.s32 $0x2, s0  }
0xdf: {  	s9 =	smul.u32 $0xAB, s5;
	_ =	sdelay $0x1  }
0xe0: {  	s9 =	sshrl.u32 s9, $0x9  }
0xe1: {  	s9 =	sand.u32 $0x7F, s9  }
0xe2: {  	s9 =	smul.u32 $0x3, s9;
	_ =	sdelay $0x1  }
0xe3: {  	s9 =	ssub.s32 s5, s9  }
0xe4: {  	s5 =	smul.u32 $0x28, s5;
	s9 =	sand.u32 $0xFF, s9  }
0xe5: {  	s10 =	smul.u32 $0x5000, s9  }
0xe6: {  	s5 =	sadd.s32 s7, s5  }
0xe7: {  	s5 =	sshll.u32 s5, $0x4;
	s10 =	sshrl.u32 s10, $0x2  }
0xe8: {  	s9 =	sadd.s32 $0xD, s9;
	s5 =	sadd.s32 s3, s5;
	s10 =	sadd.s32 $0x5800, s10  }
0xe9: {  	[tilespmem:s10], [sflag:s9] =	stream.linear.gather [hbm4b:s5+s6], $0x1400, $0x38;
	[tilespmem:$0x1F480] =	vst v63  }
.LBB2_10:
0xea: {  	s5 =	smul.u32 $0xAB, s0;
	_ =	sdelay $0x1  }
0xeb: {  	s5 =	sshrl.u32 s5, $0x9  }
0xec: {  	s5 =	sand.u32 $0x7F, s5  }
0xed: {  	s9 =	sand.u32 $0x3, s0;
	s5 =	smul.u32 $0x3, s5  }
0xee: {  	s9 =	sadd.s32 $0x9, s9  }
0xef: {  	_ =	swait.ge [sflag:s9], $0x1400;
	s5 =	ssub.s32 s0, s5  }
0xf0: {  	[sflag:s9] =	ssyncset.done $0x0;
	s5 =	sand.u32 $0xFF, s5  }
0xf1: {  	s10 =	sand.u32 $0x3, s30;
	[sflag:s9] =	ssyncadd.s32 $0xFFFFEC00;
	s5 =	sadd.s32 $0xD, s5  }
0xf2: {  	s15 =	smulhi.u32 $0xAAAAAAAB, s0;
	p1 =	slt.u32 s0, $0x2;
	_ =	swait.ge [sflag:s5], $0x1400  }
0xf3: {  	s10 =	smul.u32 $0x5000, s10;
	s17 =	sand.u32 @!p1 $0x1, s0;
	[sflag:s5] =	ssyncset.done $0x0  }
0xf4: {  	s9 =	sshrl.u32 s15, $0x1;
	[sflag:s5] =	ssyncadd.s32 $0xFFFFEC00;
	s5 =	sor.u32 @!p1 $0x10, s17  }
0xf5: {  	s9 =	smul.u32 $0xFFFF1000, s9;
	_ =	swait.ge @!p1 [sflag:s5], $0x1400  }
0xf6: {  	s10 =	sshrl.u32 s10, $0x2;
	[sflag:s5] =	ssyncset.done @!p1 $0x0  }
0xf7: {  	s15 =	sadd.s32 $0x880, s10;
	s9 =	sshra.s32 s9, $0x2;
	[sflag:s5] =	ssyncadd.s32 @!p1 $0xFFFFEC00  }
0xf8: {  	s26 =	sadd.s32 s9, s31;
	v1 =	vld [tilespmem:s15+$0x0]  }
0xf9: {  	v2 =	vld [tilespmem:s26+$0x80];
	_ =	sdelay $0x2  }
0xfa: {  	s17 =	smov.u32 @p1 s0  }
0xfb: {  	s18 =	smul.u32 $0x5000, s17  }
0xfc: {  	v1 =	vadd.f32 v2, v1  }
0xfd: {  	s14 =	sshra.s32 s18, $0x2  }
0xfe: {  	s5 =	sadd.s32 $0x9480, s14;
	v3 =	vld [tilespmem:s15+$0xFFFFFF80];
	v1 =	vmax.f32 v1, $0.0e+00  }
0xff: {  	v2 =	vld [tilespmem:s26+$0x0];
	[tilespmem:s5+$0x0] =	vst v1  }
0x100: {  	v1 =	vld [tilespmem:s15+$0x10]  }
0x101: {  	v4 =	vld [tilespmem:s26+$0x90];
	_ =	sdelay $0x2  }
0x102: {  	v2 =	vadd.f32 v2, v3;
	_ =	sdelay $0x1  }
0x103: {  	v2 =	vmax.f32 v2, $0.0e+00;
	v1 =	vadd.f32 v4, v1  }
0x104: {  	[tilespmem:s5+$0xFFFFFF80] =	vst v2  }
0x105: {  	v2 =	vld [tilespmem:s15+$0xFFFFFF90];
	v1 =	vmax.f32 v1, $0.0e+00  }
0x106: {  	v3 =	vld [tilespmem:s26+$0x10];
	[tilespmem:s5+$0x10] =	vst v1  }
0x107: {  	v1 =	vld [tilespmem:s15+$0x20]  }
0x108: {  	v4 =	vld [tilespmem:s26+$0xA0];
	_ =	sdelay $0x2  }
0x109: {  	v2 =	vadd.f32 v3, v2;
	_ =	sdelay $0x1  }
0x10a: {  	v2 =	vmax.f32 v2, $0.0e+00;
	v1 =	vadd.f32 v4, v1  }
0x10b: {  	[tilespmem:s5+$0xFFFFFF90] =	vst v2  }
0x10c: {  	v2 =	vld [tilespmem:s15+$0xFFFFFFA0];
	v1 =	vmax.f32 v1, $0.0e+00  }
0x10d: {  	v3 =	vld [tilespmem:s26+$0x20];
	[tilespmem:s5+$0x20] =	vst v1  }
0x10e: {  	v1 =	vld [tilespmem:s15+$0x30]  }
0x10f: {  	s10 =	sadd.s32 $0x100, s15;
	v4 =	vld [tilespmem:s26+$0xB0]  }
0x110: {  	s18 =	sadd.s32 $0x100, s26;
	v5 =	vld [tilespmem:s10+$0x0]  }
0x111: {  	v6 =	vld [tilespmem:s18+$0x80]  }
0x112: {  	v2 =	vadd.f32 v3, v2;
	_ =	sdelay $0x1  }
0x113: {  	v3 =	vld [tilespmem:s18+$0x0];
	v2 =	vmax.f32 v2, $0.0e+00;
	v1 =	vadd.f32 v4, v1  }
0x114: {  	[tilespmem:s5+$0xFFFFFFA0] =	vst v2;
	v2 =	vld [tilespmem:s10+$0xFFFFFF80]  }
0x115: {  	v5 =	vadd.f32 v6, v5;
	v4 =	vld [tilespmem:s15+$0xFFFFFFB0];
	v1 =	vmax.f32 v1, $0.0e+00  }
0x116: {  	v6 =	vld [tilespmem:s26+$0x30];
	[tilespmem:s5+$0x30] =	vst v1  }
0x117: {  	s9 =	sadd.s32 $0x100, s5;
	v1 =	vmax.f32 v5, $0.0e+00;
	v5 =	vld [tilespmem:s15+$0x40]  }
0x118: {  	[tilespmem:s9+$0x0] =	vst v1;
	v1 =	vld [tilespmem:s26+$0xC0]  }
0x119: {  	v2 =	vadd.f32 v3, v2;
	v3 =	vld [tilespmem:s10+$0x10]  }
0x11a: {  	v7 =	vld [tilespmem:s18+$0x90]  }
0x11b: {  	v4 =	vadd.f32 v6, v4;
	v2 =	vmax.f32 v2, $0.0e+00  }
0x11c: {  	[tilespmem:s9+$0xFFFFFF80] =	vst v2  }
0x11d: {  	v4 =	vmax.f32 v4, $0.0e+00;
	v2 =	vld [tilespmem:s10+$0xFFFFFF90];
	v1 =	vadd.f32 v1, v5  }
0x11e: {  	[tilespmem:s5+$0xFFFFFFB0] =	vst v4;
	v5 =	vld [tilespmem:s18+$0x10]  }
0x11f: {  	v4 =	vld [tilespmem:s15+$0xFFFFFFC0];
	v3 =	vadd.f32 v7, v3;
	v1 =	vmax.f32 v1, $0.0e+00  }
0x120: {  	v6 =	vld [tilespmem:s26+$0x40];
	[tilespmem:s5+$0x40] =	vst v1  }
0x121: {  	v1 =	vmax.f32 v3, $0.0e+00;
	v3 =	vld [tilespmem:s15+$0x50]  }
0x122: {  	[tilespmem:s9+$0x10] =	vst v1;
	v1 =	vld [tilespmem:s26+$0xD0]  }
0x123: {  	v2 =	vadd.f32 v5, v2;
	v5 =	vld [tilespmem:s10+$0x20]  }
0x124: {  	v7 =	vld [tilespmem:s18+$0xA0];
	_ =	sdelay $0x1  }
0x125: {  	s13 =	sadd.s32 $0x100, s18;
	v4 =	vadd.f32 v6, v4;
	v2 =	vmax.f32 v2, $0.0e+00  }
0x126: {  	v9 =	vld [tilespmem:s13+$0x80];
	[tilespmem:s9+$0xFFFFFF90] =	vst v2;
	v1 =	vadd.f32 v1, v3  }
0x127: {  	v4 =	vmax.f32 v4, $0.0e+00;
	v2 =	vld [tilespmem:s10+$0xFFFFFFA0]  }
0x128: {  	[tilespmem:s5+$0xFFFFFFC0] =	vst v4;
	v3 =	vld [tilespmem:s18+$0x20];
	v5 =	vadd.f32 v7, v5;
	v1 =	vmax.f32 v1, $0.0e+00  }
0x129: {  	v4 =	vld [tilespmem:s15+$0xFFFFFFD0];
	[tilespmem:s5+$0x50] =	vst v1  }
0x12a: {  	v1 =	vmax.f32 v5, $0.0e+00;
	v5 =	vld [tilespmem:s15+$0x60]  }
0x12b: {  	[tilespmem:s9+$0x20] =	vst v1;
	v1 =	vld [tilespmem:s26+$0xE0]  }
0x12c: {  	v7 =	vld [tilespmem:s10+$0x30]  }
0x12d: {  	v8 =	vld [tilespmem:s18+$0xB0];
	v2 =	vadd.f32 v3, v2  }
0x12e: {  	s11 =	sadd.s32 $0x100, s10;
	v6 =	vld [tilespmem:s26+$0x50]  }
0x12f: {  	v3 =	vld [tilespmem:s11+$0x0];
	v2 =	vmax.f32 v2, $0.0e+00  }
0x130: {  	[tilespmem:s9+$0xFFFFFFA0] =	vst v2;
	v2 =	vld [tilespmem:s11+$0xFFFFFF80];
	v1 =	vadd.f32 v1, v5  }
0x131: {  	v5 =	vld [tilespmem:s13+$0x0]  }
0x132: {  	v7 =	vadd.f32 v8, v7;
	v8 =	vld [tilespmem:s10+$0xFFFFFFB0];
	v1 =	vmax.f32 v1, $0.0e+00  }
0x133: {  	[tilespmem:s5+$0x60] =	vst v1;
	v1 =	vld [tilespmem:s18+$0x30]  }
0x134: {  	v3 =	vadd.f32 v9, v3;
	v7 =	vmax.f32 v7, $0.0e+00;
	v63 =	vld [tilespmem:s15+$0x70]  }
0x135: {  	[tilespmem:s9+$0x30] =	vst v7;
	v7 =	vld [tilespmem:s26+$0xF0]  }
0x136: {  	s12 =	sadd.s32 $0x100, s9;
	v3 =	vmax.f32 v3, $0.0e+00;
	v2 =	vadd.f32 v5, v2;
	v5 =	vld [tilespmem:s10+$0x40]  }
0x137: {  	[tilespmem:s12+$0x0] =	vst v3;
	v3 =	vld [tilespmem:s18+$0xC0]  }
0x138: {  	v2 =	vmax.f32 v2, $0.0e+00;
	v1 =	vadd.f32 v1, v8;
	v8 =	vld [tilespmem:s11+$0x10]  }
0x139: {  	[tilespmem:s12+$0xFFFFFF80] =	vst v2;
	v2 =	vld [tilespmem:s13+$0x90]  }
0x13a: {  	v4 =	vadd.f32 v6, v4;
	v6 =	vld [tilespmem:s11+$0xFFFFFF90];
	v1 =	vmax.f32 v1, $0.0e+00  }
0x13b: {  	[tilespmem:s9+$0xFFFFFFB0] =	vst v1;
	v1 =	vld [tilespmem:s13+$0x10]  }
0x13c: {  	v4 =	vmax.f32 v4, $0.0e+00;
	v3 =	vadd.f32 v3, v5;
	v5 =	vld [tilespmem:s10+$0xFFFFFFC0]  }
0x13d: {  	[tilespmem:s5+$0xFFFFFFD0] =	vst v4;
	v4 =	vld [tilespmem:s18+$0x40]  }
0x13e: {  	v3 =	vmax.f32 v3, $0.0e+00;
	v2 =	vadd.f32 v2, v8;
	v8 =	vld [tilespmem:s15+$0xFFFFFFE0]  }
0x13f: {  	[tilespmem:s9+$0x40] =	vst v3;
	v3 =	vld [tilespmem:s26+$0x60]  }
0x140: {  	v2 =	vmax.f32 v2, $0.0e+00;
	v1 =	vadd.f32 v1, v6;
	v6 =	vld [tilespmem:s10+$0x50]  }
0x141: {  	[tilespmem:s12+$0x10] =	vst v2;
	v2 =	vld [tilespmem:s18+$0xD0]  }
0x142: {  	v4 =	vadd.f32 v4, v5;
	v5 =	vld [tilespmem:s11+$0x20];
	v1 =	vmax.f32 v1, $0.0e+00  }
0x143: {  	[tilespmem:s12+$0xFFFFFF90] =	vst v1;
	v1 =	vld [tilespmem:s13+$0xA0]  }
0x144: {  	v3 =	vadd.f32 v3, v8;
	v4 =	vmax.f32 v4, $0.0e+00;
	v8 =	vld [tilespmem:s11+$0xFFFFFFA0]  }
0x145: {  	[tilespmem:s9+$0xFFFFFFC0] =	vst v4;
	v4 =	vld [tilespmem:s13+$0x20]  }
0x146: {  	v3 =	vmax.f32 v3, $0.0e+00;
	v2 =	vadd.f32 v2, v6;
	v10 =	vld [tilespmem:s10+$0xFFFFFFD0]  }
0x147: {  	[tilespmem:s5+$0xFFFFFFE0] =	vst v3;
	v11 =	vld [tilespmem:s18+$0x50]  }
0x148: {  	v2 =	vmax.f32 v2, $0.0e+00;
	v3 =	vadd.f32 v1, v5;
	v1 =	vld [tilespmem:s15+$0xFFFFFFF0]  }
0x149: {  	v5 =	vadd.f32 v7, v63;
	[tilespmem:s9+$0x50] =	vst v2;
	v2 =	vld [tilespmem:s26+$0x70]  }
0x14a: {  	v6 =	vadd.f32 v4, v8;
	v4 =	vmax.f32 v3, $0.0e+00;
	v3 =	vld [tilespmem:s10+$0x60]  }
0x14b: {  	v5 =	vmax.f32 v5, $0.0e+00;
	[tilespmem:s12+$0x20] =	vst v4;
	v4 =	vld [tilespmem:s18+$0xE0]  }
0x14c: {  	s28 =	sadd.s32 $0x100, s11;
	[tilespmem:s5+$0x70] =	vst v5;
	v7 =	vmax.f32 v6, $0.0e+00;
	v5 =	vadd.f32 v11, v10;
	v6 =	vld [tilespmem:s11+$0x30]  }
0x14d: {  	s14 =	sadd.s32 $0x9400, s14;
	s26 =	simm.s32 $0x4;
	s15 =	smov.u32 s13;
	[tilespmem:s12+$0xFFFFFFA0] =	vst v7;
	v7 =	vld [tilespmem:s13+$0xB0]  }
.LBB2_11:
0x14e: {  	v8 =	vld [tilespmem:s28+$0x0];
	s13 =	sadd.s32 $0x100, s13;
	v5 =	vmax.f32 v5, $0.0e+00;
	v1 =	vadd.f32 v2, v1  }
0x14f: {  	v2 =	vld [tilespmem:s13+$0x80];
	[tilespmem:s9+$0xFFFFFFD0] =	vst v5  }
0x150: {  	v5 =	vld [tilespmem:s13+$0x0];
	v3 =	vadd.f32 v4, v3;
	v1 =	vmax.f32 v1, $0.0e+00  }
0x151: {  	v4 =	vld [tilespmem:s28+$0xFFFFFF80];
	[tilespmem:s5+$0xFFFFFFF0] =	vst v1;
	s5 =	smov.u32 s9;
	s9 =	smov.u32 s12  }
0x152: {  	v1 =	vld [tilespmem:s11+$0xFFFFFFB0];
	v6 =	vadd.f32 v7, v6;
	v3 =	vmax.f32 v3, $0.0e+00  }
0x153: {  	v7 =	vld [tilespmem:s15+$0x30];
	[tilespmem:s5+$0x60] =	vst v3  }
0x154: {  	v2 =	vadd.f32 v2, v8;
	v3 =	vmax.f32 v6, $0.0e+00;
	v6 =	vld [tilespmem:s10+$0x70]  }
0x155: {  	[tilespmem:s12+$0x30] =	vst v3;
	v3 =	vld [tilespmem:s18+$0xF0]  }
0x156: {  	s26 =	sadd.s32 $0x2, s26;
	s12 =	sadd.s32 $0x100, s12;
	v4 =	vadd.f32 v5, v4;
	v2 =	vmax.f32 v2, $0.0e+00;
	v5 =	vld [tilespmem:s11+$0x40]  }
0x157: {  	p1 =	slt.u32 s26, $0x26;
	[tilespmem:s12+$0x0] =	vst v2;
	v2 =	vld [tilespmem:s15+$0xC0]  }
0x158: {  	v4 =	vmax.f32 v4, $0.0e+00;
	v8 =	vld [tilespmem:s28+$0x10];
	v1 =	vadd.f32 v7, v1  }
0x159: {  	[tilespmem:s12+$0xFFFFFF80] =	vst v4;
	v4 =	vld [tilespmem:s13+$0x90]  }
0x15a: {  	v7 =	vld [tilespmem:s28+$0xFFFFFF90];
	v1 =	vmax.f32 v1, $0.0e+00;
	v3 =	vadd.f32 v3, v6  }
0x15b: {  	v6 =	vld [tilespmem:s13+$0x10];
	[tilespmem:s9+$0xFFFFFFB0] =	vst v1  }
0x15c: {  	v1 =	vld [tilespmem:s11+$0xFFFFFFC0];
	v2 =	vadd.f32 v2, v5;
	v3 =	vmax.f32 v3, $0.0e+00  }
0x15d: {  	v5 =	vld [tilespmem:s15+$0x40];
	[tilespmem:s5+$0x70] =	vst v3  }
0x15e: {  	v3 =	vadd.f32 v4, v8;
	v2 =	vmax.f32 v2, $0.0e+00;
	v4 =	vld [tilespmem:s10+$0xFFFFFFE0]  }
0x15f: {  	[tilespmem:s9+$0x40] =	vst v2;
	v2 =	vld [tilespmem:s18+$0x60]  }
0x160: {  	v6 =	vadd.f32 v6, v7;
	v3 =	vmax.f32 v3, $0.0e+00;
	v7 =	vld [tilespmem:s11+$0x50]  }
0x161: {  	[tilespmem:s12+$0x10] =	vst v3;
	v3 =	vld [tilespmem:s15+$0xD0]  }
0x162: {  	v6 =	vmax.f32 v6, $0.0e+00;
	v8 =	vld [tilespmem:s28+$0x20];
	v1 =	vadd.f32 v5, v1  }
0x163: {  	[tilespmem:s12+$0xFFFFFF90] =	vst v6;
	v5 =	vld [tilespmem:s13+$0xA0]  }
0x164: {  	v6 =	vld [tilespmem:s28+$0xFFFFFFA0];
	v1 =	vmax.f32 v1, $0.0e+00;
	v2 =	vadd.f32 v2, v4  }
0x165: {  	v4 =	vld [tilespmem:s13+$0x20];
	[tilespmem:s9+$0xFFFFFFC0] =	vst v1  }
0x166: {  	v9 =	vld [tilespmem:s11+$0xFFFFFFD0];
	v1 =	vadd.f32 v3, v7;
	v2 =	vmax.f32 v2, $0.0e+00  }
0x167: {  	v7 =	vld [tilespmem:s15+$0x50];
	[tilespmem:s5+$0xFFFFFFE0] =	vst v2  }
0x168: {  	v3 =	vadd.f32 v5, v8;
	v2 =	vmax.f32 v1, $0.0e+00;
	v1 =	vld [tilespmem:s10+$0xFFFFFFF0];
	s10 =	smov.u32 s11;
	s11 =	smov.u32 s28  }
.Ltmp6:
0x169: {  	[tilespmem:s9+$0x50] =	vst v2;
	v2 =	vld [tilespmem:s18+$0x70];
	s18 =	smov.u32 s15;
	s15 =	smov.u32 s13;
	(pc) =	sbr.rel @p1 .LBB2_11-.Ltmp6, $4  }
0x16a: {  	v5 =	vadd.f32 v4, v6;
	v4 =	vmax.f32 v3, $0.0e+00;
	v3 =	vld [tilespmem:s10+$0x60]  }
0x16b: {  	[tilespmem:s12+$0x20] =	vst v4;
	v4 =	vld [tilespmem:s18+$0xE0]  }
0x16c: {  	v8 =	vmax.f32 v5, $0.0e+00;
	v6 =	vld [tilespmem:s28+$0x30];
	v5 =	vadd.f32 v7, v9  }
0x16d: {  	s28 =	sadd.s32 $0x100, s28;
	[tilespmem:s12+$0xFFFFFFA0] =	vst v8;
	v7 =	vld [tilespmem:s13+$0xB0]  }
0x16e: {  	v8 =	vld [tilespmem:s11+$0xFFFFFFB0]  }
0x16f: {  	v9 =	vld [tilespmem:s15+$0x30];
	_ =	sdelay $0x2  }
0x170: {  	v6 =	vadd.f32 v7, v6;
	_ =	sdelay $0x1  }
0x171: {  	v53 =	vadd.f32 v9, v8;
	v6 =	vmax.f32 v6, $0.0e+00  }
0x172: {  	[tilespmem:s12+$0x30] =	vst v6  }
0x173: {  	v7 =	vmax.f32 v53, $0.0e+00;
	v6 =	vld [tilespmem:s11+$0x40]  }
0x174: {  	v54 =	vld [tilespmem:s15+$0xC0];
	[tilespmem:s12+$0xFFFFFFB0] =	vst v7  }
0x175: {  	v7 =	vld [tilespmem:s11+$0xFFFFFFC0]  }
0x176: {  	v55 =	vld [tilespmem:s15+$0x40];
	_ =	sdelay $0x2  }
0x177: {  	v6 =	vadd.f32 v54, v6;
	_ =	sdelay $0x1  }
0x178: {  	v7 =	vadd.f32 v55, v7;
	v6 =	vmax.f32 v6, $0.0e+00  }
0x179: {  	[tilespmem:s12+$0x40] =	vst v6  }
0x17a: {  	v7 =	vmax.f32 v7, $0.0e+00;
	v6 =	vld [tilespmem:s11+$0x50]  }
0x17b: {  	v56 =	vld [tilespmem:s15+$0xD0];
	[tilespmem:s12+$0xFFFFFFC0] =	vst v7  }
0x17c: {  	v7 =	vld [tilespmem:s11+$0xFFFFFFD0]  }
0x17d: {  	v57 =	vld [tilespmem:s15+$0x50];
	_ =	sdelay $0x2  }
0x17e: {  	v5 =	vmax.f32 v5, $0.0e+00;
	v6 =	vadd.f32 v56, v6  }
0x17f: {  	[tilespmem:s9+$0xFFFFFFD0] =	vst v5  }
0x180: {  	v5 =	vld [tilespmem:s10+$0xFFFFFFE0];
	v7 =	vadd.f32 v57, v7;
	v6 =	vmax.f32 v6, $0.0e+00  }
0x181: {  	v58 =	vld [tilespmem:s18+$0x60];
	[tilespmem:s12+$0x50] =	vst v6  }
0x182: {  	v7 =	vmax.f32 v7, $0.0e+00;
	v6 =	vld [tilespmem:s11+$0x60]  }
0x183: {  	v59 =	vld [tilespmem:s15+$0xE0];
	[tilespmem:s12+$0xFFFFFFD0] =	vst v7  }
0x184: {  	v3 =	vadd.f32 v4, v3;
	v60 =	vld [tilespmem:s11+$0xFFFFFFE0]  }
0x185: {  	v7 =	vld [tilespmem:s15+$0x60]  }
0x186: {  	v3 =	vmax.f32 v3, $0.0e+00;
	v5 =	vadd.f32 v58, v5  }
0x187: {  	[tilespmem:s9+$0x60] =	vst v3  }
0x188: {  	v3 =	vld [tilespmem:s10+$0x70];
	v5 =	vmax.f32 v5, $0.0e+00;
	v6 =	vadd.f32 v59, v6  }
0x189: {  	v61 =	vld [tilespmem:s18+$0xF0];
	[tilespmem:s9+$0xFFFFFFE0] =	vst v5  }
0x18a: {  	v5 =	vld [tilespmem:s10+$0xFFFFFFF0];
	v4 =	vadd.f32 v7, v60;
	v6 =	vmax.f32 v6, $0.0e+00  }
0x18b: {  	v62 =	vld [tilespmem:s18+$0x70];
	[tilespmem:s12+$0x60] =	vst v6  }
0x18c: {  	v4 =	vmax.f32 v4, $0.0e+00;
	v6 =	vld [tilespmem:s11+$0x70]  }
0x18d: {  	v63 =	vld [tilespmem:s15+$0xF0];
	[tilespmem:s12+$0xFFFFFFE0] =	vst v4  }
0x18e: {  	v4 =	vld [tilespmem:s11+$0xFFFFFFF0]  }
0x18f: {  	v10 =	vld [tilespmem:s15+$0x70]  }
0x190: {  	v1 =	vadd.f32 v2, v1  }
0x191: {  	v2 =	vadd.f32 v61, v3  }
0x192: {  	s26 =	sshll.u32 s0, $0x7;
	s0 =	sadd.s32 $0x1, s0;
	v1 =	vmax.f32 v1, $0.0e+00;
	v3 =	vadd.f32 v62, v5  }
0x193: {  	p1 =	sne.s32 s0, $0xFA;
	[tilespmem:s5+$0xFFFFFFF0] =	vst v1;
	v1 =	vmax.f32 v2, $0.0e+00;
	v2 =	vadd.f32 v63, v6  }
.Ltmp7:
0x194: {  	[tilespmem:s9+$0x70] =	vst v1;
	v1 =	vmax.f32 v3, $0.0e+00;
	v3 =	vadd.f32 v10, v4;
	(pc) =	sbr.rel @p1 .LBB2_4-.Ltmp7, $4  }
.Ltmp8:
0x195: {  	[tilespmem:s9+$0xFFFFFFF0] =	vst v1;
	v1 =	vmax.f32 v2, $0.0e+00;
	(pc) =	sbr.rel @!p1 .LBB2_13-.Ltmp8, $4  }
0x196: {  	s28 =	sadd.s32 $0x10, s17;
	s5 =	sand.u32 $0x380, s26;
	[tilespmem:s12+$0x70] =	vst v1;
	v1 =	vmax.f32 v3, $0.0e+00  }
0x197: {  	s30 =	sadd.s32 $0x1, s30;
	s31 =	sadd.s32 $0x1400, s31;
	s5 =	sor.u32 $0x400, s5;
	[tilespmem:s12+$0xFFFFFFF0] =	vst v1  }
0x198: {  	[spmem:s4] =	stream.indirect.scatter.add.f32 [tilespmem:s14], [sflag:s28], $0x80, s5, s20, $0xb8;
	[tilespmem:$0x1F480] =	vst v63  }
0x199: {  	_ = 	snop  }
.LBB2_8:
0x19a: {  	p1 =	sne.s32 s0, $0xF7  }
.Ltmp9:
0x19b: {  	_ = 	snop;
	(pc) =	sbr.rel @p1 .LBB2_10-.Ltmp9, $4  }
.Ltmp10:
0x19c: {  	_ = 	snop;
	(pc) =	sbr.rel @!p1 .LBB2_9-.Ltmp10, $4  }
0x19d: {  	_ = 	snop  }
0x19e: {  	_ = 	snop  }
0x19f: {  	_ = 	snop  }
0x1a0: {  	_ = 	snop  }
.LBB2_14:
0x1a1: {  	_ =	sfence.sel $0x180000  }
0x1a2: {  	[bflag:$0x0] =	sbarrier.arrive $0xFFFF  }
0x1a3: {  	_ =	strace $0x90000047  }
0x1a4: {  	s0 =	stileid.u32;
	[bflag:$0x2] =	sbarrier.arrive $0xFFFF  }
0x1a5: {  	p0 =	sne.s32 s0, $0x0;
	s0 =	rddreg [dreg:$0x5]  }
0x1a6: {  	s0 =	sadd.s32 @!p0 $0x100000, s0  }
0x1a7: {  	[sflag:s0] =	ssyncadd.tile.s32 @!p0 $0x1;
	_ =	shalt  }
.Lfunc_end2:
_tile_overlayer_lowered:
.L_overlay_start_2:
0x1a8: {  	(tag) =	ssettag $0x2  }
0x1a9: {  	s0 =	rddreg [dreg:$0x0];
	s2 =	stileid.u32  }
0x1aa: {  	s1 =	rddreg [dreg:$0x1];
	p0 =	sne.s32 s2, $0x0  }
0x1ab: {  	s3 =	rddreg [dreg:$0x2];
	[bflag:$0x3] =	sbarrier.arrive $0xFFFF;
	s2 =	simm.s32 @!p0 $0x1C12  }
0x1ac: {  	[timem:s3], [sflag:s2] =	dma.local @!p0 [hbm:s0], s1  }
0x1ad: {  	s0 =	simm.s32 @!p0 $0x12  }
0x1ae: {  	_ =	swait.ge @!p0 [sflag:s0], s1  }
0x1af: {  	s1 =	ssub.s32 @!p0 $0x0, s1;
	[sflag:s0] =	ssyncset.done @!p0 $0x0  }
0x1b0: {  	[sflag:s0] =	ssyncadd.s32 @!p0 s1  }
0x1b1: {  	[bflag:$0x3] =	sbarrier.arrive $0xFFFF  }
0x1b2: {  	_ =	shalt  }

</sc_bundles>
